<compile_context>
chip_gen: v7x
topology: tpu7x:2x2x1
jax: 0.10.2.dev20260603
libtpu: 0.0.44.dev20260713+nightly
codegen_flags: <defaults>
</compile_context>

<pallas_src>
import functools

import jax
import jax.numpy as jnp
from jax import lax
from jax.experimental import pallas as pl
from jax.experimental.pallas import tpu as pltpu
from jax.experimental.pallas import tpu_sc as plsc

N = 10000
E = 320000
D = 128
LAYERS = 5

NC = 2
NS = 16
NW = NC * NS

N_P = 10240
TRASH = N

CHUNK = 128
K = 80
E_P = NW * K * CHUNK

CL = 16

ROWS_PW = N_P // NS

XCHUNK = 80
XK = 4

_MESH = plsc.VectorSubcoreMesh(core_axis_name="c", subcore_axis_name="s")


@functools.partial(
    pl.kernel,
    out_type=jax.ShapeDtypeStruct((N_P, D), jnp.float32),
    mesh=_MESH,
    scratch_types=[
        pltpu.VMEM((XK, XCHUNK), jnp.int32),
        pltpu.VMEM((XCHUNK, D), jnp.float32),
        pltpu.SemaphoreType.DMA,
    ],
)
def _emb_gather(emb_hbm, xp_hbm, out_hbm, idx_v, rows_v, sem):
    c = lax.axis_index("c")
    s = lax.axis_index("s")
    wid = s * NC + c
    pltpu.sync_copy(xp_hbm.at[wid], idx_v)
    base = wid * (XK * XCHUNK)

    def body(j, carry):
        pltpu.async_copy(emb_hbm.at[idx_v.at[j]], rows_v, sem).wait()
        pltpu.sync_copy(rows_v, out_hbm.at[pl.ds(base + j * XCHUNK, XCHUNK)])
        return carry

    lax.fori_loop(0, XK, body, 0)


@functools.partial(
    pl.kernel,
    out_type=jax.ShapeDtypeStruct((NC, N_P, D), jnp.float32),
    mesh=_MESH,
    scratch_types=[
        pltpu.VMEM((K, CHUNK), jnp.int32),
        pltpu.VMEM((K, CHUNK), jnp.int32),
        pltpu.VMEM((CHUNK, D), jnp.float32),
        pltpu.VMEM_SHARED((N_P, D), jnp.float32),
        pltpu.SemaphoreType.DMA,
    ],
)
def _agg_only(h_hbm, srcp_hbm, dstp_hbm, z_hbm, out_agg,
              src_v, dst_v, buf, agg_sh, sem):
    c = lax.axis_index("c")
    s = lax.axis_index("s")
    wid = s * NC + c

    pltpu.sync_copy(srcp_hbm.at[wid], src_v)
    pltpu.sync_copy(dstp_hbm.at[wid], dst_v)

    pltpu.sync_copy(z_hbm, agg_sh.at[pl.ds(s * ROWS_PW, ROWS_PW)])
    plsc.subcore_barrier()

    def body(j, carry):
        pltpu.async_copy(h_hbm.at[src_v.at[j]], buf, sem).wait()
        pltpu.sync_copy(buf, agg_sh.at[dst_v.at[j]], add=True)
        return carry

    lax.fori_loop(0, K, body, 0)
    plsc.subcore_barrier()

    pltpu.sync_copy(agg_sh.at[pl.ds(s * ROWS_PW, ROWS_PW)],
                    out_agg.at[c, pl.ds(s * ROWS_PW, ROWS_PW)])


@functools.partial(
    pl.kernel,
    out_type=jax.ShapeDtypeStruct((NC, N_P, D), jnp.float32),
    mesh=_MESH,
    scratch_types=[
        pltpu.VMEM((K, CHUNK), jnp.int32),
        pltpu.VMEM((CHUNK, D), jnp.float32),
        pltpu.VMEM_SHARED((N_P, D), jnp.float32),
    ],
)
def _deg_count(dstp_hbm, zc_hbm, ones_hbm, out_cnt, dst_v, ones_v, cnt_sh):
    c = lax.axis_index("c")
    s = lax.axis_index("s")
    wid = s * NC + c
    pltpu.sync_copy(dstp_hbm.at[wid], dst_v)
    pltpu.sync_copy(ones_hbm, ones_v)
    pltpu.sync_copy(zc_hbm, cnt_sh.at[pl.ds(s * ROWS_PW, ROWS_PW)])
    plsc.subcore_barrier()

    def body(j, carry):
        pltpu.sync_copy(ones_v, cnt_sh.at[dst_v.at[j]], add=True)
        return carry

    lax.fori_loop(0, K, body, 0)
    plsc.subcore_barrier()
    pltpu.sync_copy(cnt_sh.at[pl.ds(s * ROWS_PW, ROWS_PW)],
                    out_cnt.at[c, pl.ds(s * ROWS_PW, ROWS_PW)])


def _tc_body(agg0, agg1, cnt0, cnt1, h, wl, wr, bb, out):
    cnt = cnt0[:, 0:1] + cnt1[:, 0:1]
    inv = 1.0 / jnp.maximum(cnt, 1.0)
    mean = (agg0[...] + agg1[...]) * inv
    acc = jnp.dot(mean, wl[...], preferred_element_type=jnp.float32)
    acc = acc + jnp.dot(h[...], wr[...], preferred_element_type=jnp.float32)
    out[...] = jnp.maximum(acc + bb[...], 0.0)


_BM = 512


def _tc_layer(agg0, agg1, cnt0, cnt1, h, wl, wr, bb):
    grid = (N_P // _BM,)
    row = lambda i: (i, 0)
    fixed = lambda i: (0, 0)
    return pl.pallas_call(
        _tc_body,
        grid=grid,
        in_specs=[
            pl.BlockSpec((_BM, D), row),
            pl.BlockSpec((_BM, D), row),
            pl.BlockSpec((_BM, D), row),
            pl.BlockSpec((_BM, D), row),
            pl.BlockSpec((_BM, D), row),
            pl.BlockSpec((D, D), fixed),
            pl.BlockSpec((D, D), fixed),
            pl.BlockSpec((1, D), fixed),
        ],
        out_specs=pl.BlockSpec((_BM, D), row),
        out_shape=jax.ShapeDtypeStruct((N_P, D), jnp.float32),
    )(agg0, agg1, cnt0, cnt1, h, wl, wr, bb)


def kernel(x, edges, emb, Wl, Wr, b):
    src = edges[0].astype(jnp.int32)
    dst = edges[1].astype(jnp.int32)
    srcp = jnp.concatenate(
        [src, jnp.zeros((E_P - E,), jnp.int32)]).reshape(NW, K, CHUNK)
    dstp = jnp.concatenate(
        [dst, jnp.full((E_P - E,), TRASH, jnp.int32)]).reshape(NW, K, CHUNK)
    xp = jnp.concatenate(
        [x.astype(jnp.int32), jnp.zeros((N_P - N,), jnp.int32)]
    ).reshape(NW, XK, XCHUNK)

    z = jnp.zeros((ROWS_PW, D), jnp.float32)
    ones = jnp.ones((CHUNK, D), jnp.float32)
    bb = b.reshape(LAYERS, 1, D)

    h = _emb_gather(emb, xp)
    cnt = _deg_count(dstp, z, ones)
    cnt0, cnt1 = cnt[0], cnt[1]
    for i in range(LAYERS):
        agg = _agg_only(h, srcp, dstp, z)
        h = _tc_layer(agg[0], agg[1], cnt0, cnt1, h, Wl[i], Wr[i], bb[i])
    return h[:N]

# --- scband reference (transcript-rebuilt; emitter-appended) ---
"""Pipeline reference for scband-level2-gnn-83494164234416 (READ-ONLY COPY).

The authoritative reference and input builder live on the scoring server;
editing this copy changes nothing except your own understanding.
"""

import jax, jax.numpy as jnp
import numpy as np

N_NODES = 10000
N_EDGES = 320000
D = 128
VOCAB = 10001  # maxNode + 1
N_LAYERS = 5


def setup_inputs(seed: int = 0) -> dict:
    key = jax.random.key(seed)
    ks = jax.random.split(key, 6)
    x = jax.random.randint(ks[0], (N_NODES,), 0, VOCAB)
    edges = jax.random.randint(ks[1], (2, N_EDGES), 0, N_NODES)
    # learned params: embedding table (uniform 0.001..0.3 per module init) and 5 SAGEConv layers
    emb = jax.random.uniform(ks[2], (VOCAB, D), dtype=jnp.float32, minval=0.001, maxval=0.3)
    scale = 1.0 / np.sqrt(D)
    Wl = jax.random.uniform(ks[3], (N_LAYERS, D, D), dtype=jnp.float32, minval=-scale, maxval=scale)
    Wr = jax.random.uniform(ks[4], (N_LAYERS, D, D), dtype=jnp.float32, minval=-scale, maxval=scale)
    b = jax.random.uniform(ks[5], (N_LAYERS, D), dtype=jnp.float32, minval=-scale, maxval=scale)
    return {"x": x, "edges": edges, "emb": emb, "Wl": Wl, "Wr": Wr, "b": b}


def _sage_layer(h, src, dst, Wl_i, Wr_i, b_i):
    # SAGEConv with mean aggregation: out = mean_{j in N(i)} h_j @ Wl + h_i @ Wr + b
    msgs = h[src]  # gather [E, D]
    agg = jax.ops.segment_sum(msgs, dst, num_segments=N_NODES)
    cnt = jax.ops.segment_sum(jnp.ones((src.shape[0], 1), h.dtype), dst, num_segments=N_NODES)
    mean = agg / jnp.maximum(cnt, 1.0)
    return mean @ Wl_i + h @ Wr_i + b_i


def reference(x, edges, emb, Wl, Wr, b):
    src, dst = edges[0], edges[1]
    h = emb[x]  # embedding lookup [N, D]
    h = jnp.squeeze(h)
    for i in range(N_LAYERS):
        h = _sage_layer(h, src, dst, Wl[i], Wr[i], b[i])
        h = jax.nn.relu(h)
    return h

if __name__ == "__main__":
    import jax
    _d = setup_inputs()
    print(jax.jit(kernel)(*tuple(_d.values())))

</pallas_src>

<mosaic_0001>
#map = affine_map<(d0, d1) -> (0, 0)>
#map1 = affine_map<(d0, d1) -> (0, 0, 0)>
module attributes {stable_mosaic.version = 14 : i64} {
  func.func @_agg_only(%arg0: i32, %arg1: i32, %arg2: memref<10240x128xf32, #tpu.memory_space<hbm>>, %arg3: memref<32x80x128xi32, #tpu.memory_space<hbm>>, %arg4: memref<32x80x128xi32, #tpu.memory_space<hbm>>, %arg5: memref<640x128xf32, #tpu.memory_space<hbm>>, %arg6: memref<2x10240x128xf32, #tpu.memory_space<hbm>>, %arg7: memref<80x128xi32, #tpu.memory_space<vmem>>, %arg8: memref<80x128xi32, #tpu.memory_space<vmem>>, %arg9: memref<128x128xf32, #tpu.memory_space<vmem>>, %arg10: memref<10240x128xf32, #tpu.memory_space<vmem_shared>>, %arg11: memref<!tpu.dma_semaphore, #tpu.memory_space<semaphore_mem>>) attributes {dimension_semantics = [#tpu.dimension_semantics<core_parallel>, #tpu.dimension_semantics<subcore_parallel>], iteration_bounds = array<i64: 2, 16>, scalar_prefetch = 0 : i64, scratch_operands = 5 : i64, tpu.core_type = #tpu.core_type<sc_vector_subcore>, window_params = [{transform_indices = #map}, {transform_indices = #map1}, {transform_indices = #map1}, {transform_indices = #map}, {transform_indices = #map1}]} {
    %mul3A = arith.constant 2 : i32
    %mul3A_0 = arith.muli %arg1, %mul3A : i32
    %add3A = arith.addi %mul3A_0, %arg0 : i32
    "tpu.region"() ({
      %run_scoped3A = tpu.sem_alloc : memref<!tpu.dma_semaphore, #tpu.memory_space<semaphore_mem>>
      %dma_start3A = arith.constant 0 : i32
      %dma_start3A_13 = arith.constant 0 : i32
      %dma_start3A_14 = tpu.memref_slice %arg3[%add3A, %dma_start3A, %dma_start3A_13] : memref<32x80x128xi32, #tpu.memory_space<hbm>> -> memref<1x80x128xi32, #tpu.memory_space<hbm>>
      %dma_start3A_15 = tpu.memref_squeeze %dma_start3A_14 : memref<1x80x128xi32, #tpu.memory_space<hbm>> -> memref<80x128xi32, #tpu.memory_space<hbm>>
      %dma_start3A_16 = arith.constant 0 : i32
      %dma_start3A_17 = arith.constant 0 : i32
      %dma_start3A_18 = tpu.memref_slice %arg3[%add3A, %dma_start3A_16, %dma_start3A_17] : memref<32x80x128xi32, #tpu.memory_space<hbm>> -> memref<1x80x128xi32, #tpu.memory_space<hbm>>
      %dma_start3A_19 = tpu.memref_squeeze %dma_start3A_18 : memref<1x80x128xi32, #tpu.memory_space<hbm>> -> memref<80x128xi32, #tpu.memory_space<hbm>>
      tpu.enqueue_dma source(%dma_start3A_19 : memref<80x128xi32, #tpu.memory_space<hbm>>) target(%arg7 : memref<80x128xi32, #tpu.memory_space<vmem>>) target_semaphore(%run_scoped3A : memref<!tpu.dma_semaphore, #tpu.memory_space<semaphore_mem>>)
      %dma_wait3A = arith.constant 0 : i32
      %dma_wait3A_20 = arith.constant 0 : i32
      %dma_wait3A_21 = tpu.memref_slice %arg3[%add3A, %dma_wait3A, %dma_wait3A_20] : memref<32x80x128xi32, #tpu.memory_space<hbm>> -> memref<1x80x128xi32, #tpu.memory_space<hbm>>
      %dma_wait3A_22 = tpu.memref_squeeze %dma_wait3A_21 : memref<1x80x128xi32, #tpu.memory_space<hbm>> -> memref<80x128xi32, #tpu.memory_space<hbm>>
      %dma_wait3A_23 = arith.constant 0 : i32
      %dma_wait3A_24 = arith.constant 0 : i32
      %dma_wait3A_25 = tpu.memref_slice %arg3[%add3A, %dma_wait3A_23, %dma_wait3A_24] : memref<32x80x128xi32, #tpu.memory_space<hbm>> -> memref<1x80x128xi32, #tpu.memory_space<hbm>>
      %dma_wait3A_26 = tpu.memref_squeeze %dma_wait3A_25 : memref<1x80x128xi32, #tpu.memory_space<hbm>> -> memref<80x128xi32, #tpu.memory_space<hbm>>
      tpu.wait_dma2 semaphore(%run_scoped3A : memref<!tpu.dma_semaphore, #tpu.memory_space<semaphore_mem>>) src(%dma_wait3A_26 : memref<80x128xi32, #tpu.memory_space<hbm>>) dst(%arg7 : memref<80x128xi32, #tpu.memory_space<vmem>>)
      tpu.yield
    }) : () -> ()
    "tpu.region"() ({
      %run_scoped3A = tpu.sem_alloc : memref<!tpu.dma_semaphore, #tpu.memory_space<semaphore_mem>>
      %dma_start3A = arith.constant 0 : i32
      %dma_start3A_13 = arith.constant 0 : i32
      %dma_start3A_14 = tpu.memref_slice %arg4[%add3A, %dma_start3A, %dma_start3A_13] : memref<32x80x128xi32, #tpu.memory_space<hbm>> -> memref<1x80x128xi32, #tpu.memory_space<hbm>>
      %dma_start3A_15 = tpu.memref_squeeze %dma_start3A_14 : memref<1x80x128xi32, #tpu.memory_space<hbm>> -> memref<80x128xi32, #tpu.memory_space<hbm>>
      %dma_start3A_16 = arith.constant 0 : i32
      %dma_start3A_17 = arith.constant 0 : i32
      %dma_start3A_18 = tpu.memref_slice %arg4[%add3A, %dma_start3A_16, %dma_start3A_17] : memref<32x80x128xi32, #tpu.memory_space<hbm>> -> memref<1x80x128xi32, #tpu.memory_space<hbm>>
      %dma_start3A_19 = tpu.memref_squeeze %dma_start3A_18 : memref<1x80x128xi32, #tpu.memory_space<hbm>> -> memref<80x128xi32, #tpu.memory_space<hbm>>
      tpu.enqueue_dma source(%dma_start3A_19 : memref<80x128xi32, #tpu.memory_space<hbm>>) target(%arg8 : memref<80x128xi32, #tpu.memory_space<vmem>>) target_semaphore(%run_scoped3A : memref<!tpu.dma_semaphore, #tpu.memory_space<semaphore_mem>>)
      %dma_wait3A = arith.constant 0 : i32
      %dma_wait3A_20 = arith.constant 0 : i32
      %dma_wait3A_21 = tpu.memref_slice %arg4[%add3A, %dma_wait3A, %dma_wait3A_20] : memref<32x80x128xi32, #tpu.memory_space<hbm>> -> memref<1x80x128xi32, #tpu.memory_space<hbm>>
      %dma_wait3A_22 = tpu.memref_squeeze %dma_wait3A_21 : memref<1x80x128xi32, #tpu.memory_space<hbm>> -> memref<80x128xi32, #tpu.memory_space<hbm>>
      %dma_wait3A_23 = arith.constant 0 : i32
      %dma_wait3A_24 = arith.constant 0 : i32
      %dma_wait3A_25 = tpu.memref_slice %arg4[%add3A, %dma_wait3A_23, %dma_wait3A_24] : memref<32x80x128xi32, #tpu.memory_space<hbm>> -> memref<1x80x128xi32, #tpu.memory_space<hbm>>
      %dma_wait3A_26 = tpu.memref_squeeze %dma_wait3A_25 : memref<1x80x128xi32, #tpu.memory_space<hbm>> -> memref<80x128xi32, #tpu.memory_space<hbm>>
      tpu.wait_dma2 semaphore(%run_scoped3A : memref<!tpu.dma_semaphore, #tpu.memory_space<semaphore_mem>>) src(%dma_wait3A_26 : memref<80x128xi32, #tpu.memory_space<hbm>>) dst(%arg8 : memref<80x128xi32, #tpu.memory_space<vmem>>)
      tpu.yield
    }) : () -> ()
    %mul3A_1 = arith.constant 640 : i32
    %mul3A_2 = arith.muli %arg1, %mul3A_1 : i32
    "tpu.region"() ({
      %run_scoped3A = tpu.sem_alloc : memref<!tpu.dma_semaphore, #tpu.memory_space<semaphore_mem>>
      %dma_start3A = arith.constant 0 : i32
      %dma_start3A_13 = tpu.memref_slice %arg10[%mul3A_2, %dma_start3A] : memref<10240x128xf32, #tpu.memory_space<vmem_shared>> -> memref<640x128xf32, #tpu.memory_space<vmem_shared>>
      tpu.enqueue_dma source(%arg5 : memref<640x128xf32, #tpu.memory_space<hbm>>) target(%dma_start3A_13 : memref<640x128xf32, #tpu.memory_space<vmem_shared>>) target_semaphore(%run_scoped3A : memref<!tpu.dma_semaphore, #tpu.memory_space<semaphore_mem>>)
      %dma_wait3A = arith.constant 0 : i32
      %dma_wait3A_14 = tpu.memref_slice %arg10[%mul3A_2, %dma_wait3A] : memref<10240x128xf32, #tpu.memory_space<vmem_shared>> -> memref<640x128xf32, #tpu.memory_space<vmem_shared>>
      tpu.wait_dma2 semaphore(%run_scoped3A : memref<!tpu.dma_semaphore, #tpu.memory_space<semaphore_mem>>) src(%arg5 : memref<640x128xf32, #tpu.memory_space<hbm>>) dst(%dma_wait3A_14 : memref<640x128xf32, #tpu.memory_space<vmem_shared>>)
      tpu.yield
    }) : () -> ()
    %barrier3A = arith.constant 0 : index
    tpu.barrier barrier_id(%barrier3A)
    %scan3A = arith.constant 0 : i32
    %scan3A_3 = arith.constant 0 : i32
    %scan3A_4 = arith.constant 80 : i32
    %scan3A_5 = arith.addi %scan3A_3, %scan3A_4 : i32
    %scan3A_6 = arith.constant 1 : i32
    scf.for %scan3A_13 = %scan3A_3 to %scan3A_5 step %scan3A_6  : i32 {
      %dma_start3A = arith.constant 0 : i32
      %dma_start3A_14 = tpu.memref_slice %arg7[%scan3A_13, %dma_start3A] : memref<80x128xi32, #tpu.memory_space<vmem>> -> memref<1x128xi32, #tpu.memory_space<vmem>>
      %dma_start3A_15 = tpu.memref_squeeze %dma_start3A_14 : memref<1x128xi32, #tpu.memory_space<vmem>> -> memref<128xi32, #tpu.memory_space<vmem>>
      %dma_start3A_16 = arith.constant 0 : i32
      %dma_start3A_17 = arith.constant 0 : i32
      %dma_start3A_18 = tpu.memref_slice %arg2[%dma_start3A_16, %dma_start3A_17] : memref<10240x128xf32, #tpu.memory_space<hbm>> -> memref<10240x128xf32, #tpu.memory_space<hbm>>
      tpu.enqueue_indirect_dma source(%dma_start3A_18 : memref<10240x128xf32, #tpu.memory_space<hbm>>) target(%arg9 : memref<128x128xf32, #tpu.memory_space<vmem>>) offsets(%dma_start3A_15 : memref<128xi32, #tpu.memory_space<vmem>>) semaphore(%arg11 : memref<!tpu.dma_semaphore, #tpu.memory_space<semaphore_mem>>)
      %dma_wait3A = arith.constant 0 : i32
      %dma_wait3A_19 = tpu.memref_slice %arg7[%scan3A_13, %dma_wait3A] : memref<80x128xi32, #tpu.memory_space<vmem>> -> memref<1x128xi32, #tpu.memory_space<vmem>>
      %dma_wait3A_20 = tpu.memref_squeeze %dma_wait3A_19 : memref<1x128xi32, #tpu.memory_space<vmem>> -> memref<128xi32, #tpu.memory_space<vmem>>
      %dma_wait3A_21 = arith.constant 0 : i32
      %dma_wait3A_22 = arith.constant 0 : i32
      %dma_wait3A_23 = tpu.memref_slice %arg2[%dma_wait3A_21, %dma_wait3A_22] : memref<10240x128xf32, #tpu.memory_space<hbm>> -> memref<10240x128xf32, #tpu.memory_space<hbm>>
      tpu.wait_indirect_dma semaphore(%arg11 : memref<!tpu.dma_semaphore, #tpu.memory_space<semaphore_mem>>) src(%dma_wait3A_23 : memref<10240x128xf32, #tpu.memory_space<hbm>>) dst(%arg9 : memref<128x128xf32, #tpu.memory_space<vmem>>)
      "tpu.region"() ({
        %run_scoped3A = tpu.sem_alloc : memref<!tpu.dma_semaphore, #tpu.memory_space<semaphore_mem>>
        %dma_start3A_24 = arith.constant 0 : i32
        %dma_start3A_25 = tpu.memref_slice %arg8[%scan3A_13, %dma_start3A_24] : memref<80x128xi32, #tpu.memory_space<vmem>> -> memref<1x128xi32, #tpu.memory_space<vmem>>
        %dma_start3A_26 = tpu.memref_squeeze %dma_start3A_25 : memref<1x128xi32, #tpu.memory_space<vmem>> -> memref<128xi32, #tpu.memory_space<vmem>>
        %dma_start3A_27 = arith.constant 0 : i32
        %dma_start3A_28 = arith.constant 0 : i32
        %dma_start3A_29 = tpu.memref_slice %arg10[%dma_start3A_27, %dma_start3A_28] : memref<10240x128xf32, #tpu.memory_space<vmem_shared>> -> memref<10240x128xf32, #tpu.memory_space<vmem_shared>>
        tpu.enqueue_indirect_dma source(%arg9 : memref<128x128xf32, #tpu.memory_space<vmem>>) target(%dma_start3A_29 : memref<10240x128xf32, #tpu.memory_space<vmem_shared>>) offsets(%dma_start3A_26 : memref<128xi32, #tpu.memory_space<vmem>>) semaphore(%run_scoped3A : memref<!tpu.dma_semaphore, #tpu.memory_space<semaphore_mem>>) {add = true}
        %dma_wait3A_30 = arith.constant 0 : i32
        %dma_wait3A_31 = tpu.memref_slice %arg8[%scan3A_13, %dma_wait3A_30] : memref<80x128xi32, #tpu.memory_space<vmem>> -> memref<1x128xi32, #tpu.memory_space<vmem>>
        %dma_wait3A_32 = tpu.memref_squeeze %dma_wait3A_31 : memref<1x128xi32, #tpu.memory_space<vmem>> -> memref<128xi32, #tpu.memory_space<vmem>>
        %dma_wait3A_33 = arith.constant 0 : i32
        %dma_wait3A_34 = arith.constant 0 : i32
        %dma_wait3A_35 = tpu.memref_slice %arg10[%dma_wait3A_33, %dma_wait3A_34] : memref<10240x128xf32, #tpu.memory_space<vmem_shared>> -> memref<10240x128xf32, #tpu.memory_space<vmem_shared>>
        tpu.wait_indirect_dma semaphore(%run_scoped3A : memref<!tpu.dma_semaphore, #tpu.memory_space<semaphore_mem>>) src(%arg9 : memref<128x128xf32, #tpu.memory_space<vmem>>) dst(%dma_wait3A_35 : memref<10240x128xf32, #tpu.memory_space<vmem_shared>>)
        tpu.yield
      }) : () -> ()
    }
    %scan3A_7 = arith.constant 80 : i32
    %barrier3A_8 = arith.constant 0 : index
    tpu.barrier barrier_id(%barrier3A_8)
    %mul3A_9 = arith.constant 640 : i32
    %mul3A_10 = arith.muli %arg1, %mul3A_9 : i32
    %mul3A_11 = arith.constant 640 : i32
    %mul3A_12 = arith.muli %arg1, %mul3A_11 : i32
    "tpu.region"() ({
      %run_scoped3A = tpu.sem_alloc : memref<!tpu.dma_semaphore, #tpu.memory_space<semaphore_mem>>
      %dma_start3A = arith.constant 0 : i32
      %dma_start3A_13 = tpu.memref_slice %arg6[%arg0, %mul3A_12, %dma_start3A] : memref<2x10240x128xf32, #tpu.memory_space<hbm>> -> memref<1x640x128xf32, #tpu.memory_space<hbm>>
      %dma_start3A_14 = tpu.memref_squeeze %dma_start3A_13 : memref<1x640x128xf32, #tpu.memory_space<hbm>> -> memref<640x128xf32, #tpu.memory_space<hbm>>
      %dma_start3A_15 = arith.constant 0 : i32
      %dma_start3A_16 = tpu.memref_slice %arg10[%mul3A_10, %dma_start3A_15] : memref<10240x128xf32, #tpu.memory_space<vmem_shared>> -> memref<640x128xf32, #tpu.memory_space<vmem_shared>>
      tpu.enqueue_dma source(%dma_start3A_16 : memref<640x128xf32, #tpu.memory_space<vmem_shared>>) target(%dma_start3A_14 : memref<640x128xf32, #tpu.memory_space<hbm>>) target_semaphore(%run_scoped3A : memref<!tpu.dma_semaphore, #tpu.memory_space<semaphore_mem>>)
      %dma_wait3A = arith.constant 0 : i32
      %dma_wait3A_17 = tpu.memref_slice %arg6[%arg0, %mul3A_12, %dma_wait3A] : memref<2x10240x128xf32, #tpu.memory_space<hbm>> -> memref<1x640x128xf32, #tpu.memory_space<hbm>>
      %dma_wait3A_18 = tpu.memref_squeeze %dma_wait3A_17 : memref<1x640x128xf32, #tpu.memory_space<hbm>> -> memref<640x128xf32, #tpu.memory_space<hbm>>
      %dma_wait3A_19 = arith.constant 0 : i32
      %dma_wait3A_20 = tpu.memref_slice %arg10[%mul3A_10, %dma_wait3A_19] : memref<10240x128xf32, #tpu.memory_space<vmem_shared>> -> memref<640x128xf32, #tpu.memory_space<vmem_shared>>
      tpu.wait_dma2 semaphore(%run_scoped3A : memref<!tpu.dma_semaphore, #tpu.memory_space<semaphore_mem>>) src(%dma_wait3A_20 : memref<640x128xf32, #tpu.memory_space<vmem_shared>>) dst(%dma_wait3A_18 : memref<640x128xf32, #tpu.memory_space<hbm>>)
      tpu.yield
    }) : () -> ()
    return
  }
}

#map = affine_map<(d0, d1) -> (0, 0)>
#map1 = affine_map<(d0, d1) -> (0, 0, 0)>
module attributes {stable_mosaic.version = 14 : i64} {
  func.func @_emb_gather(%arg0: i32, %arg1: i32, %arg2: memref<10001x128xf32, #tpu.memory_space<hbm>>, %arg3: memref<32x4x80xi32, #tpu.memory_space<hbm>>, %arg4: memref<10240x128xf32, #tpu.memory_space<hbm>>, %arg5: memref<4x80xi32, #tpu.memory_space<vmem>>, %arg6: memref<80x128xf32, #tpu.memory_space<vmem>>, %arg7: memref<!tpu.dma_semaphore, #tpu.memory_space<semaphore_mem>>) attributes {dimension_semantics = [#tpu.dimension_semantics<core_parallel>, #tpu.dimension_semantics<subcore_parallel>], iteration_bounds = array<i64: 2, 16>, scalar_prefetch = 0 : i64, scratch_operands = 3 : i64, tpu.core_type = #tpu.core_type<sc_vector_subcore>, window_params = [{transform_indices = #map}, {transform_indices = #map1}, {transform_indices = #map}]} {
    %mul3A = arith.constant 2 : i32
    %mul3A_0 = arith.muli %arg1, %mul3A : i32
    %add3A = arith.addi %mul3A_0, %arg0 : i32
    "tpu.region"() ({
      %run_scoped3A = tpu.sem_alloc : memref<!tpu.dma_semaphore, #tpu.memory_space<semaphore_mem>>
      %dma_start3A = arith.constant 0 : i32
      %dma_start3A_8 = arith.constant 0 : i32
      %dma_start3A_9 = tpu.memref_slice %arg3[%add3A, %dma_start3A, %dma_start3A_8] : memref<32x4x80xi32, #tpu.memory_space<hbm>> -> memref<1x4x80xi32, #tpu.memory_space<hbm>>
      %dma_start3A_10 = tpu.memref_squeeze %dma_start3A_9 : memref<1x4x80xi32, #tpu.memory_space<hbm>> -> memref<4x80xi32, #tpu.memory_space<hbm>>
      %dma_start3A_11 = arith.constant 0 : i32
      %dma_start3A_12 = arith.constant 0 : i32
      %dma_start3A_13 = tpu.memref_slice %arg3[%add3A, %dma_start3A_11, %dma_start3A_12] : memref<32x4x80xi32, #tpu.memory_space<hbm>> -> memref<1x4x80xi32, #tpu.memory_space<hbm>>
      %dma_start3A_14 = tpu.memref_squeeze %dma_start3A_13 : memref<1x4x80xi32, #tpu.memory_space<hbm>> -> memref<4x80xi32, #tpu.memory_space<hbm>>
      tpu.enqueue_dma source(%dma_start3A_14 : memref<4x80xi32, #tpu.memory_space<hbm>>) target(%arg5 : memref<4x80xi32, #tpu.memory_space<vmem>>) target_semaphore(%run_scoped3A : memref<!tpu.dma_semaphore, #tpu.memory_space<semaphore_mem>>)
      %dma_wait3A = arith.constant 0 : i32
      %dma_wait3A_15 = arith.constant 0 : i32
      %dma_wait3A_16 = tpu.memref_slice %arg3[%add3A, %dma_wait3A, %dma_wait3A_15] : memref<32x4x80xi32, #tpu.memory_space<hbm>> -> memref<1x4x80xi32, #tpu.memory_space<hbm>>
      %dma_wait3A_17 = tpu.memref_squeeze %dma_wait3A_16 : memref<1x4x80xi32, #tpu.memory_space<hbm>> -> memref<4x80xi32, #tpu.memory_space<hbm>>
      %dma_wait3A_18 = arith.constant 0 : i32
      %dma_wait3A_19 = arith.constant 0 : i32
      %dma_wait3A_20 = tpu.memref_slice %arg3[%add3A, %dma_wait3A_18, %dma_wait3A_19] : memref<32x4x80xi32, #tpu.memory_space<hbm>> -> memref<1x4x80xi32, #tpu.memory_space<hbm>>
      %dma_wait3A_21 = tpu.memref_squeeze %dma_wait3A_20 : memref<1x4x80xi32, #tpu.memory_space<hbm>> -> memref<4x80xi32, #tpu.memory_space<hbm>>
      tpu.wait_dma2 semaphore(%run_scoped3A : memref<!tpu.dma_semaphore, #tpu.memory_space<semaphore_mem>>) src(%dma_wait3A_21 : memref<4x80xi32, #tpu.memory_space<hbm>>) dst(%arg5 : memref<4x80xi32, #tpu.memory_space<vmem>>)
      tpu.yield
    }) : () -> ()
    %mul3A_1 = arith.constant 320 : i32
    %mul3A_2 = arith.muli %add3A, %mul3A_1 : i32
    %scan3A = arith.constant 0 : i32
    %scan3A_3 = arith.constant 0 : i32
    %scan3A_4 = arith.constant 4 : i32
    %scan3A_5 = arith.addi %scan3A_3, %scan3A_4 : i32
    %scan3A_6 = arith.constant 1 : i32
    scf.for %scan3A_8 = %scan3A_3 to %scan3A_5 step %scan3A_6  : i32 {
      %dma_start3A = arith.constant 0 : i32
      %dma_start3A_9 = tpu.memref_slice %arg5[%scan3A_8, %dma_start3A] : memref<4x80xi32, #tpu.memory_space<vmem>> -> memref<1x80xi32, #tpu.memory_space<vmem>>
      %dma_start3A_10 = tpu.memref_squeeze %dma_start3A_9 : memref<1x80xi32, #tpu.memory_space<vmem>> -> memref<80xi32, #tpu.memory_space<vmem>>
      %dma_start3A_11 = arith.constant 0 : i32
      %dma_start3A_12 = arith.constant 0 : i32
      %dma_start3A_13 = tpu.memref_slice %arg2[%dma_start3A_11, %dma_start3A_12] : memref<10001x128xf32, #tpu.memory_space<hbm>> -> memref<10001x128xf32, #tpu.memory_space<hbm>>
      tpu.enqueue_indirect_dma source(%dma_start3A_13 : memref<10001x128xf32, #tpu.memory_space<hbm>>) target(%arg6 : memref<80x128xf32, #tpu.memory_space<vmem>>) offsets(%dma_start3A_10 : memref<80xi32, #tpu.memory_space<vmem>>) semaphore(%arg7 : memref<!tpu.dma_semaphore, #tpu.memory_space<semaphore_mem>>)
      %dma_wait3A = arith.constant 0 : i32
      %dma_wait3A_14 = tpu.memref_slice %arg5[%scan3A_8, %dma_wait3A] : memref<4x80xi32, #tpu.memory_space<vmem>> -> memref<1x80xi32, #tpu.memory_space<vmem>>
      %dma_wait3A_15 = tpu.memref_squeeze %dma_wait3A_14 : memref<1x80xi32, #tpu.memory_space<vmem>> -> memref<80xi32, #tpu.memory_space<vmem>>
      %dma_wait3A_16 = arith.constant 0 : i32
      %dma_wait3A_17 = arith.constant 0 : i32
      %dma_wait3A_18 = tpu.memref_slice %arg2[%dma_wait3A_16, %dma_wait3A_17] : memref<10001x128xf32, #tpu.memory_space<hbm>> -> memref<10001x128xf32, #tpu.memory_space<hbm>>
      tpu.wait_indirect_dma semaphore(%arg7 : memref<!tpu.dma_semaphore, #tpu.memory_space<semaphore_mem>>) src(%dma_wait3A_18 : memref<10001x128xf32, #tpu.memory_space<hbm>>) dst(%arg6 : memref<80x128xf32, #tpu.memory_space<vmem>>)
      %mul3A_19 = arith.constant 80 : i32
      %mul3A_20 = arith.muli %scan3A_8, %mul3A_19 : i32
      %add3A_21 = arith.addi %mul3A_2, %mul3A_20 : i32
      "tpu.region"() ({
        %run_scoped3A = tpu.sem_alloc : memref<!tpu.dma_semaphore, #tpu.memory_space<semaphore_mem>>
        %dma_start3A_22 = arith.constant 0 : i32
        %dma_start3A_23 = tpu.memref_slice %arg4[%add3A_21, %dma_start3A_22] : memref<10240x128xf32, #tpu.memory_space<hbm>> -> memref<80x128xf32, #tpu.memory_space<hbm>>
        %dma_start3A_24 = arith.constant 0 : i32
        %dma_start3A_25 = tpu.memref_slice %arg4[%add3A_21, %dma_start3A_24] : memref<10240x128xf32, #tpu.memory_space<hbm>> -> memref<80x128xf32, #tpu.memory_space<hbm>>
        tpu.enqueue_dma source(%arg6 : memref<80x128xf32, #tpu.memory_space<vmem>>) target(%dma_start3A_25 : memref<80x128xf32, #tpu.memory_space<hbm>>) target_semaphore(%run_scoped3A : memref<!tpu.dma_semaphore, #tpu.memory_space<semaphore_mem>>)
        %dma_wait3A_26 = arith.constant 0 : i32
        %dma_wait3A_27 = tpu.memref_slice %arg4[%add3A_21, %dma_wait3A_26] : memref<10240x128xf32, #tpu.memory_space<hbm>> -> memref<80x128xf32, #tpu.memory_space<hbm>>
        %dma_wait3A_28 = arith.constant 0 : i32
        %dma_wait3A_29 = tpu.memref_slice %arg4[%add3A_21, %dma_wait3A_28] : memref<10240x128xf32, #tpu.memory_space<hbm>> -> memref<80x128xf32, #tpu.memory_space<hbm>>
        tpu.wait_dma2 semaphore(%run_scoped3A : memref<!tpu.dma_semaphore, #tpu.memory_space<semaphore_mem>>) src(%arg6 : memref<80x128xf32, #tpu.memory_space<vmem>>) dst(%dma_wait3A_29 : memref<80x128xf32, #tpu.memory_space<hbm>>)
        tpu.yield
      }) : () -> ()
    }
    %scan3A_7 = arith.constant 4 : i32
    return
  }
}

#map = affine_map<(d0, d1) -> (0, 0)>
#map1 = affine_map<(d0, d1) -> (0, 0, 0)>
module attributes {stable_mosaic.version = 14 : i64} {
  func.func @_agg_only(%arg0: i32, %arg1: i32, %arg2: memref<10240x128xf32, #tpu.memory_space<hbm>>, %arg3: memref<32x80x128xi32, #tpu.memory_space<hbm>>, %arg4: memref<32x80x128xi32, #tpu.memory_space<hbm>>, %arg5: memref<640x128xf32, #tpu.memory_space<hbm>>, %arg6: memref<2x10240x128xf32, #tpu.memory_space<hbm>>, %arg7: memref<80x128xi32, #tpu.memory_space<vmem>>, %arg8: memref<80x128xi32, #tpu.memory_space<vmem>>, %arg9: memref<128x128xf32, #tpu.memory_space<vmem>>, %arg10: memref<10240x128xf32, #tpu.memory_space<vmem_shared>>, %arg11: memref<!tpu.dma_semaphore, #tpu.memory_space<semaphore_mem>>) attributes {dimension_semantics = [#tpu.dimension_semantics<core_parallel>, #tpu.dimension_semantics<subcore_parallel>], iteration_bounds = array<i64: 2, 16>, scalar_prefetch = 0 : i64, scratch_operands = 5 : i64, tpu.core_type = #tpu.core_type<sc_vector_subcore>, window_params = [{transform_indices = #map}, {transform_indices = #map1}, {transform_indices = #map1}, {transform_indices = #map}, {transform_indices = #map1}]} {
    %mul3A = arith.constant 2 : i32
    %mul3A_0 = arith.muli %arg1, %mul3A : i32
    %add3A = arith.addi %mul3A_0, %arg0 : i32
    "tpu.region"() ({
      %run_scoped3A = tpu.sem_alloc : memref<!tpu.dma_semaphore, #tpu.memory_space<semaphore_mem>>
      %dma_start3A = arith.constant 0 : i32
      %dma_start3A_13 = arith.constant 0 : i32
      %dma_start3A_14 = tpu.memref_slice %arg3[%add3A, %dma_start3A, %dma_start3A_13] : memref<32x80x128xi32, #tpu.memory_space<hbm>> -> memref<1x80x128xi32, #tpu.memory_space<hbm>>
      %dma_start3A_15 = tpu.memref_squeeze %dma_start3A_14 : memref<1x80x128xi32, #tpu.memory_space<hbm>> -> memref<80x128xi32, #tpu.memory_space<hbm>>
      %dma_start3A_16 = arith.constant 0 : i32
      %dma_start3A_17 = arith.constant 0 : i32
      %dma_start3A_18 = tpu.memref_slice %arg3[%add3A, %dma_start3A_16, %dma_start3A_17] : memref<32x80x128xi32, #tpu.memory_space<hbm>> -> memref<1x80x128xi32, #tpu.memory_space<hbm>>
      %dma_start3A_19 = tpu.memref_squeeze %dma_start3A_18 : memref<1x80x128xi32, #tpu.memory_space<hbm>> -> memref<80x128xi32, #tpu.memory_space<hbm>>
      tpu.enqueue_dma source(%dma_start3A_19 : memref<80x128xi32, #tpu.memory_space<hbm>>) target(%arg7 : memref<80x128xi32, #tpu.memory_space<vmem>>) target_semaphore(%run_scoped3A : memref<!tpu.dma_semaphore, #tpu.memory_space<semaphore_mem>>)
      %dma_wait3A = arith.constant 0 : i32
      %dma_wait3A_20 = arith.constant 0 : i32
      %dma_wait3A_21 = tpu.memref_slice %arg3[%add3A, %dma_wait3A, %dma_wait3A_20] : memref<32x80x128xi32, #tpu.memory_space<hbm>> -> memref<1x80x128xi32, #tpu.memory_space<hbm>>
      %dma_wait3A_22 = tpu.memref_squeeze %dma_wait3A_21 : memref<1x80x128xi32, #tpu.memory_space<hbm>> -> memref<80x128xi32, #tpu.memory_space<hbm>>
      %dma_wait3A_23 = arith.constant 0 : i32
      %dma_wait3A_24 = arith.constant 0 : i32
      %dma_wait3A_25 = tpu.memref_slice %arg3[%add3A, %dma_wait3A_23, %dma_wait3A_24] : memref<32x80x128xi32, #tpu.memory_space<hbm>> -> memref<1x80x128xi32, #tpu.memory_space<hbm>>
      %dma_wait3A_26 = tpu.memref_squeeze %dma_wait3A_25 : memref<1x80x128xi32, #tpu.memory_space<hbm>> -> memref<80x128xi32, #tpu.memory_space<hbm>>
      tpu.wait_dma2 semaphore(%run_scoped3A : memref<!tpu.dma_semaphore, #tpu.memory_space<semaphore_mem>>) src(%dma_wait3A_26 : memref<80x128xi32, #tpu.memory_space<hbm>>) dst(%arg7 : memref<80x128xi32, #tpu.memory_space<vmem>>)
      tpu.yield
    }) : () -> ()
    "tpu.region"() ({
      %run_scoped3A = tpu.sem_alloc : memref<!tpu.dma_semaphore, #tpu.memory_space<semaphore_mem>>
      %dma_start3A = arith.constant 0 : i32
      %dma_start3A_13 = arith.constant 0 : i32
      %dma_start3A_14 = tpu.memref_slice %arg4[%add3A, %dma_start3A, %dma_start3A_13] : memref<32x80x128xi32, #tpu.memory_space<hbm>> -> memref<1x80x128xi32, #tpu.memory_space<hbm>>
      %dma_start3A_15 = tpu.memref_squeeze %dma_start3A_14 : memref<1x80x128xi32, #tpu.memory_space<hbm>> -> memref<80x128xi32, #tpu.memory_space<hbm>>
      %dma_start3A_16 = arith.constant 0 : i32
      %dma_start3A_17 = arith.constant 0 : i32
      %dma_start3A_18 = tpu.memref_slice %arg4[%add3A, %dma_start3A_16, %dma_start3A_17] : memref<32x80x128xi32, #tpu.memory_space<hbm>> -> memref<1x80x128xi32, #tpu.memory_space<hbm>>
      %dma_start3A_19 = tpu.memref_squeeze %dma_start3A_18 : memref<1x80x128xi32, #tpu.memory_space<hbm>> -> memref<80x128xi32, #tpu.memory_space<hbm>>
      tpu.enqueue_dma source(%dma_start3A_19 : memref<80x128xi32, #tpu.memory_space<hbm>>) target(%arg8 : memref<80x128xi32, #tpu.memory_space<vmem>>) target_semaphore(%run_scoped3A : memref<!tpu.dma_semaphore, #tpu.memory_space<semaphore_mem>>)
      %dma_wait3A = arith.constant 0 : i32
      %dma_wait3A_20 = arith.constant 0 : i32
      %dma_wait3A_21 = tpu.memref_slice %arg4[%add3A, %dma_wait3A, %dma_wait3A_20] : memref<32x80x128xi32, #tpu.memory_space<hbm>> -> memref<1x80x128xi32, #tpu.memory_space<hbm>>
      %dma_wait3A_22 = tpu.memref_squeeze %dma_wait3A_21 : memref<1x80x128xi32, #tpu.memory_space<hbm>> -> memref<80x128xi32, #tpu.memory_space<hbm>>
      %dma_wait3A_23 = arith.constant 0 : i32
      %dma_wait3A_24 = arith.constant 0 : i32
      %dma_wait3A_25 = tpu.memref_slice %arg4[%add3A, %dma_wait3A_23, %dma_wait3A_24] : memref<32x80x128xi32, #tpu.memory_space<hbm>> -> memref<1x80x128xi32, #tpu.memory_space<hbm>>
      %dma_wait3A_26 = tpu.memref_squeeze %dma_wait3A_25 : memref<1x80x128xi32, #tpu.memory_space<hbm>> -> memref<80x128xi32, #tpu.memory_space<hbm>>
      tpu.wait_dma2 semaphore(%run_scoped3A : memref<!tpu.dma_semaphore, #tpu.memory_space<semaphore_mem>>) src(%dma_wait3A_26 : memref<80x128xi32, #tpu.memory_space<hbm>>) dst(%arg8 : memref<80x128xi32, #tpu.memory_space<vmem>>)
      tpu.yield
    }) : () -> ()
    %mul3A_1 = arith.constant 640 : i32
    %mul3A_2 = arith.muli %arg1, %mul3A_1 : i32
    "tpu.region"() ({
      %run_scoped3A = tpu.sem_alloc : memref<!tpu.dma_semaphore, #tpu.memory_space<semaphore_mem>>
      %dma_start3A = arith.constant 0 : i32
      %dma_start3A_13 = tpu.memref_slice %arg10[%mul3A_2, %dma_start3A] : memref<10240x128xf32, #tpu.memory_space<vmem_shared>> -> memref<640x128xf32, #tpu.memory_space<vmem_shared>>
      tpu.enqueue_dma source(%arg5 : memref<640x128xf32, #tpu.memory_space<hbm>>) target(%dma_start3A_13 : memref<640x128xf32, #tpu.memory_space<vmem_shared>>) target_semaphore(%run_scoped3A : memref<!tpu.dma_semaphore, #tpu.memory_space<semaphore_mem>>)
      %dma_wait3A = arith.constant 0 : i32
      %dma_wait3A_14 = tpu.memref_slice %arg10[%mul3A_2, %dma_wait3A] : memref<10240x128xf32, #tpu.memory_space<vmem_shared>> -> memref<640x128xf32, #tpu.memory_space<vmem_shared>>
      tpu.wait_dma2 semaphore(%run_scoped3A : memref<!tpu.dma_semaphore, #tpu.memory_space<semaphore_mem>>) src(%arg5 : memref<640x128xf32, #tpu.memory_space<hbm>>) dst(%dma_wait3A_14 : memref<640x128xf32, #tpu.memory_space<vmem_shared>>)
      tpu.yield
    }) : () -> ()
    %barrier3A = arith.constant 0 : index
    tpu.barrier barrier_id(%barrier3A)
    %scan3A = arith.constant 0 : i32
    %scan3A_3 = arith.constant 0 : i32
    %scan3A_4 = arith.constant 80 : i32
    %scan3A_5 = arith.addi %scan3A_3, %scan3A_4 : i32
    %scan3A_6 = arith.constant 1 : i32
    scf.for %scan3A_13 = %scan3A_3 to %scan3A_5 step %scan3A_6  : i32 {
      %dma_start3A = arith.constant 0 : i32
      %dma_start3A_14 = tpu.memref_slice %arg7[%scan3A_13, %dma_start3A] : memref<80x128xi32, #tpu.memory_space<vmem>> -> memref<1x128xi32, #tpu.memory_space<vmem>>
      %dma_start3A_15 = tpu.memref_squeeze %dma_start3A_14 : memref<1x128xi32, #tpu.memory_space<vmem>> -> memref<128xi32, #tpu.memory_space<vmem>>
      %dma_start3A_16 = arith.constant 0 : i32
      %dma_start3A_17 = arith.constant 0 : i32
      %dma_start3A_18 = tpu.memref_slice %arg2[%dma_start3A_16, %dma_start3A_17] : memref<10240x128xf32, #tpu.memory_space<hbm>> -> memref<10240x128xf32, #tpu.memory_space<hbm>>
      tpu.enqueue_indirect_dma source(%dma_start3A_18 : memref<10240x128xf32, #tpu.memory_space<hbm>>) target(%arg9 : memref<128x128xf32, #tpu.memory_space<vmem>>) offsets(%dma_start3A_15 : memref<128xi32, #tpu.memory_space<vmem>>) semaphore(%arg11 : memref<!tpu.dma_semaphore, #tpu.memory_space<semaphore_mem>>)
      %dma_wait3A = arith.constant 0 : i32
      %dma_wait3A_19 = tpu.memref_slice %arg7[%scan3A_13, %dma_wait3A] : memref<80x128xi32, #tpu.memory_space<vmem>> -> memref<1x128xi32, #tpu.memory_space<vmem>>
      %dma_wait3A_20 = tpu.memref_squeeze %dma_wait3A_19 : memref<1x128xi32, #tpu.memory_space<vmem>> -> memref<128xi32, #tpu.memory_space<vmem>>
      %dma_wait3A_21 = arith.constant 0 : i32
      %dma_wait3A_22 = arith.constant 0 : i32
      %dma_wait3A_23 = tpu.memref_slice %arg2[%dma_wait3A_21, %dma_wait3A_22] : memref<10240x128xf32, #tpu.memory_space<hbm>> -> memref<10240x128xf32, #tpu.memory_space<hbm>>
      tpu.wait_indirect_dma semaphore(%arg11 : memref<!tpu.dma_semaphore, #tpu.memory_space<semaphore_mem>>) src(%dma_wait3A_23 : memref<10240x128xf32, #tpu.memory_space<hbm>>) dst(%arg9 : memref<128x128xf32, #tpu.memory_space<vmem>>)
      "tpu.region"() ({
        %run_scoped3A = tpu.sem_alloc : memref<!tpu.dma_semaphore, #tpu.memory_space<semaphore_mem>>
        %dma_start3A_24 = arith.constant 0 : i32
        %dma_start3A_25 = tpu.memref_slice %arg8[%scan3A_13, %dma_start3A_24] : memref<80x128xi32, #tpu.memory_space<vmem>> -> memref<1x128xi32, #tpu.memory_space<vmem>>
        %dma_start3A_26 = tpu.memref_squeeze %dma_start3A_25 : memref<1x128xi32, #tpu.memory_space<vmem>> -> memref<128xi32, #tpu.memory_space<vmem>>
        %dma_start3A_27 = arith.constant 0 : i32
        %dma_start3A_28 = arith.constant 0 : i32
        %dma_start3A_29 = tpu.memref_slice %arg10[%dma_start3A_27, %dma_start3A_28] : memref<10240x128xf32, #tpu.memory_space<vmem_shared>> -> memref<10240x128xf32, #tpu.memory_space<vmem_shared>>
        tpu.enqueue_indirect_dma source(%arg9 : memref<128x128xf32, #tpu.memory_space<vmem>>) target(%dma_start3A_29 : memref<10240x128xf32, #tpu.memory_space<vmem_shared>>) offsets(%dma_start3A_26 : memref<128xi32, #tpu.memory_space<vmem>>) semaphore(%run_scoped3A : memref<!tpu.dma_semaphore, #tpu.memory_space<semaphore_mem>>) {add = true}
        %dma_wait3A_30 = arith.constant 0 : i32
        %dma_wait3A_31 = tpu.memref_slice %arg8[%scan3A_13, %dma_wait3A_30] : memref<80x128xi32, #tpu.memory_space<vmem>> -> memref<1x128xi32, #tpu.memory_space<vmem>>
        %dma_wait3A_32 = tpu.memref_squeeze %dma_wait3A_31 : memref<1x128xi32, #tpu.memory_space<vmem>> -> memref<128xi32, #tpu.memory_space<vmem>>
        %dma_wait3A_33 = arith.constant 0 : i32
        %dma_wait3A_34 = arith.constant 0 : i32
        %dma_wait3A_35 = tpu.memref_slice %arg10[%dma_wait3A_33, %dma_wait3A_34] : memref<10240x128xf32, #tpu.memory_space<vmem_shared>> -> memref<10240x128xf32, #tpu.memory_space<vmem_shared>>
        tpu.wait_indirect_dma semaphore(%run_scoped3A : memref<!tpu.dma_semaphore, #tpu.memory_space<semaphore_mem>>) src(%arg9 : memref<128x128xf32, #tpu.memory_space<vmem>>) dst(%dma_wait3A_35 : memref<10240x128xf32, #tpu.memory_space<vmem_shared>>)
        tpu.yield
      }) : () -> ()
    }
    %scan3A_7 = arith.constant 80 : i32
    %barrier3A_8 = arith.constant 0 : index
    tpu.barrier barrier_id(%barrier3A_8)
    %mul3A_9 = arith.constant 640 : i32
    %mul3A_10 = arith.muli %arg1, %mul3A_9 : i32
    %mul3A_11 = arith.constant 640 : i32
    %mul3A_12 = arith.muli %arg1, %mul3A_11 : i32
    "tpu.region"() ({
      %run_scoped3A = tpu.sem_alloc : memref<!tpu.dma_semaphore, #tpu.memory_space<semaphore_mem>>
      %dma_start3A = arith.constant 0 : i32
      %dma_start3A_13 = tpu.memref_slice %arg6[%arg0, %mul3A_12, %dma_start3A] : memref<2x10240x128xf32, #tpu.memory_space<hbm>> -> memref<1x640x128xf32, #tpu.memory_space<hbm>>
      %dma_start3A_14 = tpu.memref_squeeze %dma_start3A_13 : memref<1x640x128xf32, #tpu.memory_space<hbm>> -> memref<640x128xf32, #tpu.memory_space<hbm>>
      %dma_start3A_15 = arith.constant 0 : i32
      %dma_start3A_16 = tpu.memref_slice %arg10[%mul3A_10, %dma_start3A_15] : memref<10240x128xf32, #tpu.memory_space<vmem_shared>> -> memref<640x128xf32, #tpu.memory_space<vmem_shared>>
      tpu.enqueue_dma source(%dma_start3A_16 : memref<640x128xf32, #tpu.memory_space<vmem_shared>>) target(%dma_start3A_14 : memref<640x128xf32, #tpu.memory_space<hbm>>) target_semaphore(%run_scoped3A : memref<!tpu.dma_semaphore, #tpu.memory_space<semaphore_mem>>)
      %dma_wait3A = arith.constant 0 : i32
      %dma_wait3A_17 = tpu.memref_slice %arg6[%arg0, %mul3A_12, %dma_wait3A] : memref<2x10240x128xf32, #tpu.memory_space<hbm>> -> memref<1x640x128xf32, #tpu.memory_space<hbm>>
      %dma_wait3A_18 = tpu.memref_squeeze %dma_wait3A_17 : memref<1x640x128xf32, #tpu.memory_space<hbm>> -> memref<640x128xf32, #tpu.memory_space<hbm>>
      %dma_wait3A_19 = arith.constant 0 : i32
      %dma_wait3A_20 = tpu.memref_slice %arg10[%mul3A_10, %dma_wait3A_19] : memref<10240x128xf32, #tpu.memory_space<vmem_shared>> -> memref<640x128xf32, #tpu.memory_space<vmem_shared>>
      tpu.wait_dma2 semaphore(%run_scoped3A : memref<!tpu.dma_semaphore, #tpu.memory_space<semaphore_mem>>) src(%dma_wait3A_20 : memref<640x128xf32, #tpu.memory_space<vmem_shared>>) dst(%dma_wait3A_18 : memref<640x128xf32, #tpu.memory_space<hbm>>)
      tpu.yield
    }) : () -> ()
    return
  }
}

#map = affine_map<(d0, d1) -> (0, 0, 0)>
#map1 = affine_map<(d0, d1) -> (0, 0)>
module attributes {stable_mosaic.version = 14 : i64} {
  func.func @_deg_count(%arg0: i32, %arg1: i32, %arg2: memref<32x80x128xi32, #tpu.memory_space<hbm>>, %arg3: memref<640x128xf32, #tpu.memory_space<hbm>>, %arg4: memref<128x128xf32, #tpu.memory_space<hbm>>, %arg5: memref<2x10240x128xf32, #tpu.memory_space<hbm>>, %arg6: memref<80x128xi32, #tpu.memory_space<vmem>>, %arg7: memref<128x128xf32, #tpu.memory_space<vmem>>, %arg8: memref<10240x128xf32, #tpu.memory_space<vmem_shared>>) attributes {dimension_semantics = [#tpu.dimension_semantics<core_parallel>, #tpu.dimension_semantics<subcore_parallel>], iteration_bounds = array<i64: 2, 16>, scalar_prefetch = 0 : i64, scratch_operands = 3 : i64, tpu.core_type = #tpu.core_type<sc_vector_subcore>, window_params = [{transform_indices = #map}, {transform_indices = #map1}, {transform_indices = #map1}, {transform_indices = #map}]} {
    %mul3A = arith.constant 2 : i32
    %mul3A_0 = arith.muli %arg1, %mul3A : i32
    %add3A = arith.addi %mul3A_0, %arg0 : i32
    "tpu.region"() ({
      %run_scoped3A = tpu.sem_alloc : memref<!tpu.dma_semaphore, #tpu.memory_space<semaphore_mem>>
      %dma_start3A = arith.constant 0 : i32
      %dma_start3A_13 = arith.constant 0 : i32
      %dma_start3A_14 = tpu.memref_slice %arg2[%add3A, %dma_start3A, %dma_start3A_13] : memref<32x80x128xi32, #tpu.memory_space<hbm>> -> memref<1x80x128xi32, #tpu.memory_space<hbm>>
      %dma_start3A_15 = tpu.memref_squeeze %dma_start3A_14 : memref<1x80x128xi32, #tpu.memory_space<hbm>> -> memref<80x128xi32, #tpu.memory_space<hbm>>
      %dma_start3A_16 = arith.constant 0 : i32
      %dma_start3A_17 = arith.constant 0 : i32
      %dma_start3A_18 = tpu.memref_slice %arg2[%add3A, %dma_start3A_16, %dma_start3A_17] : memref<32x80x128xi32, #tpu.memory_space<hbm>> -> memref<1x80x128xi32, #tpu.memory_space<hbm>>
      %dma_start3A_19 = tpu.memref_squeeze %dma_start3A_18 : memref<1x80x128xi32, #tpu.memory_space<hbm>> -> memref<80x128xi32, #tpu.memory_space<hbm>>
      tpu.enqueue_dma source(%dma_start3A_19 : memref<80x128xi32, #tpu.memory_space<hbm>>) target(%arg6 : memref<80x128xi32, #tpu.memory_space<vmem>>) target_semaphore(%run_scoped3A : memref<!tpu.dma_semaphore, #tpu.memory_space<semaphore_mem>>)
      %dma_wait3A = arith.constant 0 : i32
      %dma_wait3A_20 = arith.constant 0 : i32
      %dma_wait3A_21 = tpu.memref_slice %arg2[%add3A, %dma_wait3A, %dma_wait3A_20] : memref<32x80x128xi32, #tpu.memory_space<hbm>> -> memref<1x80x128xi32, #tpu.memory_space<hbm>>
      %dma_wait3A_22 = tpu.memref_squeeze %dma_wait3A_21 : memref<1x80x128xi32, #tpu.memory_space<hbm>> -> memref<80x128xi32, #tpu.memory_space<hbm>>
      %dma_wait3A_23 = arith.constant 0 : i32
      %dma_wait3A_24 = arith.constant 0 : i32
      %dma_wait3A_25 = tpu.memref_slice %arg2[%add3A, %dma_wait3A_23, %dma_wait3A_24] : memref<32x80x128xi32, #tpu.memory_space<hbm>> -> memref<1x80x128xi32, #tpu.memory_space<hbm>>
      %dma_wait3A_26 = tpu.memref_squeeze %dma_wait3A_25 : memref<1x80x128xi32, #tpu.memory_space<hbm>> -> memref<80x128xi32, #tpu.memory_space<hbm>>
      tpu.wait_dma2 semaphore(%run_scoped3A : memref<!tpu.dma_semaphore, #tpu.memory_space<semaphore_mem>>) src(%dma_wait3A_26 : memref<80x128xi32, #tpu.memory_space<hbm>>) dst(%arg6 : memref<80x128xi32, #tpu.memory_space<vmem>>)
      tpu.yield
    }) : () -> ()
    "tpu.region"() ({
      %run_scoped3A = tpu.sem_alloc : memref<!tpu.dma_semaphore, #tpu.memory_space<semaphore_mem>>
      tpu.enqueue_dma source(%arg4 : memref<128x128xf32, #tpu.memory_space<hbm>>) target(%arg7 : memref<128x128xf32, #tpu.memory_space<vmem>>) target_semaphore(%run_scoped3A : memref<!tpu.dma_semaphore, #tpu.memory_space<semaphore_mem>>)
      tpu.wait_dma2 semaphore(%run_scoped3A : memref<!tpu.dma_semaphore, #tpu.memory_space<semaphore_mem>>) src(%arg4 : memref<128x128xf32, #tpu.memory_space<hbm>>) dst(%arg7 : memref<128x128xf32, #tpu.memory_space<vmem>>)
      tpu.yield
    }) : () -> ()
    %mul3A_1 = arith.constant 640 : i32
    %mul3A_2 = arith.muli %arg1, %mul3A_1 : i32
    "tpu.region"() ({
      %run_scoped3A = tpu.sem_alloc : memref<!tpu.dma_semaphore, #tpu.memory_space<semaphore_mem>>
      %dma_start3A = arith.constant 0 : i32
      %dma_start3A_13 = tpu.memref_slice %arg8[%mul3A_2, %dma_start3A] : memref<10240x128xf32, #tpu.memory_space<vmem_shared>> -> memref<640x128xf32, #tpu.memory_space<vmem_shared>>
      tpu.enqueue_dma source(%arg3 : memref<640x128xf32, #tpu.memory_space<hbm>>) target(%dma_start3A_13 : memref<640x128xf32, #tpu.memory_space<vmem_shared>>) target_semaphore(%run_scoped3A : memref<!tpu.dma_semaphore, #tpu.memory_space<semaphore_mem>>)
      %dma_wait3A = arith.constant 0 : i32
      %dma_wait3A_14 = tpu.memref_slice %arg8[%mul3A_2, %dma_wait3A] : memref<10240x128xf32, #tpu.memory_space<vmem_shared>> -> memref<640x128xf32, #tpu.memory_space<vmem_shared>>
      tpu.wait_dma2 semaphore(%run_scoped3A : memref<!tpu.dma_semaphore, #tpu.memory_space<semaphore_mem>>) src(%arg3 : memref<640x128xf32, #tpu.memory_space<hbm>>) dst(%dma_wait3A_14 : memref<640x128xf32, #tpu.memory_space<vmem_shared>>)
      tpu.yield
    }) : () -> ()
    %barrier3A = arith.constant 0 : index
    tpu.barrier barrier_id(%barrier3A)
    %scan3A = arith.constant 0 : i32
    %scan3A_3 = arith.constant 0 : i32
    %scan3A_4 = arith.constant 80 : i32
    %scan3A_5 = arith.addi %scan3A_3, %scan3A_4 : i32
    %scan3A_6 = arith.constant 1 : i32
    scf.for %scan3A_13 = %scan3A_3 to %scan3A_5 step %scan3A_6  : i32 {
      "tpu.region"() ({
        %run_scoped3A = tpu.sem_alloc : memref<!tpu.dma_semaphore, #tpu.memory_space<semaphore_mem>>
        %dma_start3A = arith.constant 0 : i32
        %dma_start3A_14 = tpu.memref_slice %arg6[%scan3A_13, %dma_start3A] : memref<80x128xi32, #tpu.memory_space<vmem>> -> memref<1x128xi32, #tpu.memory_space<vmem>>
        %dma_start3A_15 = tpu.memref_squeeze %dma_start3A_14 : memref<1x128xi32, #tpu.memory_space<vmem>> -> memref<128xi32, #tpu.memory_space<vmem>>
        %dma_start3A_16 = arith.constant 0 : i32
        %dma_start3A_17 = arith.constant 0 : i32
        %dma_start3A_18 = tpu.memref_slice %arg8[%dma_start3A_16, %dma_start3A_17] : memref<10240x128xf32, #tpu.memory_space<vmem_shared>> -> memref<10240x128xf32, #tpu.memory_space<vmem_shared>>
        tpu.enqueue_indirect_dma source(%arg7 : memref<128x128xf32, #tpu.memory_space<vmem>>) target(%dma_start3A_18 : memref<10240x128xf32, #tpu.memory_space<vmem_shared>>) offsets(%dma_start3A_15 : memref<128xi32, #tpu.memory_space<vmem>>) semaphore(%run_scoped3A : memref<!tpu.dma_semaphore, #tpu.memory_space<semaphore_mem>>) {add = true}
        %dma_wait3A = arith.constant 0 : i32
        %dma_wait3A_19 = tpu.memref_slice %arg6[%scan3A_13, %dma_wait3A] : memref<80x128xi32, #tpu.memory_space<vmem>> -> memref<1x128xi32, #tpu.memory_space<vmem>>
        %dma_wait3A_20 = tpu.memref_squeeze %dma_wait3A_19 : memref<1x128xi32, #tpu.memory_space<vmem>> -> memref<128xi32, #tpu.memory_space<vmem>>
        %dma_wait3A_21 = arith.constant 0 : i32
        %dma_wait3A_22 = arith.constant 0 : i32
        %dma_wait3A_23 = tpu.memref_slice %arg8[%dma_wait3A_21, %dma_wait3A_22] : memref<10240x128xf32, #tpu.memory_space<vmem_shared>> -> memref<10240x128xf32, #tpu.memory_space<vmem_shared>>
        tpu.wait_indirect_dma semaphore(%run_scoped3A : memref<!tpu.dma_semaphore, #tpu.memory_space<semaphore_mem>>) src(%arg7 : memref<128x128xf32, #tpu.memory_space<vmem>>) dst(%dma_wait3A_23 : memref<10240x128xf32, #tpu.memory_space<vmem_shared>>)
        tpu.yield
      }) : () -> ()
    }
    %scan3A_7 = arith.constant 80 : i32
    %barrier3A_8 = arith.constant 0 : index
    tpu.barrier barrier_id(%barrier3A_8)
    %mul3A_9 = arith.constant 640 : i32
    %mul3A_10 = arith.muli %arg1, %mul3A_9 : i32
    %mul3A_11 = arith.constant 640 : i32
    %mul3A_12 = arith.muli %arg1, %mul3A_11 : i32
    "tpu.region"() ({
      %run_scoped3A = tpu.sem_alloc : memref<!tpu.dma_semaphore, #tpu.memory_space<semaphore_mem>>
      %dma_start3A = arith.constant 0 : i32
      %dma_start3A_13 = tpu.memref_slice %arg5[%arg0, %mul3A_12, %dma_start3A] : memref<2x10240x128xf32, #tpu.memory_space<hbm>> -> memref<1x640x128xf32, #tpu.memory_space<hbm>>
      %dma_start3A_14 = tpu.memref_squeeze %dma_start3A_13 : memref<1x640x128xf32, #tpu.memory_space<hbm>> -> memref<640x128xf32, #tpu.memory_space<hbm>>
      %dma_start3A_15 = arith.constant 0 : i32
      %dma_start3A_16 = tpu.memref_slice %arg8[%mul3A_10, %dma_start3A_15] : memref<10240x128xf32, #tpu.memory_space<vmem_shared>> -> memref<640x128xf32, #tpu.memory_space<vmem_shared>>
      tpu.enqueue_dma source(%dma_start3A_16 : memref<640x128xf32, #tpu.memory_space<vmem_shared>>) target(%dma_start3A_14 : memref<640x128xf32, #tpu.memory_space<hbm>>) target_semaphore(%run_scoped3A : memref<!tpu.dma_semaphore, #tpu.memory_space<semaphore_mem>>)
      %dma_wait3A = arith.constant 0 : i32
      %dma_wait3A_17 = tpu.memref_slice %arg5[%arg0, %mul3A_12, %dma_wait3A] : memref<2x10240x128xf32, #tpu.memory_space<hbm>> -> memref<1x640x128xf32, #tpu.memory_space<hbm>>
      %dma_wait3A_18 = tpu.memref_squeeze %dma_wait3A_17 : memref<1x640x128xf32, #tpu.memory_space<hbm>> -> memref<640x128xf32, #tpu.memory_space<hbm>>
      %dma_wait3A_19 = arith.constant 0 : i32
      %dma_wait3A_20 = tpu.memref_slice %arg8[%mul3A_10, %dma_wait3A_19] : memref<10240x128xf32, #tpu.memory_space<vmem_shared>> -> memref<640x128xf32, #tpu.memory_space<vmem_shared>>
      tpu.wait_dma2 semaphore(%run_scoped3A : memref<!tpu.dma_semaphore, #tpu.memory_space<semaphore_mem>>) src(%dma_wait3A_20 : memref<640x128xf32, #tpu.memory_space<vmem_shared>>) dst(%dma_wait3A_18 : memref<640x128xf32, #tpu.memory_space<hbm>>)
      tpu.yield
    }) : () -> ()
    return
  }
}

#map = affine_map<(d0, d1) -> (0, 0)>
#map1 = affine_map<(d0, d1) -> (0, 0, 0)>
module attributes {stable_mosaic.version = 14 : i64} {
  func.func @_agg_only(%arg0: i32, %arg1: i32, %arg2: memref<10240x128xf32, #tpu.memory_space<hbm>>, %arg3: memref<32x80x128xi32, #tpu.memory_space<hbm>>, %arg4: memref<32x80x128xi32, #tpu.memory_space<hbm>>, %arg5: memref<640x128xf32, #tpu.memory_space<hbm>>, %arg6: memref<2x10240x128xf32, #tpu.memory_space<hbm>>, %arg7: memref<80x128xi32, #tpu.memory_space<vmem>>, %arg8: memref<80x128xi32, #tpu.memory_space<vmem>>, %arg9: memref<128x128xf32, #tpu.memory_space<vmem>>, %arg10: memref<10240x128xf32, #tpu.memory_space<vmem_shared>>, %arg11: memref<!tpu.dma_semaphore, #tpu.memory_space<semaphore_mem>>) attributes {dimension_semantics = [#tpu.dimension_semantics<core_parallel>, #tpu.dimension_semantics<subcore_parallel>], iteration_bounds = array<i64: 2, 16>, scalar_prefetch = 0 : i64, scratch_operands = 5 : i64, tpu.core_type = #tpu.core_type<sc_vector_subcore>, window_params = [{transform_indices = #map}, {transform_indices = #map1}, {transform_indices = #map1}, {transform_indices = #map}, {transform_indices = #map1}]} {
    %mul3A = arith.constant 2 : i32
    %mul3A_0 = arith.muli %arg1, %mul3A : i32
    %add3A = arith.addi %mul3A_0, %arg0 : i32
    "tpu.region"() ({
      %run_scoped3A = tpu.sem_alloc : memref<!tpu.dma_semaphore, #tpu.memory_space<semaphore_mem>>
      %dma_start3A = arith.constant 0 : i32
      %dma_start3A_13 = arith.constant 0 : i32
      %dma_start3A_14 = tpu.memref_slice %arg3[%add3A, %dma_start3A, %dma_start3A_13] : memref<32x80x128xi32, #tpu.memory_space<hbm>> -> memref<1x80x128xi32, #tpu.memory_space<hbm>>
      %dma_start3A_15 = tpu.memref_squeeze %dma_start3A_14 : memref<1x80x128xi32, #tpu.memory_space<hbm>> -> memref<80x128xi32, #tpu.memory_space<hbm>>
      %dma_start3A_16 = arith.constant 0 : i32
      %dma_start3A_17 = arith.constant 0 : i32
      %dma_start3A_18 = tpu.memref_slice %arg3[%add3A, %dma_start3A_16, %dma_start3A_17] : memref<32x80x128xi32, #tpu.memory_space<hbm>> -> memref<1x80x128xi32, #tpu.memory_space<hbm>>
      %dma_start3A_19 = tpu.memref_squeeze %dma_start3A_18 : memref<1x80x128xi32, #tpu.memory_space<hbm>> -> memref<80x128xi32, #tpu.memory_space<hbm>>
      tpu.enqueue_dma source(%dma_start3A_19 : memref<80x128xi32, #tpu.memory_space<hbm>>) target(%arg7 : memref<80x128xi32, #tpu.memory_space<vmem>>) target_semaphore(%run_scoped3A : memref<!tpu.dma_semaphore, #tpu.memory_space<semaphore_mem>>)
      %dma_wait3A = arith.constant 0 : i32
      %dma_wait3A_20 = arith.constant 0 : i32
      %dma_wait3A_21 = tpu.memref_slice %arg3[%add3A, %dma_wait3A, %dma_wait3A_20] : memref<32x80x128xi32, #tpu.memory_space<hbm>> -> memref<1x80x128xi32, #tpu.memory_space<hbm>>
      %dma_wait3A_22 = tpu.memref_squeeze %dma_wait3A_21 : memref<1x80x128xi32, #tpu.memory_space<hbm>> -> memref<80x128xi32, #tpu.memory_space<hbm>>
      %dma_wait3A_23 = arith.constant 0 : i32
      %dma_wait3A_24 = arith.constant 0 : i32
      %dma_wait3A_25 = tpu.memref_slice %arg3[%add3A, %dma_wait3A_23, %dma_wait3A_24] : memref<32x80x128xi32, #tpu.memory_space<hbm>> -> memref<1x80x128xi32, #tpu.memory_space<hbm>>
      %dma_wait3A_26 = tpu.memref_squeeze %dma_wait3A_25 : memref<1x80x128xi32, #tpu.memory_space<hbm>> -> memref<80x128xi32, #tpu.memory_space<hbm>>
      tpu.wait_dma2 semaphore(%run_scoped3A : memref<!tpu.dma_semaphore, #tpu.memory_space<semaphore_mem>>) src(%dma_wait3A_26 : memref<80x128xi32, #tpu.memory_space<hbm>>) dst(%arg7 : memref<80x128xi32, #tpu.memory_space<vmem>>)
      tpu.yield
    }) : () -> ()
    "tpu.region"() ({
      %run_scoped3A = tpu.sem_alloc : memref<!tpu.dma_semaphore, #tpu.memory_space<semaphore_mem>>
      %dma_start3A = arith.constant 0 : i32
      %dma_start3A_13 = arith.constant 0 : i32
      %dma_start3A_14 = tpu.memref_slice %arg4[%add3A, %dma_start3A, %dma_start3A_13] : memref<32x80x128xi32, #tpu.memory_space<hbm>> -> memref<1x80x128xi32, #tpu.memory_space<hbm>>
      %dma_start3A_15 = tpu.memref_squeeze %dma_start3A_14 : memref<1x80x128xi32, #tpu.memory_space<hbm>> -> memref<80x128xi32, #tpu.memory_space<hbm>>
      %dma_start3A_16 = arith.constant 0 : i32
      %dma_start3A_17 = arith.constant 0 : i32
      %dma_start3A_18 = tpu.memref_slice %arg4[%add3A, %dma_start3A_16, %dma_start3A_17] : memref<32x80x128xi32, #tpu.memory_space<hbm>> -> memref<1x80x128xi32, #tpu.memory_space<hbm>>
      %dma_start3A_19 = tpu.memref_squeeze %dma_start3A_18 : memref<1x80x128xi32, #tpu.memory_space<hbm>> -> memref<80x128xi32, #tpu.memory_space<hbm>>
      tpu.enqueue_dma source(%dma_start3A_19 : memref<80x128xi32, #tpu.memory_space<hbm>>) target(%arg8 : memref<80x128xi32, #tpu.memory_space<vmem>>) target_semaphore(%run_scoped3A : memref<!tpu.dma_semaphore, #tpu.memory_space<semaphore_mem>>)
      %dma_wait3A = arith.constant 0 : i32
      %dma_wait3A_20 = arith.constant 0 : i32
      %dma_wait3A_21 = tpu.memref_slice %arg4[%add3A, %dma_wait3A, %dma_wait3A_20] : memref<32x80x128xi32, #tpu.memory_space<hbm>> -> memref<1x80x128xi32, #tpu.memory_space<hbm>>
      %dma_wait3A_22 = tpu.memref_squeeze %dma_wait3A_21 : memref<1x80x128xi32, #tpu.memory_space<hbm>> -> memref<80x128xi32, #tpu.memory_space<hbm>>
      %dma_wait3A_23 = arith.constant 0 : i32
      %dma_wait3A_24 = arith.constant 0 : i32
      %dma_wait3A_25 = tpu.memref_slice %arg4[%add3A, %dma_wait3A_23, %dma_wait3A_24] : memref<32x80x128xi32, #tpu.memory_space<hbm>> -> memref<1x80x128xi32, #tpu.memory_space<hbm>>
      %dma_wait3A_26 = tpu.memref_squeeze %dma_wait3A_25 : memref<1x80x128xi32, #tpu.memory_space<hbm>> -> memref<80x128xi32, #tpu.memory_space<hbm>>
      tpu.wait_dma2 semaphore(%run_scoped3A : memref<!tpu.dma_semaphore, #tpu.memory_space<semaphore_mem>>) src(%dma_wait3A_26 : memref<80x128xi32, #tpu.memory_space<hbm>>) dst(%arg8 : memref<80x128xi32, #tpu.memory_space<vmem>>)
      tpu.yield
    }) : () -> ()
    %mul3A_1 = arith.constant 640 : i32
    %mul3A_2 = arith.muli %arg1, %mul3A_1 : i32
    "tpu.region"() ({
      %run_scoped3A = tpu.sem_alloc : memref<!tpu.dma_semaphore, #tpu.memory_space<semaphore_mem>>
      %dma_start3A = arith.constant 0 : i32
      %dma_start3A_13 = tpu.memref_slice %arg10[%mul3A_2, %dma_start3A] : memref<10240x128xf32, #tpu.memory_space<vmem_shared>> -> memref<640x128xf32, #tpu.memory_space<vmem_shared>>
      tpu.enqueue_dma source(%arg5 : memref<640x128xf32, #tpu.memory_space<hbm>>) target(%dma_start3A_13 : memref<640x128xf32, #tpu.memory_space<vmem_shared>>) target_semaphore(%run_scoped3A : memref<!tpu.dma_semaphore, #tpu.memory_space<semaphore_mem>>)
      %dma_wait3A = arith.constant 0 : i32
      %dma_wait3A_14 = tpu.memref_slice %arg10[%mul3A_2, %dma_wait3A] : memref<10240x128xf32, #tpu.memory_space<vmem_shared>> -> memref<640x128xf32, #tpu.memory_space<vmem_shared>>
      tpu.wait_dma2 semaphore(%run_scoped3A : memref<!tpu.dma_semaphore, #tpu.memory_space<semaphore_mem>>) src(%arg5 : memref<640x128xf32, #tpu.memory_space<hbm>>) dst(%dma_wait3A_14 : memref<640x128xf32, #tpu.memory_space<vmem_shared>>)
      tpu.yield
    }) : () -> ()
    %barrier3A = arith.constant 0 : index
    tpu.barrier barrier_id(%barrier3A)
    %scan3A = arith.constant 0 : i32
    %scan3A_3 = arith.constant 0 : i32
    %scan3A_4 = arith.constant 80 : i32
    %scan3A_5 = arith.addi %scan3A_3, %scan3A_4 : i32
    %scan3A_6 = arith.constant 1 : i32
    scf.for %scan3A_13 = %scan3A_3 to %scan3A_5 step %scan3A_6  : i32 {
      %dma_start3A = arith.constant 0 : i32
      %dma_start3A_14 = tpu.memref_slice %arg7[%scan3A_13, %dma_start3A] : memref<80x128xi32, #tpu.memory_space<vmem>> -> memref<1x128xi32, #tpu.memory_space<vmem>>
      %dma_start3A_15 = tpu.memref_squeeze %dma_start3A_14 : memref<1x128xi32, #tpu.memory_space<vmem>> -> memref<128xi32, #tpu.memory_space<vmem>>
      %dma_start3A_16 = arith.constant 0 : i32
      %dma_start3A_17 = arith.constant 0 : i32
      %dma_start3A_18 = tpu.memref_slice %arg2[%dma_start3A_16, %dma_start3A_17] : memref<10240x128xf32, #tpu.memory_space<hbm>> -> memref<10240x128xf32, #tpu.memory_space<hbm>>
      tpu.enqueue_indirect_dma source(%dma_start3A_18 : memref<10240x128xf32, #tpu.memory_space<hbm>>) target(%arg9 : memref<128x128xf32, #tpu.memory_space<vmem>>) offsets(%dma_start3A_15 : memref<128xi32, #tpu.memory_space<vmem>>) semaphore(%arg11 : memref<!tpu.dma_semaphore, #tpu.memory_space<semaphore_mem>>)
      %dma_wait3A = arith.constant 0 : i32
      %dma_wait3A_19 = tpu.memref_slice %arg7[%scan3A_13, %dma_wait3A] : memref<80x128xi32, #tpu.memory_space<vmem>> -> memref<1x128xi32, #tpu.memory_space<vmem>>
      %dma_wait3A_20 = tpu.memref_squeeze %dma_wait3A_19 : memref<1x128xi32, #tpu.memory_space<vmem>> -> memref<128xi32, #tpu.memory_space<vmem>>
      %dma_wait3A_21 = arith.constant 0 : i32
      %dma_wait3A_22 = arith.constant 0 : i32
      %dma_wait3A_23 = tpu.memref_slice %arg2[%dma_wait3A_21, %dma_wait3A_22] : memref<10240x128xf32, #tpu.memory_space<hbm>> -> memref<10240x128xf32, #tpu.memory_space<hbm>>
      tpu.wait_indirect_dma semaphore(%arg11 : memref<!tpu.dma_semaphore, #tpu.memory_space<semaphore_mem>>) src(%dma_wait3A_23 : memref<10240x128xf32, #tpu.memory_space<hbm>>) dst(%arg9 : memref<128x128xf32, #tpu.memory_space<vmem>>)
      "tpu.region"() ({
        %run_scoped3A = tpu.sem_alloc : memref<!tpu.dma_semaphore, #tpu.memory_space<semaphore_mem>>
        %dma_start3A_24 = arith.constant 0 : i32
        %dma_start3A_25 = tpu.memref_slice %arg8[%scan3A_13, %dma_start3A_24] : memref<80x128xi32, #tpu.memory_space<vmem>> -> memref<1x128xi32, #tpu.memory_space<vmem>>
        %dma_start3A_26 = tpu.memref_squeeze %dma_start3A_25 : memref<1x128xi32, #tpu.memory_space<vmem>> -> memref<128xi32, #tpu.memory_space<vmem>>
        %dma_start3A_27 = arith.constant 0 : i32
        %dma_start3A_28 = arith.constant 0 : i32
        %dma_start3A_29 = tpu.memref_slice %arg10[%dma_start3A_27, %dma_start3A_28] : memref<10240x128xf32, #tpu.memory_space<vmem_shared>> -> memref<10240x128xf32, #tpu.memory_space<vmem_shared>>
        tpu.enqueue_indirect_dma source(%arg9 : memref<128x128xf32, #tpu.memory_space<vmem>>) target(%dma_start3A_29 : memref<10240x128xf32, #tpu.memory_space<vmem_shared>>) offsets(%dma_start3A_26 : memref<128xi32, #tpu.memory_space<vmem>>) semaphore(%run_scoped3A : memref<!tpu.dma_semaphore, #tpu.memory_space<semaphore_mem>>) {add = true}
        %dma_wait3A_30 = arith.constant 0 : i32
        %dma_wait3A_31 = tpu.memref_slice %arg8[%scan3A_13, %dma_wait3A_30] : memref<80x128xi32, #tpu.memory_space<vmem>> -> memref<1x128xi32, #tpu.memory_space<vmem>>
        %dma_wait3A_32 = tpu.memref_squeeze %dma_wait3A_31 : memref<1x128xi32, #tpu.memory_space<vmem>> -> memref<128xi32, #tpu.memory_space<vmem>>
        %dma_wait3A_33 = arith.constant 0 : i32
        %dma_wait3A_34 = arith.constant 0 : i32
        %dma_wait3A_35 = tpu.memref_slice %arg10[%dma_wait3A_33, %dma_wait3A_34] : memref<10240x128xf32, #tpu.memory_space<vmem_shared>> -> memref<10240x128xf32, #tpu.memory_space<vmem_shared>>
        tpu.wait_indirect_dma semaphore(%run_scoped3A : memref<!tpu.dma_semaphore, #tpu.memory_space<semaphore_mem>>) src(%arg9 : memref<128x128xf32, #tpu.memory_space<vmem>>) dst(%dma_wait3A_35 : memref<10240x128xf32, #tpu.memory_space<vmem_shared>>)
        tpu.yield
      }) : () -> ()
    }
    %scan3A_7 = arith.constant 80 : i32
    %barrier3A_8 = arith.constant 0 : index
    tpu.barrier barrier_id(%barrier3A_8)
    %mul3A_9 = arith.constant 640 : i32
    %mul3A_10 = arith.muli %arg1, %mul3A_9 : i32
    %mul3A_11 = arith.constant 640 : i32
    %mul3A_12 = arith.muli %arg1, %mul3A_11 : i32
    "tpu.region"() ({
      %run_scoped3A = tpu.sem_alloc : memref<!tpu.dma_semaphore, #tpu.memory_space<semaphore_mem>>
      %dma_start3A = arith.constant 0 : i32
      %dma_start3A_13 = tpu.memref_slice %arg6[%arg0, %mul3A_12, %dma_start3A] : memref<2x10240x128xf32, #tpu.memory_space<hbm>> -> memref<1x640x128xf32, #tpu.memory_space<hbm>>
      %dma_start3A_14 = tpu.memref_squeeze %dma_start3A_13 : memref<1x640x128xf32, #tpu.memory_space<hbm>> -> memref<640x128xf32, #tpu.memory_space<hbm>>
      %dma_start3A_15 = arith.constant 0 : i32
      %dma_start3A_16 = tpu.memref_slice %arg10[%mul3A_10, %dma_start3A_15] : memref<10240x128xf32, #tpu.memory_space<vmem_shared>> -> memref<640x128xf32, #tpu.memory_space<vmem_shared>>
      tpu.enqueue_dma source(%dma_start3A_16 : memref<640x128xf32, #tpu.memory_space<vmem_shared>>) target(%dma_start3A_14 : memref<640x128xf32, #tpu.memory_space<hbm>>) target_semaphore(%run_scoped3A : memref<!tpu.dma_semaphore, #tpu.memory_space<semaphore_mem>>)
      %dma_wait3A = arith.constant 0 : i32
      %dma_wait3A_17 = tpu.memref_slice %arg6[%arg0, %mul3A_12, %dma_wait3A] : memref<2x10240x128xf32, #tpu.memory_space<hbm>> -> memref<1x640x128xf32, #tpu.memory_space<hbm>>
      %dma_wait3A_18 = tpu.memref_squeeze %dma_wait3A_17 : memref<1x640x128xf32, #tpu.memory_space<hbm>> -> memref<640x128xf32, #tpu.memory_space<hbm>>
      %dma_wait3A_19 = arith.constant 0 : i32
      %dma_wait3A_20 = tpu.memref_slice %arg10[%mul3A_10, %dma_wait3A_19] : memref<10240x128xf32, #tpu.memory_space<vmem_shared>> -> memref<640x128xf32, #tpu.memory_space<vmem_shared>>
      tpu.wait_dma2 semaphore(%run_scoped3A : memref<!tpu.dma_semaphore, #tpu.memory_space<semaphore_mem>>) src(%dma_wait3A_20 : memref<640x128xf32, #tpu.memory_space<vmem_shared>>) dst(%dma_wait3A_18 : memref<640x128xf32, #tpu.memory_space<hbm>>)
      tpu.yield
    }) : () -> ()
    return
  }
}

#map = affine_map<(d0, d1) -> (0, 0)>
#map1 = affine_map<(d0, d1) -> (0, 0, 0)>
module attributes {stable_mosaic.version = 14 : i64} {
  func.func @_agg_only(%arg0: i32, %arg1: i32, %arg2: memref<10240x128xf32, #tpu.memory_space<hbm>>, %arg3: memref<32x80x128xi32, #tpu.memory_space<hbm>>, %arg4: memref<32x80x128xi32, #tpu.memory_space<hbm>>, %arg5: memref<640x128xf32, #tpu.memory_space<hbm>>, %arg6: memref<2x10240x128xf32, #tpu.memory_space<hbm>>, %arg7: memref<80x128xi32, #tpu.memory_space<vmem>>, %arg8: memref<80x128xi32, #tpu.memory_space<vmem>>, %arg9: memref<128x128xf32, #tpu.memory_space<vmem>>, %arg10: memref<10240x128xf32, #tpu.memory_space<vmem_shared>>, %arg11: memref<!tpu.dma_semaphore, #tpu.memory_space<semaphore_mem>>) attributes {dimension_semantics = [#tpu.dimension_semantics<core_parallel>, #tpu.dimension_semantics<subcore_parallel>], iteration_bounds = array<i64: 2, 16>, scalar_prefetch = 0 : i64, scratch_operands = 5 : i64, tpu.core_type = #tpu.core_type<sc_vector_subcore>, window_params = [{transform_indices = #map}, {transform_indices = #map1}, {transform_indices = #map1}, {transform_indices = #map}, {transform_indices = #map1}]} {
    %mul3A = arith.constant 2 : i32
    %mul3A_0 = arith.muli %arg1, %mul3A : i32
    %add3A = arith.addi %mul3A_0, %arg0 : i32
    "tpu.region"() ({
      %run_scoped3A = tpu.sem_alloc : memref<!tpu.dma_semaphore, #tpu.memory_space<semaphore_mem>>
      %dma_start3A = arith.constant 0 : i32
      %dma_start3A_13 = arith.constant 0 : i32
      %dma_start3A_14 = tpu.memref_slice %arg3[%add3A, %dma_start3A, %dma_start3A_13] : memref<32x80x128xi32, #tpu.memory_space<hbm>> -> memref<1x80x128xi32, #tpu.memory_space<hbm>>
      %dma_start3A_15 = tpu.memref_squeeze %dma_start3A_14 : memref<1x80x128xi32, #tpu.memory_space<hbm>> -> memref<80x128xi32, #tpu.memory_space<hbm>>
      %dma_start3A_16 = arith.constant 0 : i32
      %dma_start3A_17 = arith.constant 0 : i32
      %dma_start3A_18 = tpu.memref_slice %arg3[%add3A, %dma_start3A_16, %dma_start3A_17] : memref<32x80x128xi32, #tpu.memory_space<hbm>> -> memref<1x80x128xi32, #tpu.memory_space<hbm>>
      %dma_start3A_19 = tpu.memref_squeeze %dma_start3A_18 : memref<1x80x128xi32, #tpu.memory_space<hbm>> -> memref<80x128xi32, #tpu.memory_space<hbm>>
      tpu.enqueue_dma source(%dma_start3A_19 : memref<80x128xi32, #tpu.memory_space<hbm>>) target(%arg7 : memref<80x128xi32, #tpu.memory_space<vmem>>) target_semaphore(%run_scoped3A : memref<!tpu.dma_semaphore, #tpu.memory_space<semaphore_mem>>)
      %dma_wait3A = arith.constant 0 : i32
      %dma_wait3A_20 = arith.constant 0 : i32
      %dma_wait3A_21 = tpu.memref_slice %arg3[%add3A, %dma_wait3A, %dma_wait3A_20] : memref<32x80x128xi32, #tpu.memory_space<hbm>> -> memref<1x80x128xi32, #tpu.memory_space<hbm>>
      %dma_wait3A_22 = tpu.memref_squeeze %dma_wait3A_21 : memref<1x80x128xi32, #tpu.memory_space<hbm>> -> memref<80x128xi32, #tpu.memory_space<hbm>>
      %dma_wait3A_23 = arith.constant 0 : i32
      %dma_wait3A_24 = arith.constant 0 : i32
      %dma_wait3A_25 = tpu.memref_slice %arg3[%add3A, %dma_wait3A_23, %dma_wait3A_24] : memref<32x80x128xi32, #tpu.memory_space<hbm>> -> memref<1x80x128xi32, #tpu.memory_space<hbm>>
      %dma_wait3A_26 = tpu.memref_squeeze %dma_wait3A_25 : memref<1x80x128xi32, #tpu.memory_space<hbm>> -> memref<80x128xi32, #tpu.memory_space<hbm>>
      tpu.wait_dma2 semaphore(%run_scoped3A : memref<!tpu.dma_semaphore, #tpu.memory_space<semaphore_mem>>) src(%dma_wait3A_26 : memref<80x128xi32, #tpu.memory_space<hbm>>) dst(%arg7 : memref<80x128xi32, #tpu.memory_space<vmem>>)
      tpu.yield
    }) : () -> ()
    "tpu.region"() ({
      %run_scoped3A = tpu.sem_alloc : memref<!tpu.dma_semaphore, #tpu.memory_space<semaphore_mem>>
      %dma_start3A = arith.constant 0 : i32
      %dma_start3A_13 = arith.constant 0 : i32
      %dma_start3A_14 = tpu.memref_slice %arg4[%add3A, %dma_start3A, %dma_start3A_13] : memref<32x80x128xi32, #tpu.memory_space<hbm>> -> memref<1x80x128xi32, #tpu.memory_space<hbm>>
      %dma_start3A_15 = tpu.memref_squeeze %dma_start3A_14 : memref<1x80x128xi32, #tpu.memory_space<hbm>> -> memref<80x128xi32, #tpu.memory_space<hbm>>
      %dma_start3A_16 = arith.constant 0 : i32
      %dma_start3A_17 = arith.constant 0 : i32
      %dma_start3A_18 = tpu.memref_slice %arg4[%add3A, %dma_start3A_16, %dma_start3A_17] : memref<32x80x128xi32, #tpu.memory_space<hbm>> -> memref<1x80x128xi32, #tpu.memory_space<hbm>>
      %dma_start3A_19 = tpu.memref_squeeze %dma_start3A_18 : memref<1x80x128xi32, #tpu.memory_space<hbm>> -> memref<80x128xi32, #tpu.memory_space<hbm>>
      tpu.enqueue_dma source(%dma_start3A_19 : memref<80x128xi32, #tpu.memory_space<hbm>>) target(%arg8 : memref<80x128xi32, #tpu.memory_space<vmem>>) target_semaphore(%run_scoped3A : memref<!tpu.dma_semaphore, #tpu.memory_space<semaphore_mem>>)
      %dma_wait3A = arith.constant 0 : i32
      %dma_wait3A_20 = arith.constant 0 : i32
      %dma_wait3A_21 = tpu.memref_slice %arg4[%add3A, %dma_wait3A, %dma_wait3A_20] : memref<32x80x128xi32, #tpu.memory_space<hbm>> -> memref<1x80x128xi32, #tpu.memory_space<hbm>>
      %dma_wait3A_22 = tpu.memref_squeeze %dma_wait3A_21 : memref<1x80x128xi32, #tpu.memory_space<hbm>> -> memref<80x128xi32, #tpu.memory_space<hbm>>
      %dma_wait3A_23 = arith.constant 0 : i32
      %dma_wait3A_24 = arith.constant 0 : i32
      %dma_wait3A_25 = tpu.memref_slice %arg4[%add3A, %dma_wait3A_23, %dma_wait3A_24] : memref<32x80x128xi32, #tpu.memory_space<hbm>> -> memref<1x80x128xi32, #tpu.memory_space<hbm>>
      %dma_wait3A_26 = tpu.memref_squeeze %dma_wait3A_25 : memref<1x80x128xi32, #tpu.memory_space<hbm>> -> memref<80x128xi32, #tpu.memory_space<hbm>>
      tpu.wait_dma2 semaphore(%run_scoped3A : memref<!tpu.dma_semaphore, #tpu.memory_space<semaphore_mem>>) src(%dma_wait3A_26 : memref<80x128xi32, #tpu.memory_space<hbm>>) dst(%arg8 : memref<80x128xi32, #tpu.memory_space<vmem>>)
      tpu.yield
    }) : () -> ()
    %mul3A_1 = arith.constant 640 : i32
    %mul3A_2 = arith.muli %arg1, %mul3A_1 : i32
    "tpu.region"() ({
      %run_scoped3A = tpu.sem_alloc : memref<!tpu.dma_semaphore, #tpu.memory_space<semaphore_mem>>
      %dma_start3A = arith.constant 0 : i32
      %dma_start3A_13 = tpu.memref_slice %arg10[%mul3A_2, %dma_start3A] : memref<10240x128xf32, #tpu.memory_space<vmem_shared>> -> memref<640x128xf32, #tpu.memory_space<vmem_shared>>
      tpu.enqueue_dma source(%arg5 : memref<640x128xf32, #tpu.memory_space<hbm>>) target(%dma_start3A_13 : memref<640x128xf32, #tpu.memory_space<vmem_shared>>) target_semaphore(%run_scoped3A : memref<!tpu.dma_semaphore, #tpu.memory_space<semaphore_mem>>)
      %dma_wait3A = arith.constant 0 : i32
      %dma_wait3A_14 = tpu.memref_slice %arg10[%mul3A_2, %dma_wait3A] : memref<10240x128xf32, #tpu.memory_space<vmem_shared>> -> memref<640x128xf32, #tpu.memory_space<vmem_shared>>
      tpu.wait_dma2 semaphore(%run_scoped3A : memref<!tpu.dma_semaphore, #tpu.memory_space<semaphore_mem>>) src(%arg5 : memref<640x128xf32, #tpu.memory_space<hbm>>) dst(%dma_wait3A_14 : memref<640x128xf32, #tpu.memory_space<vmem_shared>>)
      tpu.yield
    }) : () -> ()
    %barrier3A = arith.constant 0 : index
    tpu.barrier barrier_id(%barrier3A)
    %scan3A = arith.constant 0 : i32
    %scan3A_3 = arith.constant 0 : i32
    %scan3A_4 = arith.constant 80 : i32
    %scan3A_5 = arith.addi %scan3A_3, %scan3A_4 : i32
    %scan3A_6 = arith.constant 1 : i32
    scf.for %scan3A_13 = %scan3A_3 to %scan3A_5 step %scan3A_6  : i32 {
      %dma_start3A = arith.constant 0 : i32
      %dma_start3A_14 = tpu.memref_slice %arg7[%scan3A_13, %dma_start3A] : memref<80x128xi32, #tpu.memory_space<vmem>> -> memref<1x128xi32, #tpu.memory_space<vmem>>
      %dma_start3A_15 = tpu.memref_squeeze %dma_start3A_14 : memref<1x128xi32, #tpu.memory_space<vmem>> -> memref<128xi32, #tpu.memory_space<vmem>>
      %dma_start3A_16 = arith.constant 0 : i32
      %dma_start3A_17 = arith.constant 0 : i32
      %dma_start3A_18 = tpu.memref_slice %arg2[%dma_start3A_16, %dma_start3A_17] : memref<10240x128xf32, #tpu.memory_space<hbm>> -> memref<10240x128xf32, #tpu.memory_space<hbm>>
      tpu.enqueue_indirect_dma source(%dma_start3A_18 : memref<10240x128xf32, #tpu.memory_space<hbm>>) target(%arg9 : memref<128x128xf32, #tpu.memory_space<vmem>>) offsets(%dma_start3A_15 : memref<128xi32, #tpu.memory_space<vmem>>) semaphore(%arg11 : memref<!tpu.dma_semaphore, #tpu.memory_space<semaphore_mem>>)
      %dma_wait3A = arith.constant 0 : i32
      %dma_wait3A_19 = tpu.memref_slice %arg7[%scan3A_13, %dma_wait3A] : memref<80x128xi32, #tpu.memory_space<vmem>> -> memref<1x128xi32, #tpu.memory_space<vmem>>
      %dma_wait3A_20 = tpu.memref_squeeze %dma_wait3A_19 : memref<1x128xi32, #tpu.memory_space<vmem>> -> memref<128xi32, #tpu.memory_space<vmem>>
      %dma_wait3A_21 = arith.constant 0 : i32
      %dma_wait3A_22 = arith.constant 0 : i32
      %dma_wait3A_23 = tpu.memref_slice %arg2[%dma_wait3A_21, %dma_wait3A_22] : memref<10240x128xf32, #tpu.memory_space<hbm>> -> memref<10240x128xf32, #tpu.memory_space<hbm>>
      tpu.wait_indirect_dma semaphore(%arg11 : memref<!tpu.dma_semaphore, #tpu.memory_space<semaphore_mem>>) src(%dma_wait3A_23 : memref<10240x128xf32, #tpu.memory_space<hbm>>) dst(%arg9 : memref<128x128xf32, #tpu.memory_space<vmem>>)
      "tpu.region"() ({
        %run_scoped3A = tpu.sem_alloc : memref<!tpu.dma_semaphore, #tpu.memory_space<semaphore_mem>>
        %dma_start3A_24 = arith.constant 0 : i32
        %dma_start3A_25 = tpu.memref_slice %arg8[%scan3A_13, %dma_start3A_24] : memref<80x128xi32, #tpu.memory_space<vmem>> -> memref<1x128xi32, #tpu.memory_space<vmem>>
        %dma_start3A_26 = tpu.memref_squeeze %dma_start3A_25 : memref<1x128xi32, #tpu.memory_space<vmem>> -> memref<128xi32, #tpu.memory_space<vmem>>
        %dma_start3A_27 = arith.constant 0 : i32
        %dma_start3A_28 = arith.constant 0 : i32
        %dma_start3A_29 = tpu.memref_slice %arg10[%dma_start3A_27, %dma_start3A_28] : memref<10240x128xf32, #tpu.memory_space<vmem_shared>> -> memref<10240x128xf32, #tpu.memory_space<vmem_shared>>
        tpu.enqueue_indirect_dma source(%arg9 : memref<128x128xf32, #tpu.memory_space<vmem>>) target(%dma_start3A_29 : memref<10240x128xf32, #tpu.memory_space<vmem_shared>>) offsets(%dma_start3A_26 : memref<128xi32, #tpu.memory_space<vmem>>) semaphore(%run_scoped3A : memref<!tpu.dma_semaphore, #tpu.memory_space<semaphore_mem>>) {add = true}
        %dma_wait3A_30 = arith.constant 0 : i32
        %dma_wait3A_31 = tpu.memref_slice %arg8[%scan3A_13, %dma_wait3A_30] : memref<80x128xi32, #tpu.memory_space<vmem>> -> memref<1x128xi32, #tpu.memory_space<vmem>>
        %dma_wait3A_32 = tpu.memref_squeeze %dma_wait3A_31 : memref<1x128xi32, #tpu.memory_space<vmem>> -> memref<128xi32, #tpu.memory_space<vmem>>
        %dma_wait3A_33 = arith.constant 0 : i32
        %dma_wait3A_34 = arith.constant 0 : i32
        %dma_wait3A_35 = tpu.memref_slice %arg10[%dma_wait3A_33, %dma_wait3A_34] : memref<10240x128xf32, #tpu.memory_space<vmem_shared>> -> memref<10240x128xf32, #tpu.memory_space<vmem_shared>>
        tpu.wait_indirect_dma semaphore(%run_scoped3A : memref<!tpu.dma_semaphore, #tpu.memory_space<semaphore_mem>>) src(%arg9 : memref<128x128xf32, #tpu.memory_space<vmem>>) dst(%dma_wait3A_35 : memref<10240x128xf32, #tpu.memory_space<vmem_shared>>)
        tpu.yield
      }) : () -> ()
    }
    %scan3A_7 = arith.constant 80 : i32
    %barrier3A_8 = arith.constant 0 : index
    tpu.barrier barrier_id(%barrier3A_8)
    %mul3A_9 = arith.constant 640 : i32
    %mul3A_10 = arith.muli %arg1, %mul3A_9 : i32
    %mul3A_11 = arith.constant 640 : i32
    %mul3A_12 = arith.muli %arg1, %mul3A_11 : i32
    "tpu.region"() ({
      %run_scoped3A = tpu.sem_alloc : memref<!tpu.dma_semaphore, #tpu.memory_space<semaphore_mem>>
      %dma_start3A = arith.constant 0 : i32
      %dma_start3A_13 = tpu.memref_slice %arg6[%arg0, %mul3A_12, %dma_start3A] : memref<2x10240x128xf32, #tpu.memory_space<hbm>> -> memref<1x640x128xf32, #tpu.memory_space<hbm>>
      %dma_start3A_14 = tpu.memref_squeeze %dma_start3A_13 : memref<1x640x128xf32, #tpu.memory_space<hbm>> -> memref<640x128xf32, #tpu.memory_space<hbm>>
      %dma_start3A_15 = arith.constant 0 : i32
      %dma_start3A_16 = tpu.memref_slice %arg10[%mul3A_10, %dma_start3A_15] : memref<10240x128xf32, #tpu.memory_space<vmem_shared>> -> memref<640x128xf32, #tpu.memory_space<vmem_shared>>
      tpu.enqueue_dma source(%dma_start3A_16 : memref<640x128xf32, #tpu.memory_space<vmem_shared>>) target(%dma_start3A_14 : memref<640x128xf32, #tpu.memory_space<hbm>>) target_semaphore(%run_scoped3A : memref<!tpu.dma_semaphore, #tpu.memory_space<semaphore_mem>>)
      %dma_wait3A = arith.constant 0 : i32
      %dma_wait3A_17 = tpu.memref_slice %arg6[%arg0, %mul3A_12, %dma_wait3A] : memref<2x10240x128xf32, #tpu.memory_space<hbm>> -> memref<1x640x128xf32, #tpu.memory_space<hbm>>
      %dma_wait3A_18 = tpu.memref_squeeze %dma_wait3A_17 : memref<1x640x128xf32, #tpu.memory_space<hbm>> -> memref<640x128xf32, #tpu.memory_space<hbm>>
      %dma_wait3A_19 = arith.constant 0 : i32
      %dma_wait3A_20 = tpu.memref_slice %arg10[%mul3A_10, %dma_wait3A_19] : memref<10240x128xf32, #tpu.memory_space<vmem_shared>> -> memref<640x128xf32, #tpu.memory_space<vmem_shared>>
      tpu.wait_dma2 semaphore(%run_scoped3A : memref<!tpu.dma_semaphore, #tpu.memory_space<semaphore_mem>>) src(%dma_wait3A_20 : memref<640x128xf32, #tpu.memory_space<vmem_shared>>) dst(%dma_wait3A_18 : memref<640x128xf32, #tpu.memory_space<hbm>>)
      tpu.yield
    }) : () -> ()
    return
  }
}

#map = affine_map<(d0, d1) -> (0, 0)>
#map1 = affine_map<(d0, d1) -> (0, 0, 0)>
module attributes {stable_mosaic.version = 14 : i64} {
  func.func @_agg_only(%arg0: i32, %arg1: i32, %arg2: memref<10240x128xf32, #tpu.memory_space<hbm>>, %arg3: memref<32x80x128xi32, #tpu.memory_space<hbm>>, %arg4: memref<32x80x128xi32, #tpu.memory_space<hbm>>, %arg5: memref<640x128xf32, #tpu.memory_space<hbm>>, %arg6: memref<2x10240x128xf32, #tpu.memory_space<hbm>>, %arg7: memref<80x128xi32, #tpu.memory_space<vmem>>, %arg8: memref<80x128xi32, #tpu.memory_space<vmem>>, %arg9: memref<128x128xf32, #tpu.memory_space<vmem>>, %arg10: memref<10240x128xf32, #tpu.memory_space<vmem_shared>>, %arg11: memref<!tpu.dma_semaphore, #tpu.memory_space<semaphore_mem>>) attributes {dimension_semantics = [#tpu.dimension_semantics<core_parallel>, #tpu.dimension_semantics<subcore_parallel>], iteration_bounds = array<i64: 2, 16>, scalar_prefetch = 0 : i64, scratch_operands = 5 : i64, tpu.core_type = #tpu.core_type<sc_vector_subcore>, window_params = [{transform_indices = #map}, {transform_indices = #map1}, {transform_indices = #map1}, {transform_indices = #map}, {transform_indices = #map1}]} {
    %mul3A = arith.constant 2 : i32
    %mul3A_0 = arith.muli %arg1, %mul3A : i32
    %add3A = arith.addi %mul3A_0, %arg0 : i32
    "tpu.region"() ({
      %run_scoped3A = tpu.sem_alloc : memref<!tpu.dma_semaphore, #tpu.memory_space<semaphore_mem>>
      %dma_start3A = arith.constant 0 : i32
      %dma_start3A_13 = arith.constant 0 : i32
      %dma_start3A_14 = tpu.memref_slice %arg3[%add3A, %dma_start3A, %dma_start3A_13] : memref<32x80x128xi32, #tpu.memory_space<hbm>> -> memref<1x80x128xi32, #tpu.memory_space<hbm>>
      %dma_start3A_15 = tpu.memref_squeeze %dma_start3A_14 : memref<1x80x128xi32, #tpu.memory_space<hbm>> -> memref<80x128xi32, #tpu.memory_space<hbm>>
      %dma_start3A_16 = arith.constant 0 : i32
      %dma_start3A_17 = arith.constant 0 : i32
      %dma_start3A_18 = tpu.memref_slice %arg3[%add3A, %dma_start3A_16, %dma_start3A_17] : memref<32x80x128xi32, #tpu.memory_space<hbm>> -> memref<1x80x128xi32, #tpu.memory_space<hbm>>
      %dma_start3A_19 = tpu.memref_squeeze %dma_start3A_18 : memref<1x80x128xi32, #tpu.memory_space<hbm>> -> memref<80x128xi32, #tpu.memory_space<hbm>>
      tpu.enqueue_dma source(%dma_start3A_19 : memref<80x128xi32, #tpu.memory_space<hbm>>) target(%arg7 : memref<80x128xi32, #tpu.memory_space<vmem>>) target_semaphore(%run_scoped3A : memref<!tpu.dma_semaphore, #tpu.memory_space<semaphore_mem>>)
      %dma_wait3A = arith.constant 0 : i32
      %dma_wait3A_20 = arith.constant 0 : i32
      %dma_wait3A_21 = tpu.memref_slice %arg3[%add3A, %dma_wait3A, %dma_wait3A_20] : memref<32x80x128xi32, #tpu.memory_space<hbm>> -> memref<1x80x128xi32, #tpu.memory_space<hbm>>
      %dma_wait3A_22 = tpu.memref_squeeze %dma_wait3A_21 : memref<1x80x128xi32, #tpu.memory_space<hbm>> -> memref<80x128xi32, #tpu.memory_space<hbm>>
      %dma_wait3A_23 = arith.constant 0 : i32
      %dma_wait3A_24 = arith.constant 0 : i32
      %dma_wait3A_25 = tpu.memref_slice %arg3[%add3A, %dma_wait3A_23, %dma_wait3A_24] : memref<32x80x128xi32, #tpu.memory_space<hbm>> -> memref<1x80x128xi32, #tpu.memory_space<hbm>>
      %dma_wait3A_26 = tpu.memref_squeeze %dma_wait3A_25 : memref<1x80x128xi32, #tpu.memory_space<hbm>> -> memref<80x128xi32, #tpu.memory_space<hbm>>
      tpu.wait_dma2 semaphore(%run_scoped3A : memref<!tpu.dma_semaphore, #tpu.memory_space<semaphore_mem>>) src(%dma_wait3A_26 : memref<80x128xi32, #tpu.memory_space<hbm>>) dst(%arg7 : memref<80x128xi32, #tpu.memory_space<vmem>>)
      tpu.yield
    }) : () -> ()
    "tpu.region"() ({
      %run_scoped3A = tpu.sem_alloc : memref<!tpu.dma_semaphore, #tpu.memory_space<semaphore_mem>>
      %dma_start3A = arith.constant 0 : i32
      %dma_start3A_13 = arith.constant 0 : i32
      %dma_start3A_14 = tpu.memref_slice %arg4[%add3A, %dma_start3A, %dma_start3A_13] : memref<32x80x128xi32, #tpu.memory_space<hbm>> -> memref<1x80x128xi32, #tpu.memory_space<hbm>>
      %dma_start3A_15 = tpu.memref_squeeze %dma_start3A_14 : memref<1x80x128xi32, #tpu.memory_space<hbm>> -> memref<80x128xi32, #tpu.memory_space<hbm>>
      %dma_start3A_16 = arith.constant 0 : i32
      %dma_start3A_17 = arith.constant 0 : i32
      %dma_start3A_18 = tpu.memref_slice %arg4[%add3A, %dma_start3A_16, %dma_start3A_17] : memref<32x80x128xi32, #tpu.memory_space<hbm>> -> memref<1x80x128xi32, #tpu.memory_space<hbm>>
      %dma_start3A_19 = tpu.memref_squeeze %dma_start3A_18 : memref<1x80x128xi32, #tpu.memory_space<hbm>> -> memref<80x128xi32, #tpu.memory_space<hbm>>
      tpu.enqueue_dma source(%dma_start3A_19 : memref<80x128xi32, #tpu.memory_space<hbm>>) target(%arg8 : memref<80x128xi32, #tpu.memory_space<vmem>>) target_semaphore(%run_scoped3A : memref<!tpu.dma_semaphore, #tpu.memory_space<semaphore_mem>>)
      %dma_wait3A = arith.constant 0 : i32
      %dma_wait3A_20 = arith.constant 0 : i32
      %dma_wait3A_21 = tpu.memref_slice %arg4[%add3A, %dma_wait3A, %dma_wait3A_20] : memref<32x80x128xi32, #tpu.memory_space<hbm>> -> memref<1x80x128xi32, #tpu.memory_space<hbm>>
      %dma_wait3A_22 = tpu.memref_squeeze %dma_wait3A_21 : memref<1x80x128xi32, #tpu.memory_space<hbm>> -> memref<80x128xi32, #tpu.memory_space<hbm>>
      %dma_wait3A_23 = arith.constant 0 : i32
      %dma_wait3A_24 = arith.constant 0 : i32
      %dma_wait3A_25 = tpu.memref_slice %arg4[%add3A, %dma_wait3A_23, %dma_wait3A_24] : memref<32x80x128xi32, #tpu.memory_space<hbm>> -> memref<1x80x128xi32, #tpu.memory_space<hbm>>
      %dma_wait3A_26 = tpu.memref_squeeze %dma_wait3A_25 : memref<1x80x128xi32, #tpu.memory_space<hbm>> -> memref<80x128xi32, #tpu.memory_space<hbm>>
      tpu.wait_dma2 semaphore(%run_scoped3A : memref<!tpu.dma_semaphore, #tpu.memory_space<semaphore_mem>>) src(%dma_wait3A_26 : memref<80x128xi32, #tpu.memory_space<hbm>>) dst(%arg8 : memref<80x128xi32, #tpu.memory_space<vmem>>)
      tpu.yield
    }) : () -> ()
    %mul3A_1 = arith.constant 640 : i32
    %mul3A_2 = arith.muli %arg1, %mul3A_1 : i32
    "tpu.region"() ({
      %run_scoped3A = tpu.sem_alloc : memref<!tpu.dma_semaphore, #tpu.memory_space<semaphore_mem>>
      %dma_start3A = arith.constant 0 : i32
      %dma_start3A_13 = tpu.memref_slice %arg10[%mul3A_2, %dma_start3A] : memref<10240x128xf32, #tpu.memory_space<vmem_shared>> -> memref<640x128xf32, #tpu.memory_space<vmem_shared>>
      tpu.enqueue_dma source(%arg5 : memref<640x128xf32, #tpu.memory_space<hbm>>) target(%dma_start3A_13 : memref<640x128xf32, #tpu.memory_space<vmem_shared>>) target_semaphore(%run_scoped3A : memref<!tpu.dma_semaphore, #tpu.memory_space<semaphore_mem>>)
      %dma_wait3A = arith.constant 0 : i32
      %dma_wait3A_14 = tpu.memref_slice %arg10[%mul3A_2, %dma_wait3A] : memref<10240x128xf32, #tpu.memory_space<vmem_shared>> -> memref<640x128xf32, #tpu.memory_space<vmem_shared>>
      tpu.wait_dma2 semaphore(%run_scoped3A : memref<!tpu.dma_semaphore, #tpu.memory_space<semaphore_mem>>) src(%arg5 : memref<640x128xf32, #tpu.memory_space<hbm>>) dst(%dma_wait3A_14 : memref<640x128xf32, #tpu.memory_space<vmem_shared>>)
      tpu.yield
    }) : () -> ()
    %barrier3A = arith.constant 0 : index
    tpu.barrier barrier_id(%barrier3A)
    %scan3A = arith.constant 0 : i32
    %scan3A_3 = arith.constant 0 : i32
    %scan3A_4 = arith.constant 80 : i32
    %scan3A_5 = arith.addi %scan3A_3, %scan3A_4 : i32
    %scan3A_6 = arith.constant 1 : i32
    scf.for %scan3A_13 = %scan3A_3 to %scan3A_5 step %scan3A_6  : i32 {
      %dma_start3A = arith.constant 0 : i32
      %dma_start3A_14 = tpu.memref_slice %arg7[%scan3A_13, %dma_start3A] : memref<80x128xi32, #tpu.memory_space<vmem>> -> memref<1x128xi32, #tpu.memory_space<vmem>>
      %dma_start3A_15 = tpu.memref_squeeze %dma_start3A_14 : memref<1x128xi32, #tpu.memory_space<vmem>> -> memref<128xi32, #tpu.memory_space<vmem>>
      %dma_start3A_16 = arith.constant 0 : i32
      %dma_start3A_17 = arith.constant 0 : i32
      %dma_start3A_18 = tpu.memref_slice %arg2[%dma_start3A_16, %dma_start3A_17] : memref<10240x128xf32, #tpu.memory_space<hbm>> -> memref<10240x128xf32, #tpu.memory_space<hbm>>
      tpu.enqueue_indirect_dma source(%dma_start3A_18 : memref<10240x128xf32, #tpu.memory_space<hbm>>) target(%arg9 : memref<128x128xf32, #tpu.memory_space<vmem>>) offsets(%dma_start3A_15 : memref<128xi32, #tpu.memory_space<vmem>>) semaphore(%arg11 : memref<!tpu.dma_semaphore, #tpu.memory_space<semaphore_mem>>)
      %dma_wait3A = arith.constant 0 : i32
      %dma_wait3A_19 = tpu.memref_slice %arg7[%scan3A_13, %dma_wait3A] : memref<80x128xi32, #tpu.memory_space<vmem>> -> memref<1x128xi32, #tpu.memory_space<vmem>>
      %dma_wait3A_20 = tpu.memref_squeeze %dma_wait3A_19 : memref<1x128xi32, #tpu.memory_space<vmem>> -> memref<128xi32, #tpu.memory_space<vmem>>
      %dma_wait3A_21 = arith.constant 0 : i32
      %dma_wait3A_22 = arith.constant 0 : i32
      %dma_wait3A_23 = tpu.memref_slice %arg2[%dma_wait3A_21, %dma_wait3A_22] : memref<10240x128xf32, #tpu.memory_space<hbm>> -> memref<10240x128xf32, #tpu.memory_space<hbm>>
      tpu.wait_indirect_dma semaphore(%arg11 : memref<!tpu.dma_semaphore, #tpu.memory_space<semaphore_mem>>) src(%dma_wait3A_23 : memref<10240x128xf32, #tpu.memory_space<hbm>>) dst(%arg9 : memref<128x128xf32, #tpu.memory_space<vmem>>)
      "tpu.region"() ({
        %run_scoped3A = tpu.sem_alloc : memref<!tpu.dma_semaphore, #tpu.memory_space<semaphore_mem>>
        %dma_start3A_24 = arith.constant 0 : i32
        %dma_start3A_25 = tpu.memref_slice %arg8[%scan3A_13, %dma_start3A_24] : memref<80x128xi32, #tpu.memory_space<vmem>> -> memref<1x128xi32, #tpu.memory_space<vmem>>
        %dma_start3A_26 = tpu.memref_squeeze %dma_start3A_25 : memref<1x128xi32, #tpu.memory_space<vmem>> -> memref<128xi32, #tpu.memory_space<vmem>>
        %dma_start3A_27 = arith.constant 0 : i32
        %dma_start3A_28 = arith.constant 0 : i32
        %dma_start3A_29 = tpu.memref_slice %arg10[%dma_start3A_27, %dma_start3A_28] : memref<10240x128xf32, #tpu.memory_space<vmem_shared>> -> memref<10240x128xf32, #tpu.memory_space<vmem_shared>>
        tpu.enqueue_indirect_dma source(%arg9 : memref<128x128xf32, #tpu.memory_space<vmem>>) target(%dma_start3A_29 : memref<10240x128xf32, #tpu.memory_space<vmem_shared>>) offsets(%dma_start3A_26 : memref<128xi32, #tpu.memory_space<vmem>>) semaphore(%run_scoped3A : memref<!tpu.dma_semaphore, #tpu.memory_space<semaphore_mem>>) {add = true}
        %dma_wait3A_30 = arith.constant 0 : i32
        %dma_wait3A_31 = tpu.memref_slice %arg8[%scan3A_13, %dma_wait3A_30] : memref<80x128xi32, #tpu.memory_space<vmem>> -> memref<1x128xi32, #tpu.memory_space<vmem>>
        %dma_wait3A_32 = tpu.memref_squeeze %dma_wait3A_31 : memref<1x128xi32, #tpu.memory_space<vmem>> -> memref<128xi32, #tpu.memory_space<vmem>>
        %dma_wait3A_33 = arith.constant 0 : i32
        %dma_wait3A_34 = arith.constant 0 : i32
        %dma_wait3A_35 = tpu.memref_slice %arg10[%dma_wait3A_33, %dma_wait3A_34] : memref<10240x128xf32, #tpu.memory_space<vmem_shared>> -> memref<10240x128xf32, #tpu.memory_space<vmem_shared>>
        tpu.wait_indirect_dma semaphore(%run_scoped3A : memref<!tpu.dma_semaphore, #tpu.memory_space<semaphore_mem>>) src(%arg9 : memref<128x128xf32, #tpu.memory_space<vmem>>) dst(%dma_wait3A_35 : memref<10240x128xf32, #tpu.memory_space<vmem_shared>>)
        tpu.yield
      }) : () -> ()
    }
    %scan3A_7 = arith.constant 80 : i32
    %barrier3A_8 = arith.constant 0 : index
    tpu.barrier barrier_id(%barrier3A_8)
    %mul3A_9 = arith.constant 640 : i32
    %mul3A_10 = arith.muli %arg1, %mul3A_9 : i32
    %mul3A_11 = arith.constant 640 : i32
    %mul3A_12 = arith.muli %arg1, %mul3A_11 : i32
    "tpu.region"() ({
      %run_scoped3A = tpu.sem_alloc : memref<!tpu.dma_semaphore, #tpu.memory_space<semaphore_mem>>
      %dma_start3A = arith.constant 0 : i32
      %dma_start3A_13 = tpu.memref_slice %arg6[%arg0, %mul3A_12, %dma_start3A] : memref<2x10240x128xf32, #tpu.memory_space<hbm>> -> memref<1x640x128xf32, #tpu.memory_space<hbm>>
      %dma_start3A_14 = tpu.memref_squeeze %dma_start3A_13 : memref<1x640x128xf32, #tpu.memory_space<hbm>> -> memref<640x128xf32, #tpu.memory_space<hbm>>
      %dma_start3A_15 = arith.constant 0 : i32
      %dma_start3A_16 = tpu.memref_slice %arg10[%mul3A_10, %dma_start3A_15] : memref<10240x128xf32, #tpu.memory_space<vmem_shared>> -> memref<640x128xf32, #tpu.memory_space<vmem_shared>>
      tpu.enqueue_dma source(%dma_start3A_16 : memref<640x128xf32, #tpu.memory_space<vmem_shared>>) target(%dma_start3A_14 : memref<640x128xf32, #tpu.memory_space<hbm>>) target_semaphore(%run_scoped3A : memref<!tpu.dma_semaphore, #tpu.memory_space<semaphore_mem>>)
      %dma_wait3A = arith.constant 0 : i32
      %dma_wait3A_17 = tpu.memref_slice %arg6[%arg0, %mul3A_12, %dma_wait3A] : memref<2x10240x128xf32, #tpu.memory_space<hbm>> -> memref<1x640x128xf32, #tpu.memory_space<hbm>>
      %dma_wait3A_18 = tpu.memref_squeeze %dma_wait3A_17 : memref<1x640x128xf32, #tpu.memory_space<hbm>> -> memref<640x128xf32, #tpu.memory_space<hbm>>
      %dma_wait3A_19 = arith.constant 0 : i32
      %dma_wait3A_20 = tpu.memref_slice %arg10[%mul3A_10, %dma_wait3A_19] : memref<10240x128xf32, #tpu.memory_space<vmem_shared>> -> memref<640x128xf32, #tpu.memory_space<vmem_shared>>
      tpu.wait_dma2 semaphore(%run_scoped3A : memref<!tpu.dma_semaphore, #tpu.memory_space<semaphore_mem>>) src(%dma_wait3A_20 : memref<640x128xf32, #tpu.memory_space<vmem_shared>>) dst(%dma_wait3A_18 : memref<640x128xf32, #tpu.memory_space<hbm>>)
      tpu.yield
    }) : () -> ()
    return
  }
}

module attributes {stable_mosaic.version = 14 : i64} {
  func.func @_tc_body(%arg0: i32, %arg1: memref<512x128xf32, #tpu.memory_space<vmem>>, %arg2: memref<512x128xf32, #tpu.memory_space<vmem>>, %arg3: memref<512x128xf32, #tpu.memory_space<vmem>>, %arg4: memref<512x128xf32, #tpu.memory_space<vmem>>, %arg5: memref<512x128xf32, #tpu.memory_space<vmem>>, %arg6: memref<128x128xf32, #tpu.memory_space<vmem>>, %arg7: memref<128x128xf32, #tpu.memory_space<vmem>>, %arg8: memref<1x128xf32, #tpu.memory_space<vmem>>, %arg9: memref<512x128xf32, #tpu.memory_space<vmem>>) attributes {dimension_semantics = [#tpu.dimension_semantics<arbitrary>], iteration_bounds = array<i64: 20>, scalar_prefetch = 0 : i64, scratch_operands = 0 : i64, tpu.core_type = #tpu.core_type<tc>, window_params = [{transform_indices = @transform_0, window_bounds = array<i64: 512, 128>}, {transform_indices = @transform_1, window_bounds = array<i64: 512, 128>}, {transform_indices = @transform_2, window_bounds = array<i64: 512, 128>}, {transform_indices = @transform_3, window_bounds = array<i64: 512, 128>}, {transform_indices = @transform_4, window_bounds = array<i64: 512, 128>}, {pipeline_mode = #tpu.pipeline_mode<synchronous>, transform_indices = @transform_5, window_bounds = array<i64: 128, 128>}, {pipeline_mode = #tpu.pipeline_mode<synchronous>, transform_indices = @transform_6, window_bounds = array<i64: 128, 128>}, {pipeline_mode = #tpu.pipeline_mode<synchronous>, transform_indices = @transform_7, window_bounds = array<i64: 1, 128>}, {transform_indices = @transform_8, window_bounds = array<i64: 512, 128>}]} {
    %get3A = arith.constant 0 : index
    %get3A_0 = arith.constant 0 : index
    %get3A_1 = vector.load %arg3[%get3A, %get3A_0] : memref<512x128xf32, #tpu.memory_space<vmem>>, vector<512x1xf32>
    %get3A_2 = arith.constant 0 : index
    %get3A_3 = arith.constant 0 : index
    %get3A_4 = vector.load %arg4[%get3A_2, %get3A_3] : memref<512x128xf32, #tpu.memory_space<vmem>>, vector<512x1xf32>
    %add3A = arith.addf %get3A_1, %get3A_4 : vector<512x1xf32>
    %max3A = arith.constant 1.000000e+00 : f32
    %max3A_5 = vector.broadcast %max3A : f32 to vector<512x1xf32>
    %max3A_6 = arith.maximumf %add3A, %max3A_5 : vector<512x1xf32>
    %div3A = arith.constant 1.000000e+00 : f32
    %div3A_7 = vector.broadcast %div3A : f32 to vector<512x1xf32>
    %div3A_8 = arith.divf %div3A_7, %max3A_6 : vector<512x1xf32>
    %get3A_9 = arith.constant 0 : index
    %get3A_10 = arith.constant 0 : index
    %get3A_11 = vector.load %arg1[%get3A_9, %get3A_10] : memref<512x128xf32, #tpu.memory_space<vmem>>, vector<512x128xf32>
    %get3A_12 = arith.constant 0 : index
    %get3A_13 = arith.constant 0 : index
    %get3A_14 = vector.load %arg2[%get3A_12, %get3A_13] : memref<512x128xf32, #tpu.memory_space<vmem>>, vector<512x128xf32>
    %add3A_15 = arith.addf %get3A_11, %get3A_14 : vector<512x128xf32>
    %mul3A = vector.broadcast %div3A_8 : vector<512x1xf32> to vector<512x128xf32>
    %mul3A_16 = arith.mulf %add3A_15, %mul3A : vector<512x128xf32>
    %get3A_17 = arith.constant 0 : index
    %get3A_18 = arith.constant 0 : index
    %get3A_19 = vector.load %arg6[%get3A_17, %get3A_18] : memref<128x128xf32, #tpu.memory_space<vmem>>, vector<128x128xf32>
    %dot_general3A = arith.constant dense<0.000000e+00> : vector<512x128xf32>
    %dot_general3A_20 = tpu.matmul %mul3A_16, %get3A_19, %dot_general3A {dimension_numbers = #tpu.dot_dimension_numbers<[1], [0], [0], [1], [0, 0, 1, 1], [], []>, transpose_lhs_hint = false} : vector<512x128xf32>, vector<128x128xf32>, vector<512x128xf32> -> vector<512x128xf32>
    %get3A_21 = arith.constant 0 : index
    %get3A_22 = arith.constant 0 : index
    %get3A_23 = vector.load %arg5[%get3A_21, %get3A_22] : memref<512x128xf32, #tpu.memory_space<vmem>>, vector<512x128xf32>
    %get3A_24 = arith.constant 0 : index
    %get3A_25 = arith.constant 0 : index
    %get3A_26 = vector.load %arg7[%get3A_24, %get3A_25] : memref<128x128xf32, #tpu.memory_space<vmem>>, vector<128x128xf32>
    %dot_general3A_27 = arith.constant dense<0.000000e+00> : vector<512x128xf32>
    %dot_general3A_28 = tpu.matmul %get3A_23, %get3A_26, %dot_general3A_27 {dimension_numbers = #tpu.dot_dimension_numbers<[1], [0], [0], [1], [0, 0, 1, 1], [], []>, transpose_lhs_hint = false} : vector<512x128xf32>, vector<128x128xf32>, vector<512x128xf32> -> vector<512x128xf32>
    %add3A_29 = arith.addf %dot_general3A_20, %dot_general3A_28 : vector<512x128xf32>
    %get3A_30 = arith.constant 0 : index
    %get3A_31 = arith.constant 0 : index
    %get3A_32 = vector.load %arg8[%get3A_30, %get3A_31] : memref<1x128xf32, #tpu.memory_space<vmem>>, vector<1x128xf32>
    %add3A_33 = vector.broadcast %get3A_32 : vector<1x128xf32> to vector<512x128xf32>
    %add3A_34 = arith.addf %add3A_29, %add3A_33 : vector<512x128xf32>
    %max3A_35 = arith.constant 0.000000e+00 : f32
    %max3A_36 = vector.broadcast %max3A_35 : f32 to vector<512x128xf32>
    %max3A_37 = arith.maximumf %add3A_34, %max3A_36 : vector<512x128xf32>
    %swap3A = arith.constant 0 : index
    %swap3A_38 = arith.constant 0 : index
    %swap3A_39 = vector.load %arg9[%swap3A, %swap3A_38] : memref<512x128xf32, #tpu.memory_space<vmem>>, vector<512x128xf32>
    tpu.vector_store %arg9[%swap3A, %swap3A_38], %max3A_37 {strides = array<i32>} : memref<512x128xf32, #tpu.memory_space<vmem>>, vector<512x128xf32>,
    return
  }
  func.func @transform_0(%arg0: i32) -> (i32, i32) {
    %c0_i32 = arith.constant 0 : i32
    %c0_i32_0 = arith.constant 0 : i32
    return %arg0, %c0_i32 : i32, i32
  }
  func.func @transform_1(%arg0: i32) -> (i32, i32) {
    %c0_i32 = arith.constant 0 : i32
    %c0_i32_0 = arith.constant 0 : i32
    return %arg0, %c0_i32 : i32, i32
  }
  func.func @transform_2(%arg0: i32) -> (i32, i32) {
    %c0_i32 = arith.constant 0 : i32
    %c0_i32_0 = arith.constant 0 : i32
    return %arg0, %c0_i32 : i32, i32
  }
  func.func @transform_3(%arg0: i32) -> (i32, i32) {
    %c0_i32 = arith.constant 0 : i32
    %c0_i32_0 = arith.constant 0 : i32
    return %arg0, %c0_i32 : i32, i32
  }
  func.func @transform_4(%arg0: i32) -> (i32, i32) {
    %c0_i32 = arith.constant 0 : i32
    %c0_i32_0 = arith.constant 0 : i32
    return %arg0, %c0_i32 : i32, i32
  }
  func.func @transform_5(%arg0: i32) -> (i32, i32) {
    %c0_i32 = arith.constant 0 : i32
    %c0_i32_0 = arith.constant 0 : i32
    %c0_i32_1 = arith.constant 0 : i32
    return %c0_i32, %c0_i32_0 : i32, i32
  }
  func.func @transform_6(%arg0: i32) -> (i32, i32) {
    %c0_i32 = arith.constant 0 : i32
    %c0_i32_0 = arith.constant 0 : i32
    %c0_i32_1 = arith.constant 0 : i32
    return %c0_i32, %c0_i32_0 : i32, i32
  }
  func.func @transform_7(%arg0: i32) -> (i32, i32) {
    %c0_i32 = arith.constant 0 : i32
    %c0_i32_0 = arith.constant 0 : i32
    %c0_i32_1 = arith.constant 0 : i32
    return %c0_i32, %c0_i32_0 : i32, i32
  }
  func.func @transform_8(%arg0: i32) -> (i32, i32) {
    %c0_i32 = arith.constant 0 : i32
    %c0_i32_0 = arith.constant 0 : i32
    return %arg0, %c0_i32 : i32, i32
  }
}

</mosaic_0001>

<sc_bundles>
// kernel: kernel.14.cloned.1.call-start
scs
__scs_entry_jumppad:
0x0: {  	(pc) =	sbr.rel $0x88, $3  }
0x1: {  	(tag) =	ssettag $0x0;
	lr =	simm.s32 $0x1  }
0x2: {  	[smem:$0x3F9B] =	sst lr;
	_ =	strace $0xD0000000  }
0x3: {  	_ = 	snop  }
0x4: {  	_ = 	snop  }
0x5: {  	_ = 	snop  }
0x6: {  	_ = 	snop  }
0x7: {  	_ = 	snop  }
__scs_overlays_trampoline_lowered:
0x8: {  	[smem:$0x3FAA] =	sst s0  }
0x9: {  	[smem:$0x3FAB] =	sst s1  }
0xa: {  	[smem:$0x3FAC] =	sst s2  }
0xb: {  	[smem:$0x3FAD] =	sst s3  }
0xc: {  	[smem:$0x3FAE] =	sst s4  }
0xd: {  	[smem:$0x3FAF] =	sst s5  }
0xe: {  	[smem:$0x3FB0] =	sst s6  }
0xf: {  	[smem:$0x3FB1] =	sst s7  }
0x10: {  	[smem:$0x3FB2] =	sst s8  }
0x11: {  	[smem:$0x3FB3] =	sst s9;
	s0 =	simm.s32 @!p0 $0x0  }
0x12: {  	s1 =	sld [smem:$0x3F99];
	s0 =	simm.s32 @p0 $0x1  }
0x13: {  	[smem:$0x3FB4] =	sst s0;
	s0 =	simm.s32 @!p1 $0x0  }
0x14: {  	s2 =	sld [smem:$0x3F98];
	s0 =	simm.s32 @p1 $0x1  }
0x15: {  	[smem:$0x3FB5] =	sst s0;
	s0 =	simm.s32 @!p2 $0x0  }
0x16: {  	s3 =	sld [smem:$0x3FDB];
	s0 =	simm.s32 @p2 $0x1  }
0x17: {  	s4 =	simm.s32 $0x1BF5;
	[smem:$0x3FB7] =	sst s0  }
0x18: {  	s0 =	sld [smem:$0x3F9A];
	_ =	swait.ge [sflag:s4], $0x0  }
0x19: {  	s7 =	sld [smem:$0x3F9B]  }
0x1a: {  	s8 =	sadd.s32 $0xFFFFE003, lr  }
0x1b: {  	s9 =	sadd.s32 $0xFFFFFEF7, lr;
	s5 =	simm.s32 $0xFFFFFFFF;
	p2 =	slt.u32 s8, $0xFFFFF086  }
0x1c: {  	p1 =	slt.u32 s9, $0xF7A;
	s5 =	simm.s32 @!p2 $0x0  }
0x1d: {  	s5 =	simm.s32 @p1 $0x1;
	p0 =	seq.s32 s7, s2  }
0x1e: {  	s7 =	smul.u32 @!p0 $0xF7A, s2;
	p2 =	seq.s32 @!p0 s5, $0x0  }
0x1f: {  	s9 =	smul.u32 $0xF7A, s1;
	s8 =	simm.s32 @!p0 $0x1BF5;
	p2 =	por !p2, p0  }
0x20: {  	[sflag:s8] =	ssyncset.s32 @!p0 $0xFFFFF086;
	s6 =	sadd.s32 @!p0 s3, s7;
	s7 =	simm.s32 @!p0 $0x108  }
0x21: {  	s3 =	sadd.s32 s3, s9;
	s6 =	sadd.s32 @!p0 $0x88, s6;
	s7 =	simm.s32 @p2 $0x1082  }
0x22: {  	[simem:s7], [sflag:s8] =	dma.local @!p0 [hbm:s6], $0xF7A  }
0x23: {  	s9 =	sor.u32 $0xD0000000, s2;
	s6 =	simm.s32 $0x108;
	_ =	swait.ge @!p0 [sflag:s8], $0x0  }
0x24: {  	s3 =	sadd.s32 $0x88, s3;
	s6 =	simm.s32 @!p1 $0x1082;
	[sflag:s4] =	ssyncset.s32 $0xFFFFF086  }
0x25: {  	[simem:s6], [sflag:s4] =	dma.local [hbm:s3], $0xF7A  }
0x26: {  	[smem:$0x3F9B] =	sst s1;
	(tag) =	ssettag s2;
	_ =	strace s9  }
0x27: {  	s1 =	sld [smem:$0x3FAB]  }
0x28: {  	s2 =	sld [smem:$0x3FAC]  }
0x29: {  	s4 =	sld [smem:$0x3FAE]  }
0x2a: {  	p0 =	seq.s32 s5, $0x0;
	s5 =	sld [smem:$0x3FAF]  }
0x2b: {  	s6 =	sld [smem:$0x3FB0]  }
0x2c: {  	s7 =	sld [smem:$0x3FB1]  }
0x2d: {  	s3 =	simm.s32 $0x108;
	s8 =	sld [smem:$0x3FB2]  }
0x2e: {  	s3 =	simm.s32 @!p0 $0x1082;
	s9 =	sld [smem:$0x3FB3]  }
0x2f: {  	lr =	sadd.s32 s0, s3;
	s0 =	sld [smem:$0x3FAA]  }
0x30: {  	s3 =	sld [smem:$0x3FAD]  }
0x31: {  	[smem:$0x3FB6] =	sst s10  }
0x32: {  	s10 =	sld [smem:$0x3FB4];
	_ =	sdelay $0x3  }
0x33: {  	p0 =	seq.s32 s10, $0x1;
	s10 =	sld [smem:$0x3FB6];
	_ =	sdelay $0x3  }
0x34: {  	[smem:$0x3FB6] =	sst s10  }
0x35: {  	s10 =	sld [smem:$0x3FB5];
	_ =	sdelay $0x3  }
0x36: {  	p1 =	seq.s32 s10, $0x1;
	s10 =	sld [smem:$0x3FB6];
	_ =	sdelay $0x3  }
0x37: {  	[smem:$0x3FB6] =	sst s10  }
0x38: {  	s10 =	sld [smem:$0x3FB7]  }
0x39: {  	_ = 	snop;
	(pc) =	sbr.ind lr, $3  }
0x3a: {  	_ = 	snop  }
0x3b: {  	_ = 	snop  }
0x3c: {  	p2 =	seq.s32 s10, $0x1;
	s10 =	sld [smem:$0x3FB6]  }
0x3d: {  	_ =	shalt  }
0x3e: {  	_ =	shalt  }
0x3f: {  	_ =	shalt  }
0x40: {  	_ =	shalt  }
0x41: {  	_ =	shalt  }
0x42: {  	_ =	shalt  }
0x43: {  	_ =	shalt  }
0x44: {  	_ =	shalt  }
0x45: {  	_ =	shalt  }
0x46: {  	_ =	shalt  }
0x47: {  	_ =	shalt  }
0x48: {  	_ =	shalt  }
0x49: {  	_ =	shalt  }
0x4a: {  	_ =	shalt  }
0x4b: {  	_ =	shalt  }
0x4c: {  	_ =	shalt  }
0x4d: {  	_ =	shalt  }
0x4e: {  	_ =	shalt  }
0x4f: {  	_ =	shalt  }
0x50: {  	_ =	shalt  }
0x51: {  	_ =	shalt  }
0x52: {  	_ =	shalt  }
0x53: {  	_ =	shalt  }
0x54: {  	_ =	shalt  }
0x55: {  	_ =	shalt  }
0x56: {  	_ =	shalt  }
0x57: {  	_ =	shalt  }
0x58: {  	_ =	shalt  }
0x59: {  	_ =	shalt  }
0x5a: {  	_ =	shalt  }
0x5b: {  	_ =	shalt  }
0x5c: {  	_ =	shalt  }
0x5d: {  	_ =	shalt  }
0x5e: {  	_ =	shalt  }
0x5f: {  	_ =	shalt  }
0x60: {  	_ =	shalt  }
0x61: {  	_ =	shalt  }
0x62: {  	_ =	shalt  }
0x63: {  	_ =	shalt  }
0x64: {  	_ =	shalt  }
0x65: {  	_ =	shalt  }
0x66: {  	_ =	shalt  }
0x67: {  	_ =	shalt  }
0x68: {  	_ =	shalt  }
0x69: {  	_ =	shalt  }
0x6a: {  	_ =	shalt  }
0x6b: {  	_ =	shalt  }
0x6c: {  	_ =	shalt  }
0x6d: {  	_ =	shalt  }
0x6e: {  	_ =	shalt  }
0x6f: {  	_ =	shalt  }
0x70: {  	_ =	shalt  }
0x71: {  	_ =	shalt  }
0x72: {  	_ =	shalt  }
0x73: {  	_ =	shalt  }
0x74: {  	_ =	shalt  }
0x75: {  	_ =	shalt  }
0x76: {  	_ =	shalt  }
0x77: {  	_ =	shalt  }
0x78: {  	_ =	shalt  }
0x79: {  	_ =	shalt  }
0x7a: {  	_ =	shalt  }
0x7b: {  	_ =	shalt  }
0x7c: {  	_ =	shalt  }
0x7d: {  	_ =	shalt  }
0x7e: {  	_ =	shalt  }
0x7f: {  	_ =	shalt  }
0x80: {  	_ =	shalt  }
0x81: {  	_ =	shalt  }
0x82: {  	_ =	shalt  }
0x83: {  	_ =	shalt  }
0x84: {  	_ =	shalt  }
0x85: {  	_ =	shalt  }
0x86: {  	_ =	shalt  }
0x87: {  	_ =	shalt  }
.Lfunc_end0:
.L_simem_size_0:
called_computation_lowered:
.L_overlay_start_0:
0x88: {  	s2 =	sld [smem:$0x3FD9]  }
0x89: {  	s3 =	sld [smem:$0x3FFE];
	_ =	sdelay $0x1  }
0x8a: {  	s1 =	srdreg.scid  }
0x8b: {  	s0 =	sand.u32 $0x1, s1  }
0x8c: {  	s17 =	sshll.u32 s0, $0xA;
	s2 =	sadd.s32 s3, s2  }
0x8d: {  	s2 =	sadd.s32 s2, s17  }
0x8e: {  	[smem:$0x3FC2] =	sst s2  }
0x8f: {  	_ = 	snop  }
0x90: {  	s2 =	sld [smem:$0x3FC7];
	(tm) =	ssettm $0x1  }
0x91: {  	s18 =	sld [smem:$0x3FFB];
	_ =	sdelay $0x3  }
0x92: {  	_ =	strace s18  }
0x93: {  	s3 =	sld [smem:$0x3FFC];
	_ =	sdelay $0x3  }
0x94: {  	_ =	strace s3  }
0x95: {  	s3 =	sld [smem:$0x3FFD];
	_ =	sdelay $0x3  }
0x96: {  	_ =	strace s3  }
0x97: {  	_ =	strace $0x8FFFFFFF  }
0x98: {  	s19 =	sld [smem:$0x3FDB];
	_ =	sdelay $0x1  }
0x99: {  	s4 =	simm.s32 $_scs_section_size  }
0x9a: {  	s5 =	simm.s32 $_size__tile_overlayer_lowered;
	s6 =	simm.s32 $_tile_overlayer_lowered  }
0x9b: {  	s22 =	simm.s32 $0x1BFF;
	s21 =	sshll.u32 s6, $0x1;
	s3 =	sadd.s32 s4, s19  }
0x9c: {  	s7 =	simm.s32 $0x0;
	s20 =	sshll.u32 s5, $0x1;
	s5 =	sadd.s32 s21, s3  }
0x9d: {  	[timem:s7], [sflag:s22] =	dma.local [hbm:s5], s20  }
0x9e: {  	_ =	swait.ge [sflag:s22], s20  }
0x9f: {  	s4 =	ssub.s32 $0x0, s20;
	[sflag:s22] =	ssyncset.done $0x0  }
0xa0: {  	[sflag:s22] =	ssyncadd.s32 s4;
	_ =	sdelay $0x1  }
0xa1: {  	s23 =	simm.s32 $0x1B8B  }
0xa2: {  	_ =	swait.ge [sflag:s23], $0x1  }
0xa3: {  	[sflag:s23] =	ssyncset.done $0x0  }
0xa4: {  	s25 =	simm.s32 $0x1B8E;
	s24 =	sld [smem:$0x3FFE];
	[sflag:s23] =	ssyncadd.s32 $0xFFFFFFFF  }
0xa5: {  	s26 =	simm.s32 $execute0_lowered;
	[smem:$0x3FD2] =	sst s25  }
0xa6: {  	s5 =	sshll.u32 s26, $0x1;
	_ =	strace $0x80000046;
	[dreg:$0x1] =	wrdreg $0xFFFFFFFF  }
0xa7: {  	s28 =	simm.s32 $_size_execute0_lowered;
	s3 =	sadd.s32 s3, s5;
	[dreg:$0x0] =	wrdreg $0x0  }
0xa8: {  	s5 =	sshll.u32 s28, $0x1;
	[dreg:$0x2] =	wrdreg s3  }
0xa9: {  	[dreg:$0x3] =	wrdreg s5  }
0xaa: {  	[dreg:$0x4] =	wrdreg $0xC0  }
0xab: {  	_ =	task [dreg:s7], $0x5FFFF  }
0xac: {  	[dreg:$0x1] =	wrdreg $0xFFFFFFFF  }
0xad: {  	[dreg:$0x0] =	wrdreg $0x60  }
0xae: {  	[dreg:$0x2] =	wrdreg s2  }
0xaf: {  	[dreg:$0x3] =	wrdreg s24  }
0xb0: {  	[dreg:$0x4] =	wrdreg $0xA  }
0xb1: {  	_ =	task.clear_ibuf [dreg:s7], $0x5FFFF;
	_ =	strace $0x90000046  }
0xb2: {  	s29 =	simm.s32 $0xA;
	_ =	strace $0x80000048  }
0xb3: {  	_ =	swait.ge [sflag:s29], $0x1  }
0xb4: {  	[sflag:s29] =	ssyncadd.s32 $0xFFFFFFFF  }
0xb5: {  	_ =	strace $0x90000048  }
0xb6: {  	_ =	sfence  }
0xb7: {  	s30 =	sld [smem:$0x0];
	_ =	sdelay $0x2  }
0xb8: {  	s31 =	sshll.u32 s1, $0xD;
	s1 =	sshrl.u32 s1, $0x2  }
0xb9: {  	s3 =	sand.u32 $0x4000, s31;
	s1 =	sadd.s32 s1, s30  }
0xba: {  	s0 =	sor.u32 s3, s0;
	s1 =	sshll.u32 s1, $0x11  }
0xbb: {  	s0 =	sor.u32 s1, s0  }
0xbc: {  	s0 =	sadd.s32 $0x8F2B, s0  }
0xbd: {  	[sflag:s0] =	ssyncadd.remote.s32 $0x1  }
0xbe: {  	_ =	sfence.sel $0xFFFF  }
0xbf: {  	[dreg:$0x0] =	wrdreg $0xFFFFFFFF;
	(pc) =	sbr.abs _section_cstart, $3  }
0xc0: {  	[dreg:$0x1] =	wrdreg $0xFFFFFFFF  }
0xc1: {  	_ =	task.clear_ibuf [dreg:s7], $0x2FFFF;
	_ =	strace $0x9FFFFFFF  }
0xc2: {  	(tm) =	ssettm $0x7FFFFFFF  }
0xc3: {  	_ =	shalt  }
tec
execute0_lowered:
.L_overlay_start_1:
0x0: {  	(tag) =	ssettag $0x1  }
0x1: {  	s1 =	srdreg.scid;
	s0 =	stileid.u32  }
0x2: {  	s2 =	rddreg [dreg:$0x0];
	s14 =	sand.u32 $0x1, s1;
	s31 =	sshll.u32 s0, $0x1  }
0x3: {  	s9 =	rddreg [dreg:$0x1];
	s6 =	sor.u32 s14, s31  }
0x4: {  	s3 =	simm.s32 $0x0;
	s1 =	rddreg [dreg:$0x2];
	s4 =	sshll.u32 s6, $0x6  }
0x5: {  	[smem:$0x7FF] =	sst s3;
	s4 =	sadd.s32 s4, s9  }
0x6: {  	_ =	strace $0x80000047;
	s5 =	sadd.s32 $0x3200, s4;
	s4 =	simm.s32 $0x2  }
0x7: {  	[tilespmem:s3], [sflag:$0x2] =	stream.linear.gather [hbm4b:s5+s3], $0x200, $0x38;
	[tilespmem:$0x2A00] =	vst v63  }
0x8: {  	_ =	swait.ge [sflag:s4], $0x200  }
0x9: {  	s7 =	simm.s32 $0x200;
	s8 =	simm.s32 $0x1;
	[sflag:s4] =	ssyncset.done $0x0  }
0xa: {  	s10 =	smul.u32 $0x1400, s6;
	s6 =	simm.s32 $0x50;
	[sflag:s4] =	ssyncadd.s32 $0xFFFFFE00  }
0xb: {  	[tilespmem:s7], [sflag:$0x1] =	stream.indirect.gather [hbm4b:s2+s6], $0x80, s3, s6, $0xb8;
	[tilespmem:$0x2A00] =	vst v63  }
0xc: {  	_ =	swait.ge [sflag:s8], $0x2800  }
0xd: {  	s15 =	sadd.s32 s10, s9;
	[sflag:s8] =	ssyncset.done $0x0  }
0xe: {  	s9 =	sadd.s32 $0x3A00, s15;
	[sflag:s8] =	ssyncadd.s32 $0xFFFFD800  }
0xf: {  	[hbm4b:s9+s3] =	stream.linear.scatter [tilespmem:s7], [sflag:$0x2], $0x2800, $0x38;
	[tilespmem:$0x2A00] =	vst v63  }
0x10: {  	_ =	swait.ge [sflag:s4], $0x2800  }
0x11: {  	[sflag:s4] =	ssyncset.done $0x0  }
0x12: {  	s10 =	simm.s32 $0x80;
	[sflag:s4] =	ssyncadd.s32 $0xFFFFD800  }
0x13: {  	[tilespmem:s7], [sflag:$0x1] =	stream.indirect.gather [hbm4b:s2+s6], $0x80, s10, s6, $0xb8;
	[tilespmem:$0x2A00] =	vst v63  }
0x14: {  	_ =	swait.ge [sflag:s8], $0x2800  }
0x15: {  	[sflag:s8] =	ssyncset.done $0x0  }
0x16: {  	s11 =	sadd.s32 $0x3F00, s15;
	[sflag:s8] =	ssyncadd.s32 $0xFFFFD800  }
0x17: {  	[hbm4b:s11+s3] =	stream.linear.scatter [tilespmem:s7], [sflag:$0x2], $0x2800, $0x38;
	[tilespmem:$0x2A00] =	vst v63  }
0x18: {  	_ =	swait.ge [sflag:s4], $0x2800  }
0x19: {  	[sflag:s4] =	ssyncset.done $0x0  }
0x1a: {  	s12 =	simm.s32 $0x100;
	[sflag:s4] =	ssyncadd.s32 $0xFFFFD800  }
0x1b: {  	[tilespmem:s7], [sflag:$0x1] =	stream.indirect.gather [hbm4b:s2+s6], $0x80, s12, s6, $0xb8;
	[tilespmem:$0x2A00] =	vst v63  }
0x1c: {  	_ =	swait.ge [sflag:s8], $0x2800  }
0x1d: {  	[sflag:s8] =	ssyncset.done $0x0  }
0x1e: {  	s16 =	ssub.s32 $0x2, s14;
	s13 =	sadd.s32 $0x4400, s15;
	[sflag:s8] =	ssyncadd.s32 $0xFFFFD800  }
0x1f: {  	[hbm4b:s13+s3] =	stream.linear.scatter [tilespmem:s7], [sflag:$0x2], $0x2800, $0x38;
	[tilespmem:$0x2A00] =	vst v63  }
0x20: {  	s17 =	sshrl.u32 s16, $0x1;
	_ =	swait.ge [sflag:s4], $0x2800  }
0x21: {  	s16 =	ssub.s32 s16, s17;
	[sflag:s4] =	ssyncset.done $0x0  }
0x22: {  	s14 =	simm.s32 $0x180;
	s16 =	smax.u32 s16, $0x1;
	[sflag:s4] =	ssyncadd.s32 $0xFFFFD800  }
0x23: {  	[tilespmem:s7], [sflag:$0x1] =	stream.indirect.gather [hbm4b:s2+s6], $0x80, s14, s6, $0xb8;
	[tilespmem:$0x2A00] =	vst v63  }
0x24: {  	p0 =	sne.s32 s16, $0x1;
	_ =	swait.ge [sflag:s8], $0x2800  }
.Ltmp0:
0x25: {  	[sflag:s8] =	ssyncset.done $0x0;
	(pc) =	sbr.rel @!p0 .LBB2_2-.Ltmp0, $4  }
0x26: {  	s15 =	sadd.s32 $0x4900, s15;
	[sflag:s8] =	ssyncadd.s32 $0xFFFFD800  }
0x27: {  	[hbm4b:s15+s3] =	stream.linear.scatter [tilespmem:s7], [sflag:$0x2], $0x2800, $0x38;
	[tilespmem:$0x2A00] =	vst v63  }
0x28: {  	_ =	swait.ge [sflag:s4], $0x2800  }
0x29: {  	s16 =	sadd.s32 $0xFFFFFFFF, s16;
	[sflag:s4] =	ssyncset.done $0x0  }
.LBB2_1:
0x2a: {  	p0 =	sne.s32 s16, $0x1;
	s16 =	sadd.s32 $0xFFFFFFFF, s16;
	[sflag:s4] =	ssyncadd.s32 $0xFFFFD800  }
0x2b: {  	[tilespmem:s3], [sflag:$0x2] =	stream.linear.gather [hbm4b:s5+s3], $0x200, $0x38;
	[tilespmem:$0x2A00] =	vst v63  }
0x2c: {  	_ =	swait.ge [sflag:s4], $0x200  }
0x2d: {  	[sflag:s4] =	ssyncset.done $0x0  }
0x2e: {  	[sflag:s4] =	ssyncadd.s32 $0xFFFFFE00  }
0x2f: {  	[tilespmem:s7], [sflag:$0x1] =	stream.indirect.gather [hbm4b:s2+s6], $0x80, s3, s6, $0xb8;
	[tilespmem:$0x2A00] =	vst v63  }
0x30: {  	_ =	swait.ge [sflag:s8], $0x2800  }
0x31: {  	[sflag:s8] =	ssyncset.done $0x0  }
0x32: {  	[sflag:s8] =	ssyncadd.s32 $0xFFFFD800  }
0x33: {  	[hbm4b:s9+s3] =	stream.linear.scatter [tilespmem:s7], [sflag:$0x2], $0x2800, $0x38;
	[tilespmem:$0x2A00] =	vst v63  }
0x34: {  	_ =	swait.ge [sflag:s4], $0x2800  }
0x35: {  	[sflag:s4] =	ssyncset.done $0x0  }
0x36: {  	[sflag:s4] =	ssyncadd.s32 $0xFFFFD800  }
0x37: {  	[tilespmem:s7], [sflag:$0x1] =	stream.indirect.gather [hbm4b:s2+s6], $0x80, s10, s6, $0xb8;
	[tilespmem:$0x2A00] =	vst v63  }
0x38: {  	_ =	swait.ge [sflag:s8], $0x2800  }
0x39: {  	[sflag:s8] =	ssyncset.done $0x0  }
0x3a: {  	[sflag:s8] =	ssyncadd.s32 $0xFFFFD800  }
0x3b: {  	[hbm4b:s11+s3] =	stream.linear.scatter [tilespmem:s7], [sflag:$0x2], $0x2800, $0x38;
	[tilespmem:$0x2A00] =	vst v63  }
0x3c: {  	_ =	swait.ge [sflag:s4], $0x2800  }
0x3d: {  	[sflag:s4] =	ssyncset.done $0x0  }
0x3e: {  	[sflag:s4] =	ssyncadd.s32 $0xFFFFD800  }
0x3f: {  	[tilespmem:s7], [sflag:$0x1] =	stream.indirect.gather [hbm4b:s2+s6], $0x80, s12, s6, $0xb8;
	[tilespmem:$0x2A00] =	vst v63  }
0x40: {  	_ =	swait.ge [sflag:s8], $0x2800  }
0x41: {  	[sflag:s8] =	ssyncset.done $0x0  }
0x42: {  	[sflag:s8] =	ssyncadd.s32 $0xFFFFD800  }
0x43: {  	[hbm4b:s13+s3] =	stream.linear.scatter [tilespmem:s7], [sflag:$0x2], $0x2800, $0x38;
	[tilespmem:$0x2A00] =	vst v63  }
0x44: {  	_ =	swait.ge [sflag:s4], $0x2800  }
0x45: {  	[sflag:s4] =	ssyncset.done $0x0  }
0x46: {  	[sflag:s4] =	ssyncadd.s32 $0xFFFFD800  }
0x47: {  	[tilespmem:s7], [sflag:$0x1] =	stream.indirect.gather [hbm4b:s2+s6], $0x80, s14, s6, $0xb8;
	[tilespmem:$0x2A00] =	vst v63  }
0x48: {  	_ =	swait.ge [sflag:s8], $0x2800  }
.Ltmp1:
0x49: {  	[sflag:s8] =	ssyncset.done $0x0;
	(pc) =	sbr.rel @p0 .LBB2_1-.Ltmp1, $4  }
0x4a: {  	[sflag:s8] =	ssyncadd.s32 $0xFFFFD800  }
0x4b: {  	[hbm4b:s15+s3] =	stream.linear.scatter [tilespmem:s7], [sflag:$0x2], $0x2800, $0x38;
	[tilespmem:$0x2A00] =	vst v63  }
0x4c: {  	_ =	swait.ge [sflag:s4], $0x2800  }
0x4d: {  	[sflag:s4] =	ssyncset.done $0x0  }
.LBB2_2:
0x4e: {  	[sflag:s4] =	ssyncadd.s32 $0xFFFFD800  }
0x4f: {  	_ =	sfence.sel $0x180000  }
0x50: {  	[bflag:$0x0] =	sbarrier.arrive $0xFFFF  }
0x51: {  	p0 =	sne.s32 s0, $0x0;
	_ =	strace $0x90000047  }
0x52: {  	s0 =	sadd.s32 @!p0 $0x100000, s1;
	[bflag:$0x2] =	sbarrier.arrive $0xFFFF  }
0x53: {  	[sflag:s0] =	ssyncadd.tile.s32 @!p0 $0x1;
	_ =	shalt  }
.Lfunc_end2:
_tile_overlayer_lowered:
.L_overlay_start_2:
0x54: {  	(tag) =	ssettag $0x2  }
0x55: {  	s0 =	rddreg [dreg:$0x0];
	s2 =	stileid.u32  }
0x56: {  	s1 =	rddreg [dreg:$0x1];
	p0 =	sne.s32 s2, $0x0  }
0x57: {  	s3 =	rddreg [dreg:$0x2];
	[bflag:$0x3] =	sbarrier.arrive $0xFFFF;
	s2 =	simm.s32 @!p0 $0x1C02  }
0x58: {  	[timem:s3], [sflag:s2] =	dma.local @!p0 [hbm:s0], s1  }
0x59: {  	s0 =	simm.s32 @!p0 $0x2  }
0x5a: {  	_ =	swait.ge @!p0 [sflag:s0], s1  }
0x5b: {  	s1 =	ssub.s32 @!p0 $0x0, s1;
	[sflag:s0] =	ssyncset.done @!p0 $0x0  }
0x5c: {  	[sflag:s0] =	ssyncadd.s32 @!p0 s1  }
0x5d: {  	[bflag:$0x3] =	sbarrier.arrive $0xFFFF  }
0x5e: {  	_ =	shalt  }

// kernel: kernel.17.cloned.1.call-start
scs
__scs_entry_jumppad:
0x0: {  	(pc) =	sbr.rel $0x88, $3  }
0x1: {  	(tag) =	ssettag $0x0;
	lr =	simm.s32 $0x1  }
0x2: {  	[smem:$0x3F9B] =	sst lr;
	_ =	strace $0xD0000000  }
0x3: {  	_ = 	snop  }
0x4: {  	_ = 	snop  }
0x5: {  	_ = 	snop  }
0x6: {  	_ = 	snop  }
0x7: {  	_ = 	snop  }
__scs_overlays_trampoline_lowered:
0x8: {  	[smem:$0x3FAA] =	sst s0  }
0x9: {  	[smem:$0x3FAB] =	sst s1  }
0xa: {  	[smem:$0x3FAC] =	sst s2  }
0xb: {  	[smem:$0x3FAD] =	sst s3  }
0xc: {  	[smem:$0x3FAE] =	sst s4  }
0xd: {  	[smem:$0x3FAF] =	sst s5  }
0xe: {  	[smem:$0x3FB0] =	sst s6  }
0xf: {  	[smem:$0x3FB1] =	sst s7  }
0x10: {  	[smem:$0x3FB2] =	sst s8  }
0x11: {  	[smem:$0x3FB3] =	sst s9;
	s0 =	simm.s32 @!p0 $0x0  }
0x12: {  	s1 =	sld [smem:$0x3F99];
	s0 =	simm.s32 @p0 $0x1  }
0x13: {  	[smem:$0x3FB4] =	sst s0;
	s0 =	simm.s32 @!p1 $0x0  }
0x14: {  	s2 =	sld [smem:$0x3F98];
	s0 =	simm.s32 @p1 $0x1  }
0x15: {  	[smem:$0x3FB5] =	sst s0;
	s0 =	simm.s32 @!p2 $0x0  }
0x16: {  	s3 =	sld [smem:$0x3FDB];
	s0 =	simm.s32 @p2 $0x1  }
0x17: {  	s4 =	simm.s32 $0x1BF5;
	[smem:$0x3FB7] =	sst s0  }
0x18: {  	s0 =	sld [smem:$0x3F9A];
	_ =	swait.ge [sflag:s4], $0x0  }
0x19: {  	s7 =	sld [smem:$0x3F9B]  }
0x1a: {  	s8 =	sadd.s32 $0xFFFFE003, lr  }
0x1b: {  	s9 =	sadd.s32 $0xFFFFFEF7, lr;
	s5 =	simm.s32 $0xFFFFFFFF;
	p2 =	slt.u32 s8, $0xFFFFF086  }
0x1c: {  	p1 =	slt.u32 s9, $0xF7A;
	s5 =	simm.s32 @!p2 $0x0  }
0x1d: {  	s5 =	simm.s32 @p1 $0x1;
	p0 =	seq.s32 s7, s2  }
0x1e: {  	s7 =	smul.u32 @!p0 $0xF7A, s2;
	p2 =	seq.s32 @!p0 s5, $0x0  }
0x1f: {  	s9 =	smul.u32 $0xF7A, s1;
	s8 =	simm.s32 @!p0 $0x1BF5;
	p2 =	por !p2, p0  }
0x20: {  	[sflag:s8] =	ssyncset.s32 @!p0 $0xFFFFF086;
	s6 =	sadd.s32 @!p0 s3, s7;
	s7 =	simm.s32 @!p0 $0x108  }
0x21: {  	s3 =	sadd.s32 s3, s9;
	s6 =	sadd.s32 @!p0 $0x88, s6;
	s7 =	simm.s32 @p2 $0x1082  }
0x22: {  	[simem:s7], [sflag:s8] =	dma.local @!p0 [hbm:s6], $0xF7A  }
0x23: {  	s9 =	sor.u32 $0xD0000000, s2;
	s6 =	simm.s32 $0x108;
	_ =	swait.ge @!p0 [sflag:s8], $0x0  }
0x24: {  	s3 =	sadd.s32 $0x88, s3;
	s6 =	simm.s32 @!p1 $0x1082;
	[sflag:s4] =	ssyncset.s32 $0xFFFFF086  }
0x25: {  	[simem:s6], [sflag:s4] =	dma.local [hbm:s3], $0xF7A  }
0x26: {  	[smem:$0x3F9B] =	sst s1;
	(tag) =	ssettag s2;
	_ =	strace s9  }
0x27: {  	s1 =	sld [smem:$0x3FAB]  }
0x28: {  	s2 =	sld [smem:$0x3FAC]  }
0x29: {  	s4 =	sld [smem:$0x3FAE]  }
0x2a: {  	p0 =	seq.s32 s5, $0x0;
	s5 =	sld [smem:$0x3FAF]  }
0x2b: {  	s6 =	sld [smem:$0x3FB0]  }
0x2c: {  	s7 =	sld [smem:$0x3FB1]  }
0x2d: {  	s3 =	simm.s32 $0x108;
	s8 =	sld [smem:$0x3FB2]  }
0x2e: {  	s3 =	simm.s32 @!p0 $0x1082;
	s9 =	sld [smem:$0x3FB3]  }
0x2f: {  	lr =	sadd.s32 s0, s3;
	s0 =	sld [smem:$0x3FAA]  }
0x30: {  	s3 =	sld [smem:$0x3FAD]  }
0x31: {  	[smem:$0x3FB6] =	sst s10  }
0x32: {  	s10 =	sld [smem:$0x3FB4];
	_ =	sdelay $0x3  }
0x33: {  	p0 =	seq.s32 s10, $0x1;
	s10 =	sld [smem:$0x3FB6];
	_ =	sdelay $0x3  }
0x34: {  	[smem:$0x3FB6] =	sst s10  }
0x35: {  	s10 =	sld [smem:$0x3FB5];
	_ =	sdelay $0x3  }
0x36: {  	p1 =	seq.s32 s10, $0x1;
	s10 =	sld [smem:$0x3FB6];
	_ =	sdelay $0x3  }
0x37: {  	[smem:$0x3FB6] =	sst s10  }
0x38: {  	s10 =	sld [smem:$0x3FB7]  }
0x39: {  	_ = 	snop;
	(pc) =	sbr.ind lr, $3  }
0x3a: {  	_ = 	snop  }
0x3b: {  	_ = 	snop  }
0x3c: {  	p2 =	seq.s32 s10, $0x1;
	s10 =	sld [smem:$0x3FB6]  }
0x3d: {  	_ =	shalt  }
0x3e: {  	_ =	shalt  }
0x3f: {  	_ =	shalt  }
0x40: {  	_ =	shalt  }
0x41: {  	_ =	shalt  }
0x42: {  	_ =	shalt  }
0x43: {  	_ =	shalt  }
0x44: {  	_ =	shalt  }
0x45: {  	_ =	shalt  }
0x46: {  	_ =	shalt  }
0x47: {  	_ =	shalt  }
0x48: {  	_ =	shalt  }
0x49: {  	_ =	shalt  }
0x4a: {  	_ =	shalt  }
0x4b: {  	_ =	shalt  }
0x4c: {  	_ =	shalt  }
0x4d: {  	_ =	shalt  }
0x4e: {  	_ =	shalt  }
0x4f: {  	_ =	shalt  }
0x50: {  	_ =	shalt  }
0x51: {  	_ =	shalt  }
0x52: {  	_ =	shalt  }
0x53: {  	_ =	shalt  }
0x54: {  	_ =	shalt  }
0x55: {  	_ =	shalt  }
0x56: {  	_ =	shalt  }
0x57: {  	_ =	shalt  }
0x58: {  	_ =	shalt  }
0x59: {  	_ =	shalt  }
0x5a: {  	_ =	shalt  }
0x5b: {  	_ =	shalt  }
0x5c: {  	_ =	shalt  }
0x5d: {  	_ =	shalt  }
0x5e: {  	_ =	shalt  }
0x5f: {  	_ =	shalt  }
0x60: {  	_ =	shalt  }
0x61: {  	_ =	shalt  }
0x62: {  	_ =	shalt  }
0x63: {  	_ =	shalt  }
0x64: {  	_ =	shalt  }
0x65: {  	_ =	shalt  }
0x66: {  	_ =	shalt  }
0x67: {  	_ =	shalt  }
0x68: {  	_ =	shalt  }
0x69: {  	_ =	shalt  }
0x6a: {  	_ =	shalt  }
0x6b: {  	_ =	shalt  }
0x6c: {  	_ =	shalt  }
0x6d: {  	_ =	shalt  }
0x6e: {  	_ =	shalt  }
0x6f: {  	_ =	shalt  }
0x70: {  	_ =	shalt  }
0x71: {  	_ =	shalt  }
0x72: {  	_ =	shalt  }
0x73: {  	_ =	shalt  }
0x74: {  	_ =	shalt  }
0x75: {  	_ =	shalt  }
0x76: {  	_ =	shalt  }
0x77: {  	_ =	shalt  }
0x78: {  	_ =	shalt  }
0x79: {  	_ =	shalt  }
0x7a: {  	_ =	shalt  }
0x7b: {  	_ =	shalt  }
0x7c: {  	_ =	shalt  }
0x7d: {  	_ =	shalt  }
0x7e: {  	_ =	shalt  }
0x7f: {  	_ =	shalt  }
0x80: {  	_ =	shalt  }
0x81: {  	_ =	shalt  }
0x82: {  	_ =	shalt  }
0x83: {  	_ =	shalt  }
0x84: {  	_ =	shalt  }
0x85: {  	_ =	shalt  }
0x86: {  	_ =	shalt  }
0x87: {  	_ =	shalt  }
.Lfunc_end0:
.L_simem_size_0:
called_computation.1_lowered:
.L_overlay_start_0:
0x88: {  	s2 =	sld [smem:$0x3FD9]  }
0x89: {  	s3 =	sld [smem:$0x3FFE];
	_ =	sdelay $0x1  }
0x8a: {  	s1 =	srdreg.scid  }
0x8b: {  	s0 =	sand.u32 $0x1, s1  }
0x8c: {  	s17 =	sshll.u32 s0, $0xA;
	s2 =	sadd.s32 s3, s2  }
0x8d: {  	s2 =	sadd.s32 s2, s17  }
0x8e: {  	[smem:$0x3FC2] =	sst s2  }
0x8f: {  	_ = 	snop  }
0x90: {  	s18 =	sld [smem:$0x3FD0];
	(tm) =	ssettm $0x1  }
0x91: {  	s19 =	sld [smem:$0x3FFB];
	_ =	sdelay $0x3  }
0x92: {  	_ =	strace s19  }
0x93: {  	s2 =	sld [smem:$0x3FFC];
	_ =	sdelay $0x3  }
0x94: {  	_ =	strace s2  }
0x95: {  	s2 =	sld [smem:$0x3FFD];
	_ =	sdelay $0x3  }
0x96: {  	_ =	strace s2  }
0x97: {  	_ =	strace $0x8FFFFFFF  }
0x98: {  	s20 =	sld [smem:$0x3FDB];
	_ =	sdelay $0x1  }
0x99: {  	s4 =	simm.s32 $_scs_section_size  }
0x9a: {  	s5 =	simm.s32 $_size__tile_overlayer_lowered;
	s6 =	simm.s32 $_tile_overlayer_lowered  }
0x9b: {  	s7 =	simm.s32 $0x1BFF;
	s21 =	sshll.u32 s6, $0x1;
	s4 =	sadd.s32 s4, s20  }
0x9c: {  	s22 =	simm.s32 $0x0;
	s5 =	sshll.u32 s5, $0x1;
	s6 =	sadd.s32 s21, s4  }
0x9d: {  	[timem:s22], [sflag:s7] =	dma.local [hbm:s6], s5  }
0x9e: {  	_ =	swait.ge [sflag:s7], s5  }
0x9f: {  	s5 =	ssub.s32 $0x0, s5;
	[sflag:s7] =	ssyncset.done $0x0  }
0xa0: {  	[sflag:s7] =	ssyncadd.s32 s5;
	_ =	sdelay $0x1  }
0xa1: {  	s23 =	simm.s32 $0x1B8B  }
0xa2: {  	_ =	swait.ge [sflag:s23], $0x1  }
0xa3: {  	[sflag:s23] =	ssyncset.done $0x0  }
0xa4: {  	[sflag:s23] =	ssyncadd.s32 $0xFFFFFFFF  }
0xa5: {  	s5 =	sld [smem:$0x0]  }
0xa6: {  	s6 =	sand.u32 $0xFFFFFFFE, s1  }
0xa7: {  	p0 =	sne.s32 s1, s6  }
0xa8: {  	s6 =	sshll.u32 @p0 s6, $0xE  }
0xa9: {  	s6 =	sadd.s32 @p0 $0x11B8D, s6;
	s7 =	sshll.u32 @p0 s5, $0x11  }
0xaa: {  	s6 =	sor.u32 @p0 s7, s6  }
0xab: {  	[sflag:s6] =	ssyncadd.remote.s32 @p0 $0x1;
	_ =	sdelay $0x1  }
0xac: {  	s6 =	simm.s32 @p0 $0x1B8D  }
0xad: {  	_ =	swait.eq @p0 [sflag:s6], $0x1  }
0xae: {  	[sflag:s6] =	ssyncadd.s32 @p0 $0xFFFFFFFF  }
0xaf: {  	s7 =	sshll.u32 @!p0 s1, $0xE  }
0xb0: {  	s7 =	sor.u32 @!p0 $0x4000, s7;
	s6 =	simm.s32 @!p0 $0x1B8D  }
0xb1: {  	s5 =	sshll.u32 @!p0 s5, $0x11;
	s7 =	sadd.s32 @!p0 $0x11B8D, s7;
	_ =	swait.eq @!p0 [sflag:s6], $0x1  }
0xb2: {  	s5 =	sor.u32 @!p0 s5, s7;
	[sflag:s6] =	ssyncadd.s32 @!p0 $0xFFFFFFFF  }
0xb3: {  	s25 =	simm.s32 $0x1B8E;
	s24 =	sld [smem:$0x3FFE];
	[sflag:s5] =	ssyncadd.remote.s32 @!p0 $0x1  }
0xb4: {  	s26 =	simm.s32 $execute0_lowered;
	[smem:$0x3FD2] =	sst s25  }
0xb5: {  	s6 =	sshll.u32 s26, $0x1;
	_ =	strace $0x80000049;
	[dreg:$0x1] =	wrdreg $0xFFFFFFFF  }
0xb6: {  	s28 =	simm.s32 $_size_execute0_lowered;
	s4 =	sadd.s32 s4, s6;
	[dreg:$0x0] =	wrdreg $0x0  }
0xb7: {  	s6 =	sshll.u32 s28, $0x1;
	[dreg:$0x2] =	wrdreg s4  }
0xb8: {  	[dreg:$0x3] =	wrdreg s6  }
0xb9: {  	[dreg:$0x4] =	wrdreg $0xC0  }
0xba: {  	_ =	task [dreg:s22], $0x5FFFF  }
0xbb: {  	[dreg:$0x1] =	wrdreg $0xFFFFFFFF  }
0xbc: {  	[dreg:$0x0] =	wrdreg $0x60  }
0xbd: {  	[dreg:$0x2] =	wrdreg s18  }
0xbe: {  	[dreg:$0x3] =	wrdreg s24  }
0xbf: {  	[dreg:$0x4] =	wrdreg $0x68000  }
0xc0: {  	[dreg:$0x5] =	wrdreg $0x9  }
0xc1: {  	_ =	task.clear_ibuf [dreg:s22], $0x6FFFF;
	_ =	strace $0x90000049  }
0xc2: {  	s29 =	simm.s32 $0x9;
	_ =	strace $0x8000004B  }
0xc3: {  	_ =	swait.ge [sflag:s29], $0x1  }
0xc4: {  	[sflag:s29] =	ssyncadd.s32 $0xFFFFFFFF  }
0xc5: {  	_ =	strace $0x9000004B  }
0xc6: {  	_ =	sfence  }
0xc7: {  	s30 =	sld [smem:$0x0];
	_ =	sdelay $0x2  }
0xc8: {  	s31 =	sshll.u32 s1, $0xD;
	s1 =	sshrl.u32 s1, $0x2  }
0xc9: {  	s4 =	sand.u32 $0x4000, s31;
	s1 =	sadd.s32 s1, s30  }
0xca: {  	s0 =	sor.u32 s4, s0;
	s1 =	sshll.u32 s1, $0x11  }
0xcb: {  	s0 =	sor.u32 s1, s0  }
0xcc: {  	s0 =	sadd.s32 $0x8F2B, s0  }
0xcd: {  	[sflag:s0] =	ssyncadd.remote.s32 $0x1  }
0xce: {  	_ =	sfence.sel $0xFFFF  }
0xcf: {  	[dreg:$0x0] =	wrdreg $0xFFFFFFFF;
	(pc) =	sbr.abs _section_cstart, $3  }
0xd0: {  	[dreg:$0x1] =	wrdreg $0xFFFFFFFF  }
0xd1: {  	_ =	task.clear_ibuf [dreg:s22], $0x2FFFF;
	_ =	strace $0x9FFFFFFF  }
0xd2: {  	(tm) =	ssettm $0x7FFFFFFF  }
0xd3: {  	_ =	shalt  }
tec
execute0_lowered:
.L_overlay_start_1:
0x0: {  	(tag) =	ssettag $0x1  }
0x1: {  	s6 =	rddreg [dreg:$0x0]  }
0x2: {  	s7 =	rddreg [dreg:$0x1]  }
0x3: {  	s1 =	rddreg [dreg:$0x2]  }
0x4: {  	s0 =	rddreg [dreg:$0x3];
	s3 =	simm.s32 $0x0;
	s2 =	srdreg.scid  }
0x5: {  	s13 =	simm.s32 $0x80;
	[smem:$0x7FF] =	sst s3;
	s8 =	sand.u32 $0x1, s2  }
0x6: {  	s14 =	simm.s32 $0x0;
	s2 =	stileid.u32;
	s9 =	smul.u32 $0x140000, s8  }
0x7: {  	s4 =	sadd.s32 $0x2BA00, s7;
	s5 =	sadd.s32 $0x2E200, s7;
	s10 =	smul.u32 $0x14000, s2  }
0x8: {  	_ =	strace $0x8000004A;
	s11 =	sshll.u32 s2, $0x1;
	s29 =	smul.u32 $0x50000, s2  }
0x9: {  	s31 =	sshll.u32 s2, $0x6;
	s28 =	sor.u32 s8, s11;
	s8 =	ssub.s32 $0x2, s8  }
0xa: {  	s9 =	sadd.s32 s10, s9;
	s10 =	smul.u32 $0x500, s28;
	s30 =	sshrl.u32 s8, $0x1  }
0xb: {  	s11 =	sshrl.u32 s29, $0x2;
	s9 =	sshrl.u32 s9, $0x3;
	s8 =	ssub.s32 s8, s30  }
0xc: {  	s12 =	sadd.s32 s11, s1;
	s11 =	sor.u32 $0x1C01, s31;
	s7 =	sadd.s32 s9, s7  }
0xd: {  	s6 =	sadd.s32 s6, s10;
	s8 =	smax.u32 s8, $0x1;
	s9 =	simm.s32 $0x1  }
0xe: {  	s10 =	simm.s32 $0x2800;
	s12 =	sshrl.u32 s12, $0x3;
	s7 =	sadd.s32 $0x2EA00, s7  }
.LBB2_1:
0xf: {  	[tilespmem:s3], [sflag:$0x1] =	stream.linear.gather [hbm4b:s6+s3], $0x2800, $0x38;
	[tilespmem:$0x1A800] =	vst v63  }
0x10: {  	_ =	swait.ge [sflag:s9], $0x2800  }
0x11: {  	[sflag:s9] =	ssyncset.done $0x0  }
0x12: {  	[sflag:s9] =	ssyncadd.s32 $0xFFFFD800  }
0x13: {  	[tilespmem:s10], [sflag:$0x1] =	stream.linear.gather [hbm4b:s5+s3], $0x4000, $0x38;
	[tilespmem:$0x1A800] =	vst v63  }
0x14: {  	_ =	swait.ge [sflag:s9], $0x4000  }
0x15: {  	[sflag:s9] =	ssyncset.done $0x0  }
0x16: {  	[sflag:s9] =	ssyncadd.s32 $0xFFFFC000  }
0x17: {  	[spmem:s12], [sflag:s11] =	dma.local [hbm:s4], $0x2800  }
0x18: {  	_ =	swait.ge [sflag:s9], $0x2800  }
0x19: {  	[sflag:s9] =	ssyncset.done $0x0  }
0x1a: {  	[sflag:s9] =	ssyncadd.s32 $0xFFFFD800  }
0x1b: {  	s15 =	simm.s32 $0x0;
	[bflag:$0x0] =	sbarrier.arrive $0xFFFF  }
0x1c: {  	[spmem:s1] =	stream.indirect.scatter.add.f32 [tilespmem:s10], [sflag:$0x1], $0x80, s15, s13, $0xb8;
	[tilespmem:$0x1A800] =	vst v63  }
0x1d: {  	_ =	swait.ge [sflag:s9], $0x4000  }
0x1e: {  	s15 =	simm.s32 $0x200;
	[sflag:s9] =	ssyncset.done $0x0  }
.LBB2_2:
0x1f: {  	s16 =	sshra.s32 s15, $0x2;
	[sflag:s9] =	ssyncadd.s32 $0xFFFFC000;
	p0 =	sne.s32 s15, $0x9E00  }
0x20: {  	[spmem:s1] =	stream.indirect.scatter.add.f32 [tilespmem:s10], [sflag:$0x1], $0x80, s16, s13, $0xb8;
	[tilespmem:$0x1A800] =	vst v63  }
.Ltmp0:
0x21: {  	_ = 	snop;
	(pc) =	sbr.rel @p0 .LBB2_2-.Ltmp0, $4  }
0x22: {  	_ = 	snop  }
0x23: {  	s15 =	sadd.s32 $0x200, s15  }
0x24: {  	_ =	swait.ge [sflag:s9], $0x4000  }
0x25: {  	[sflag:s9] =	ssyncset.done $0x0  }
0x26: {  	s14 =	sadd.s32 $0x1, s14  }
0x27: {  	[sflag:s9] =	ssyncadd.s32 $0xFFFFC000;
	p0 =	sne.s32 s14, s8  }
.Ltmp1:
0x28: {  	[bflag:$0x0] =	sbarrier.arrive $0xFFFF;
	(pc) =	sbr.rel @p0 .LBB2_1-.Ltmp1, $4  }
0x29: {  	[hbm:s7], [sflag:s11] =	dma.local [spmem:s12], $0x2800  }
0x2a: {  	_ =	swait.ge [sflag:s9], $0x2800  }
0x2b: {  	[sflag:s9] =	ssyncset.done $0x0  }
0x2c: {  	[sflag:s9] =	ssyncadd.s32 $0xFFFFD800  }
0x2d: {  	_ =	sfence.sel $0x180000  }
0x2e: {  	[bflag:$0x0] =	sbarrier.arrive $0xFFFF  }
0x2f: {  	p0 =	sne.s32 s2, $0x0;
	_ =	strace $0x9000004A  }
0x30: {  	s0 =	sadd.s32 @!p0 $0x100000, s0;
	[bflag:$0x2] =	sbarrier.arrive $0xFFFF  }
0x31: {  	[sflag:s0] =	ssyncadd.tile.s32 @!p0 $0x1;
	_ =	shalt  }
.Lfunc_end2:
_tile_overlayer_lowered:
.L_overlay_start_2:
0x32: {  	(tag) =	ssettag $0x2  }
0x33: {  	s0 =	rddreg [dreg:$0x0];
	s2 =	stileid.u32  }
0x34: {  	s1 =	rddreg [dreg:$0x1];
	p0 =	sne.s32 s2, $0x0  }
0x35: {  	s3 =	rddreg [dreg:$0x2];
	[bflag:$0x3] =	sbarrier.arrive $0xFFFF;
	s2 =	simm.s32 @!p0 $0x1C01  }
0x36: {  	[timem:s3], [sflag:s2] =	dma.local @!p0 [hbm:s0], s1  }
0x37: {  	s0 =	simm.s32 @!p0 $0x1  }
0x38: {  	_ =	swait.ge @!p0 [sflag:s0], s1  }
0x39: {  	s1 =	ssub.s32 @!p0 $0x0, s1;
	[sflag:s0] =	ssyncset.done @!p0 $0x0  }
0x3a: {  	[sflag:s0] =	ssyncadd.s32 @!p0 s1  }
0x3b: {  	[bflag:$0x3] =	sbarrier.arrive $0xFFFF  }
0x3c: {  	_ =	shalt  }

// kernel: kernel.20.cloned.1.call-start
scs
__scs_entry_jumppad:
0x0: {  	(pc) =	sbr.rel $0x88, $3  }
0x1: {  	(tag) =	ssettag $0x0;
	lr =	simm.s32 $0x1  }
0x2: {  	[smem:$0x3F9B] =	sst lr;
	_ =	strace $0xD0000000  }
0x3: {  	_ = 	snop  }
0x4: {  	_ = 	snop  }
0x5: {  	_ = 	snop  }
0x6: {  	_ = 	snop  }
0x7: {  	_ = 	snop  }
__scs_overlays_trampoline_lowered:
0x8: {  	[smem:$0x3FAA] =	sst s0  }
0x9: {  	[smem:$0x3FAB] =	sst s1  }
0xa: {  	[smem:$0x3FAC] =	sst s2  }
0xb: {  	[smem:$0x3FAD] =	sst s3  }
0xc: {  	[smem:$0x3FAE] =	sst s4  }
0xd: {  	[smem:$0x3FAF] =	sst s5  }
0xe: {  	[smem:$0x3FB0] =	sst s6  }
0xf: {  	[smem:$0x3FB1] =	sst s7  }
0x10: {  	[smem:$0x3FB2] =	sst s8  }
0x11: {  	[smem:$0x3FB3] =	sst s9;
	s0 =	simm.s32 @!p0 $0x0  }
0x12: {  	s1 =	sld [smem:$0x3F99];
	s0 =	simm.s32 @p0 $0x1  }
0x13: {  	[smem:$0x3FB4] =	sst s0;
	s0 =	simm.s32 @!p1 $0x0  }
0x14: {  	s2 =	sld [smem:$0x3F98];
	s0 =	simm.s32 @p1 $0x1  }
0x15: {  	[smem:$0x3FB5] =	sst s0;
	s0 =	simm.s32 @!p2 $0x0  }
0x16: {  	s3 =	sld [smem:$0x3FDB];
	s0 =	simm.s32 @p2 $0x1  }
0x17: {  	s4 =	simm.s32 $0x1BF5;
	[smem:$0x3FB7] =	sst s0  }
0x18: {  	s0 =	sld [smem:$0x3F9A];
	_ =	swait.ge [sflag:s4], $0x0  }
0x19: {  	s7 =	sld [smem:$0x3F9B]  }
0x1a: {  	s8 =	sadd.s32 $0xFFFFE003, lr  }
0x1b: {  	s9 =	sadd.s32 $0xFFFFFEF7, lr;
	s5 =	simm.s32 $0xFFFFFFFF;
	p2 =	slt.u32 s8, $0xFFFFF086  }
0x1c: {  	p1 =	slt.u32 s9, $0xF7A;
	s5 =	simm.s32 @!p2 $0x0  }
0x1d: {  	s5 =	simm.s32 @p1 $0x1;
	p0 =	seq.s32 s7, s2  }
0x1e: {  	s7 =	smul.u32 @!p0 $0xF7A, s2;
	p2 =	seq.s32 @!p0 s5, $0x0  }
0x1f: {  	s9 =	smul.u32 $0xF7A, s1;
	s8 =	simm.s32 @!p0 $0x1BF5;
	p2 =	por !p2, p0  }
0x20: {  	[sflag:s8] =	ssyncset.s32 @!p0 $0xFFFFF086;
	s6 =	sadd.s32 @!p0 s3, s7;
	s7 =	simm.s32 @!p0 $0x108  }
0x21: {  	s3 =	sadd.s32 s3, s9;
	s6 =	sadd.s32 @!p0 $0x88, s6;
	s7 =	simm.s32 @p2 $0x1082  }
0x22: {  	[simem:s7], [sflag:s8] =	dma.local @!p0 [hbm:s6], $0xF7A  }
0x23: {  	s9 =	sor.u32 $0xD0000000, s2;
	s6 =	simm.s32 $0x108;
	_ =	swait.ge @!p0 [sflag:s8], $0x0  }
0x24: {  	s3 =	sadd.s32 $0x88, s3;
	s6 =	simm.s32 @!p1 $0x1082;
	[sflag:s4] =	ssyncset.s32 $0xFFFFF086  }
0x25: {  	[simem:s6], [sflag:s4] =	dma.local [hbm:s3], $0xF7A  }
0x26: {  	[smem:$0x3F9B] =	sst s1;
	(tag) =	ssettag s2;
	_ =	strace s9  }
0x27: {  	s1 =	sld [smem:$0x3FAB]  }
0x28: {  	s2 =	sld [smem:$0x3FAC]  }
0x29: {  	s4 =	sld [smem:$0x3FAE]  }
0x2a: {  	p0 =	seq.s32 s5, $0x0;
	s5 =	sld [smem:$0x3FAF]  }
0x2b: {  	s6 =	sld [smem:$0x3FB0]  }
0x2c: {  	s7 =	sld [smem:$0x3FB1]  }
0x2d: {  	s3 =	simm.s32 $0x108;
	s8 =	sld [smem:$0x3FB2]  }
0x2e: {  	s3 =	simm.s32 @!p0 $0x1082;
	s9 =	sld [smem:$0x3FB3]  }
0x2f: {  	lr =	sadd.s32 s0, s3;
	s0 =	sld [smem:$0x3FAA]  }
0x30: {  	s3 =	sld [smem:$0x3FAD]  }
0x31: {  	[smem:$0x3FB6] =	sst s10  }
0x32: {  	s10 =	sld [smem:$0x3FB4];
	_ =	sdelay $0x3  }
0x33: {  	p0 =	seq.s32 s10, $0x1;
	s10 =	sld [smem:$0x3FB6];
	_ =	sdelay $0x3  }
0x34: {  	[smem:$0x3FB6] =	sst s10  }
0x35: {  	s10 =	sld [smem:$0x3FB5];
	_ =	sdelay $0x3  }
0x36: {  	p1 =	seq.s32 s10, $0x1;
	s10 =	sld [smem:$0x3FB6];
	_ =	sdelay $0x3  }
0x37: {  	[smem:$0x3FB6] =	sst s10  }
0x38: {  	s10 =	sld [smem:$0x3FB7]  }
0x39: {  	_ = 	snop;
	(pc) =	sbr.ind lr, $3  }
0x3a: {  	_ = 	snop  }
0x3b: {  	_ = 	snop  }
0x3c: {  	p2 =	seq.s32 s10, $0x1;
	s10 =	sld [smem:$0x3FB6]  }
0x3d: {  	_ =	shalt  }
0x3e: {  	_ =	shalt  }
0x3f: {  	_ =	shalt  }
0x40: {  	_ =	shalt  }
0x41: {  	_ =	shalt  }
0x42: {  	_ =	shalt  }
0x43: {  	_ =	shalt  }
0x44: {  	_ =	shalt  }
0x45: {  	_ =	shalt  }
0x46: {  	_ =	shalt  }
0x47: {  	_ =	shalt  }
0x48: {  	_ =	shalt  }
0x49: {  	_ =	shalt  }
0x4a: {  	_ =	shalt  }
0x4b: {  	_ =	shalt  }
0x4c: {  	_ =	shalt  }
0x4d: {  	_ =	shalt  }
0x4e: {  	_ =	shalt  }
0x4f: {  	_ =	shalt  }
0x50: {  	_ =	shalt  }
0x51: {  	_ =	shalt  }
0x52: {  	_ =	shalt  }
0x53: {  	_ =	shalt  }
0x54: {  	_ =	shalt  }
0x55: {  	_ =	shalt  }
0x56: {  	_ =	shalt  }
0x57: {  	_ =	shalt  }
0x58: {  	_ =	shalt  }
0x59: {  	_ =	shalt  }
0x5a: {  	_ =	shalt  }
0x5b: {  	_ =	shalt  }
0x5c: {  	_ =	shalt  }
0x5d: {  	_ =	shalt  }
0x5e: {  	_ =	shalt  }
0x5f: {  	_ =	shalt  }
0x60: {  	_ =	shalt  }
0x61: {  	_ =	shalt  }
0x62: {  	_ =	shalt  }
0x63: {  	_ =	shalt  }
0x64: {  	_ =	shalt  }
0x65: {  	_ =	shalt  }
0x66: {  	_ =	shalt  }
0x67: {  	_ =	shalt  }
0x68: {  	_ =	shalt  }
0x69: {  	_ =	shalt  }
0x6a: {  	_ =	shalt  }
0x6b: {  	_ =	shalt  }
0x6c: {  	_ =	shalt  }
0x6d: {  	_ =	shalt  }
0x6e: {  	_ =	shalt  }
0x6f: {  	_ =	shalt  }
0x70: {  	_ =	shalt  }
0x71: {  	_ =	shalt  }
0x72: {  	_ =	shalt  }
0x73: {  	_ =	shalt  }
0x74: {  	_ =	shalt  }
0x75: {  	_ =	shalt  }
0x76: {  	_ =	shalt  }
0x77: {  	_ =	shalt  }
0x78: {  	_ =	shalt  }
0x79: {  	_ =	shalt  }
0x7a: {  	_ =	shalt  }
0x7b: {  	_ =	shalt  }
0x7c: {  	_ =	shalt  }
0x7d: {  	_ =	shalt  }
0x7e: {  	_ =	shalt  }
0x7f: {  	_ =	shalt  }
0x80: {  	_ =	shalt  }
0x81: {  	_ =	shalt  }
0x82: {  	_ =	shalt  }
0x83: {  	_ =	shalt  }
0x84: {  	_ =	shalt  }
0x85: {  	_ =	shalt  }
0x86: {  	_ =	shalt  }
0x87: {  	_ =	shalt  }
.Lfunc_end0:
.L_simem_size_0:
called_computation.2_lowered:
.L_overlay_start_0:
0x88: {  	s2 =	sld [smem:$0x3FD9]  }
0x89: {  	s3 =	sld [smem:$0x3FFE];
	_ =	sdelay $0x1  }
0x8a: {  	s1 =	srdreg.scid  }
0x8b: {  	s0 =	sand.u32 $0x1, s1  }
0x8c: {  	s17 =	sshll.u32 s0, $0xA;
	s2 =	sadd.s32 s3, s2  }
0x8d: {  	s2 =	sadd.s32 s2, s17  }
0x8e: {  	[smem:$0x3FC2] =	sst s2  }
0x8f: {  	_ = 	snop  }
0x90: {  	s18 =	sld [smem:$0x3FD0];
	(tm) =	ssettm $0x1  }
0x91: {  	s19 =	sld [smem:$0x3FFB];
	_ =	sdelay $0x3  }
0x92: {  	_ =	strace s19  }
0x93: {  	s2 =	sld [smem:$0x3FFC];
	_ =	sdelay $0x3  }
0x94: {  	_ =	strace s2  }
0x95: {  	s2 =	sld [smem:$0x3FFD];
	_ =	sdelay $0x3  }
0x96: {  	_ =	strace s2  }
0x97: {  	_ =	strace $0x8FFFFFFF  }
0x98: {  	s20 =	sld [smem:$0x3FDB];
	_ =	sdelay $0x1  }
0x99: {  	s4 =	simm.s32 $_scs_section_size  }
0x9a: {  	s5 =	simm.s32 $_size__tile_overlayer_lowered;
	s6 =	simm.s32 $_tile_overlayer_lowered  }
0x9b: {  	s7 =	simm.s32 $0x1BFF;
	s21 =	sshll.u32 s6, $0x1;
	s4 =	sadd.s32 s4, s20  }
0x9c: {  	s22 =	simm.s32 $0x0;
	s5 =	sshll.u32 s5, $0x1;
	s6 =	sadd.s32 s21, s4  }
0x9d: {  	[timem:s22], [sflag:s7] =	dma.local [hbm:s6], s5  }
0x9e: {  	_ =	swait.ge [sflag:s7], s5  }
0x9f: {  	s5 =	ssub.s32 $0x0, s5;
	[sflag:s7] =	ssyncset.done $0x0  }
0xa0: {  	[sflag:s7] =	ssyncadd.s32 s5;
	_ =	sdelay $0x1  }
0xa1: {  	s23 =	simm.s32 $0x1B8B  }
0xa2: {  	_ =	swait.ge [sflag:s23], $0x1  }
0xa3: {  	[sflag:s23] =	ssyncset.done $0x0  }
0xa4: {  	[sflag:s23] =	ssyncadd.s32 $0xFFFFFFFF  }
0xa5: {  	s5 =	sld [smem:$0x0]  }
0xa6: {  	s6 =	sand.u32 $0xFFFFFFFE, s1  }
0xa7: {  	p0 =	sne.s32 s1, s6  }
0xa8: {  	s6 =	sshll.u32 @p0 s6, $0xE  }
0xa9: {  	s6 =	sadd.s32 @p0 $0x11B8D, s6;
	s7 =	sshll.u32 @p0 s5, $0x11  }
0xaa: {  	s6 =	sor.u32 @p0 s7, s6  }
0xab: {  	[sflag:s6] =	ssyncadd.remote.s32 @p0 $0x1;
	_ =	sdelay $0x1  }
0xac: {  	s6 =	simm.s32 @p0 $0x1B8D  }
0xad: {  	_ =	swait.eq @p0 [sflag:s6], $0x1  }
0xae: {  	[sflag:s6] =	ssyncadd.s32 @p0 $0xFFFFFFFF  }
0xaf: {  	s7 =	sshll.u32 @!p0 s1, $0xE  }
0xb0: {  	s7 =	sor.u32 @!p0 $0x4000, s7;
	s6 =	simm.s32 @!p0 $0x1B8D  }
0xb1: {  	s5 =	sshll.u32 @!p0 s5, $0x11;
	s7 =	sadd.s32 @!p0 $0x11B8D, s7;
	_ =	swait.eq @!p0 [sflag:s6], $0x1  }
0xb2: {  	s5 =	sor.u32 @!p0 s5, s7;
	[sflag:s6] =	ssyncadd.s32 @!p0 $0xFFFFFFFF  }
0xb3: {  	s25 =	simm.s32 $0x1B8E;
	s24 =	sld [smem:$0x3FFE];
	[sflag:s5] =	ssyncadd.remote.s32 @!p0 $0x1  }
0xb4: {  	s26 =	simm.s32 $execute0_lowered;
	[smem:$0x3FD2] =	sst s25  }
0xb5: {  	s6 =	sshll.u32 s26, $0x1;
	_ =	strace $0x8000004C;
	[dreg:$0x1] =	wrdreg $0xFFFFFFFF  }
0xb6: {  	s28 =	simm.s32 $_size_execute0_lowered;
	s4 =	sadd.s32 s4, s6;
	[dreg:$0x0] =	wrdreg $0x0  }
0xb7: {  	s6 =	sshll.u32 s28, $0x1;
	[dreg:$0x2] =	wrdreg s4  }
0xb8: {  	[dreg:$0x3] =	wrdreg s6  }
0xb9: {  	[dreg:$0x4] =	wrdreg $0xC0  }
0xba: {  	_ =	task [dreg:s22], $0x5FFFF  }
0xbb: {  	[dreg:$0x1] =	wrdreg $0xFFFFFFFF  }
0xbc: {  	[dreg:$0x0] =	wrdreg $0x60  }
0xbd: {  	[dreg:$0x2] =	wrdreg s24  }
0xbe: {  	[dreg:$0x3] =	wrdreg s18  }
0xbf: {  	[dreg:$0x4] =	wrdreg $0x90000  }
0xc0: {  	[dreg:$0x5] =	wrdreg $0xA  }
0xc1: {  	_ =	task.clear_ibuf [dreg:s22], $0x6FFFF;
	_ =	strace $0x9000004C  }
0xc2: {  	s29 =	simm.s32 $0xA;
	_ =	strace $0x8000004E  }
0xc3: {  	_ =	swait.ge [sflag:s29], $0x1  }
0xc4: {  	[sflag:s29] =	ssyncadd.s32 $0xFFFFFFFF  }
0xc5: {  	_ =	strace $0x9000004E  }
0xc6: {  	_ =	sfence  }
0xc7: {  	s30 =	sld [smem:$0x0];
	_ =	sdelay $0x2  }
0xc8: {  	s31 =	sshll.u32 s1, $0xD;
	s1 =	sshrl.u32 s1, $0x2  }
0xc9: {  	s4 =	sand.u32 $0x4000, s31;
	s1 =	sadd.s32 s1, s30  }
0xca: {  	s0 =	sor.u32 s4, s0;
	s1 =	sshll.u32 s1, $0x11  }
0xcb: {  	s0 =	sor.u32 s1, s0  }
0xcc: {  	s0 =	sadd.s32 $0x8F2B, s0  }
0xcd: {  	[sflag:s0] =	ssyncadd.remote.s32 $0x1  }
0xce: {  	_ =	sfence.sel $0xFFFF  }
0xcf: {  	[dreg:$0x0] =	wrdreg $0xFFFFFFFF;
	(pc) =	sbr.abs _section_cstart, $3  }
0xd0: {  	[dreg:$0x1] =	wrdreg $0xFFFFFFFF  }
0xd1: {  	_ =	task.clear_ibuf [dreg:s22], $0x2FFFF;
	_ =	strace $0x9FFFFFFF  }
0xd2: {  	(tm) =	ssettm $0x7FFFFFFF  }
0xd3: {  	_ =	shalt  }
tec
execute0_lowered:
.L_overlay_start_1:
0x0: {  	(tag) =	ssettag $0x1  }
0x1: {  	s1 =	srdreg.scid;
	s6 =	rddreg [dreg:$0x0]  }
0x2: {  	s0 =	stileid.u32;
	s7 =	rddreg [dreg:$0x1]  }
0x3: {  	s2 =	rddreg [dreg:$0x2];
	s3 =	simm.s32 $0x0;
	s14 =	simm.s32 $0x80  }
0x4: {  	s15 =	simm.s32 $0x5000;
	s16 =	simm.s32 $0x1;
	s17 =	simm.s32 $0x0  }
0x5: {  	s5 =	sand.u32 $0x1, s1;
	s28 =	sshll.u32 s0, $0x1;
	s10 =	smul.u32 $0x14000, s0  }
0x6: {  	[smem:$0x7FF] =	sst s3;
	s4 =	sadd.s32 $0x3A00, s6;
	s13 =	smul.u32 $0x50000, s0  }
0x7: {  	s31 =	sshll.u32 s0, $0x6;
	s1 =	sor.u32 s5, s28;
	s9 =	smul.u32 $0x140000, s5  }
0x8: {  	s29 =	ssub.s32 $0x2, s5;
	s5 =	sadd.s32 $0x2BA00, s6;
	s8 =	smul.u32 $0x500, s1  }
0x9: {  	s1 =	rddreg [dreg:$0x3];
	_ =	strace $0x8000004D;
	s12 =	sshrl.u32 s29, $0x1  }
0xa: {  	s30 =	sshrl.u32 s13, $0x2;
	s9 =	sadd.s32 s10, s9;
	s10 =	ssub.s32 s29, s12  }
0xb: {  	s13 =	sadd.s32 s30, s2;
	s12 =	sor.u32 $0x1C02, s31;
	s11 =	sadd.s32 s8, s6  }
0xc: {  	s9 =	sshrl.u32 s9, $0x3;
	s7 =	sadd.s32 s7, s8;
	s13 =	sshrl.u32 s13, $0x3  }
0xd: {  	s9 =	sadd.s32 s9, s6;
	s6 =	sadd.s32 $0x7EA00, s11;
	s11 =	simm.s32 $0x2800  }
0xe: {  	s8 =	sadd.s32 $0x88A00, s9;
	s9 =	smax.u32 s10, $0x1;
	s10 =	simm.s32 $0x2  }
.LBB2_1:
0xf: {  	[tilespmem:s3], [sflag:$0x2] =	stream.linear.gather [hbm4b:s6+s3], $0x2800, $0x38;
	[tilespmem:$0x1D000] =	vst v63  }
0x10: {  	_ =	swait.ge [sflag:s10], $0x2800  }
0x11: {  	[sflag:s10] =	ssyncset.done $0x0  }
0x12: {  	[sflag:s10] =	ssyncadd.s32 $0xFFFFD800  }
0x13: {  	[tilespmem:s11], [sflag:$0x2] =	stream.linear.gather [hbm4b:s7+s3], $0x2800, $0x38;
	[tilespmem:$0x1D000] =	vst v63  }
0x14: {  	_ =	swait.ge [sflag:s10], $0x2800  }
0x15: {  	[sflag:s10] =	ssyncset.done $0x0  }
0x16: {  	[sflag:s10] =	ssyncadd.s32 $0xFFFFD800  }
0x17: {  	[spmem:s13], [sflag:s12] =	dma.local [hbm:s5], $0x2800  }
0x18: {  	_ =	swait.ge [sflag:s10], $0x2800  }
0x19: {  	[sflag:s10] =	ssyncset.done $0x0  }
0x1a: {  	[sflag:s10] =	ssyncadd.s32 $0xFFFFD800  }
0x1b: {  	s18 =	simm.s32 $0x0;
	[bflag:$0x0] =	sbarrier.arrive $0xFFFF  }
0x1c: {  	[tilespmem:s15], [sflag:$0x1] =	stream.indirect.gather [hbm4b:s4+s14], $0x80, s18, s14, $0xb8;
	[tilespmem:$0x1D000] =	vst v63  }
0x1d: {  	_ =	swait.ge [sflag:s16], $0x4000  }
0x1e: {  	[sflag:s16] =	ssyncset.done $0x0  }
0x1f: {  	s31 =	simm.s32 $0x2800;
	[sflag:s16] =	ssyncadd.s32 $0xFFFFC000  }
0x20: {  	[spmem:s2] =	stream.indirect.scatter.add.f32 [tilespmem:s15], [sflag:$0x2], $0x80, s31, s14, $0xb8;
	[tilespmem:$0x1D000] =	vst v63  }
0x21: {  	_ =	swait.ge [sflag:s10], $0x4000  }
0x22: {  	s19 =	simm.s32 $0x400;
	s18 =	simm.s32 $0x200;
	[sflag:s10] =	ssyncset.done $0x0  }
.LBB2_2:
0x23: {  	s20 =	sshra.s32 s18, $0x2  }
0x24: {  	[sflag:s10] =	ssyncadd.s32 $0xFFFFC000;
	s18 =	smov.u32 s19;
	s21 =	sadd.s32 $0x200, s19  }
0x25: {  	[tilespmem:s15], [sflag:$0x1] =	stream.indirect.gather [hbm4b:s4+s14], $0x80, s20, s14, $0xb8;
	[tilespmem:$0x1D000] =	vst v63  }
0x26: {  	p0 =	sne.s32 s19, $0x9E00;
	_ =	swait.ge [sflag:s16], $0x4000  }
.Ltmp0:
0x27: {  	[sflag:s16] =	ssyncset.done $0x0;
	(pc) =	sbr.rel @p0 .LBB2_2-.Ltmp0, $4  }
0x28: {  	s19 =	sadd.s32 $0x2800, s20;
	[sflag:s16] =	ssyncadd.s32 $0xFFFFC000  }
0x29: {  	[spmem:s2] =	stream.indirect.scatter.add.f32 [tilespmem:s15], [sflag:$0x2], $0x80, s19, s14, $0xb8;
	[tilespmem:$0x1D000] =	vst v63  }
0x2a: {  	_ =	swait.ge [sflag:s10], $0x4000  }
0x2b: {  	s19 =	smov.u32 s21;
	[sflag:s10] =	ssyncset.done $0x0  }
0x2c: {  	s18 =	sshra.s32 s18, $0x2;
	[sflag:s10] =	ssyncadd.s32 $0xFFFFC000  }
0x2d: {  	[tilespmem:s15], [sflag:$0x1] =	stream.indirect.gather [hbm4b:s4+s14], $0x80, s18, s14, $0xb8;
	[tilespmem:$0x1D000] =	vst v63  }
0x2e: {  	_ =	swait.ge [sflag:s16], $0x4000  }
0x2f: {  	[sflag:s16] =	ssyncset.done $0x0  }
0x30: {  	s18 =	sadd.s32 $0x2800, s18;
	[sflag:s16] =	ssyncadd.s32 $0xFFFFC000  }
0x31: {  	[spmem:s2] =	stream.indirect.scatter.add.f32 [tilespmem:s15], [sflag:$0x2], $0x80, s18, s14, $0xb8;
	[tilespmem:$0x1D000] =	vst v63  }
0x32: {  	_ =	swait.ge [sflag:s10], $0x4000  }
0x33: {  	s17 =	sadd.s32 $0x1, s17;
	[sflag:s10] =	ssyncset.done $0x0  }
0x34: {  	p0 =	sne.s32 s17, s9;
	[sflag:s10] =	ssyncadd.s32 $0xFFFFC000  }
.Ltmp1:
0x35: {  	[bflag:$0x0] =	sbarrier.arrive $0xFFFF;
	(pc) =	sbr.rel @p0 .LBB2_1-.Ltmp1, $4  }
0x36: {  	[hbm:s8], [sflag:s12] =	dma.local [spmem:s13], $0x2800  }
0x37: {  	_ =	swait.ge [sflag:s10], $0x2800  }
0x38: {  	[sflag:s10] =	ssyncset.done $0x0  }
0x39: {  	[sflag:s10] =	ssyncadd.s32 $0xFFFFD800  }
0x3a: {  	_ =	sfence.sel $0x180000  }
0x3b: {  	[bflag:$0x0] =	sbarrier.arrive $0xFFFF  }
0x3c: {  	p0 =	sne.s32 s0, $0x0;
	_ =	strace $0x9000004D  }
0x3d: {  	s0 =	sadd.s32 @!p0 $0x100000, s1;
	[bflag:$0x2] =	sbarrier.arrive $0xFFFF  }
0x3e: {  	[sflag:s0] =	ssyncadd.tile.s32 @!p0 $0x1;
	_ =	shalt  }
.Lfunc_end2:
_tile_overlayer_lowered:
.L_overlay_start_2:
0x3f: {  	(tag) =	ssettag $0x2  }
0x40: {  	s0 =	rddreg [dreg:$0x0];
	s2 =	stileid.u32  }
0x41: {  	s1 =	rddreg [dreg:$0x1];
	p0 =	sne.s32 s2, $0x0  }
0x42: {  	s3 =	rddreg [dreg:$0x2];
	[bflag:$0x3] =	sbarrier.arrive $0xFFFF;
	s2 =	simm.s32 @!p0 $0x1C02  }
0x43: {  	[timem:s3], [sflag:s2] =	dma.local @!p0 [hbm:s0], s1  }
0x44: {  	s0 =	simm.s32 @!p0 $0x2  }
0x45: {  	_ =	swait.ge @!p0 [sflag:s0], s1  }
0x46: {  	s1 =	ssub.s32 @!p0 $0x0, s1;
	[sflag:s0] =	ssyncset.done @!p0 $0x0  }
0x47: {  	[sflag:s0] =	ssyncadd.s32 @!p0 s1  }
0x48: {  	[bflag:$0x3] =	sbarrier.arrive $0xFFFF  }
0x49: {  	_ =	shalt  }

// kernel: kernel.23.cloned.1.call-start
scs
__scs_entry_jumppad:
0x0: {  	(pc) =	sbr.rel $0x88, $3  }
0x1: {  	(tag) =	ssettag $0x0;
	lr =	simm.s32 $0x1  }
0x2: {  	[smem:$0x3F9B] =	sst lr;
	_ =	strace $0xD0000000  }
0x3: {  	_ = 	snop  }
0x4: {  	_ = 	snop  }
0x5: {  	_ = 	snop  }
0x6: {  	_ = 	snop  }
0x7: {  	_ = 	snop  }
__scs_overlays_trampoline_lowered:
0x8: {  	[smem:$0x3FAA] =	sst s0  }
0x9: {  	[smem:$0x3FAB] =	sst s1  }
0xa: {  	[smem:$0x3FAC] =	sst s2  }
0xb: {  	[smem:$0x3FAD] =	sst s3  }
0xc: {  	[smem:$0x3FAE] =	sst s4  }
0xd: {  	[smem:$0x3FAF] =	sst s5  }
0xe: {  	[smem:$0x3FB0] =	sst s6  }
0xf: {  	[smem:$0x3FB1] =	sst s7  }
0x10: {  	[smem:$0x3FB2] =	sst s8  }
0x11: {  	[smem:$0x3FB3] =	sst s9;
	s0 =	simm.s32 @!p0 $0x0  }
0x12: {  	s1 =	sld [smem:$0x3F99];
	s0 =	simm.s32 @p0 $0x1  }
0x13: {  	[smem:$0x3FB4] =	sst s0;
	s0 =	simm.s32 @!p1 $0x0  }
0x14: {  	s2 =	sld [smem:$0x3F98];
	s0 =	simm.s32 @p1 $0x1  }
0x15: {  	[smem:$0x3FB5] =	sst s0;
	s0 =	simm.s32 @!p2 $0x0  }
0x16: {  	s3 =	sld [smem:$0x3FDB];
	s0 =	simm.s32 @p2 $0x1  }
0x17: {  	s4 =	simm.s32 $0x1BF5;
	[smem:$0x3FB7] =	sst s0  }
0x18: {  	s0 =	sld [smem:$0x3F9A];
	_ =	swait.ge [sflag:s4], $0x0  }
0x19: {  	s7 =	sld [smem:$0x3F9B]  }
0x1a: {  	s8 =	sadd.s32 $0xFFFFE003, lr  }
0x1b: {  	s9 =	sadd.s32 $0xFFFFFEF7, lr;
	s5 =	simm.s32 $0xFFFFFFFF;
	p2 =	slt.u32 s8, $0xFFFFF086  }
0x1c: {  	p1 =	slt.u32 s9, $0xF7A;
	s5 =	simm.s32 @!p2 $0x0  }
0x1d: {  	s5 =	simm.s32 @p1 $0x1;
	p0 =	seq.s32 s7, s2  }
0x1e: {  	s7 =	smul.u32 @!p0 $0xF7A, s2;
	p2 =	seq.s32 @!p0 s5, $0x0  }
0x1f: {  	s9 =	smul.u32 $0xF7A, s1;
	s8 =	simm.s32 @!p0 $0x1BF5;
	p2 =	por !p2, p0  }
0x20: {  	[sflag:s8] =	ssyncset.s32 @!p0 $0xFFFFF086;
	s6 =	sadd.s32 @!p0 s3, s7;
	s7 =	simm.s32 @!p0 $0x108  }
0x21: {  	s3 =	sadd.s32 s3, s9;
	s6 =	sadd.s32 @!p0 $0x88, s6;
	s7 =	simm.s32 @p2 $0x1082  }
0x22: {  	[simem:s7], [sflag:s8] =	dma.local @!p0 [hbm:s6], $0xF7A  }
0x23: {  	s9 =	sor.u32 $0xD0000000, s2;
	s6 =	simm.s32 $0x108;
	_ =	swait.ge @!p0 [sflag:s8], $0x0  }
0x24: {  	s3 =	sadd.s32 $0x88, s3;
	s6 =	simm.s32 @!p1 $0x1082;
	[sflag:s4] =	ssyncset.s32 $0xFFFFF086  }
0x25: {  	[simem:s6], [sflag:s4] =	dma.local [hbm:s3], $0xF7A  }
0x26: {  	[smem:$0x3F9B] =	sst s1;
	(tag) =	ssettag s2;
	_ =	strace s9  }
0x27: {  	s1 =	sld [smem:$0x3FAB]  }
0x28: {  	s2 =	sld [smem:$0x3FAC]  }
0x29: {  	s4 =	sld [smem:$0x3FAE]  }
0x2a: {  	p0 =	seq.s32 s5, $0x0;
	s5 =	sld [smem:$0x3FAF]  }
0x2b: {  	s6 =	sld [smem:$0x3FB0]  }
0x2c: {  	s7 =	sld [smem:$0x3FB1]  }
0x2d: {  	s3 =	simm.s32 $0x108;
	s8 =	sld [smem:$0x3FB2]  }
0x2e: {  	s3 =	simm.s32 @!p0 $0x1082;
	s9 =	sld [smem:$0x3FB3]  }
0x2f: {  	lr =	sadd.s32 s0, s3;
	s0 =	sld [smem:$0x3FAA]  }
0x30: {  	s3 =	sld [smem:$0x3FAD]  }
0x31: {  	[smem:$0x3FB6] =	sst s10  }
0x32: {  	s10 =	sld [smem:$0x3FB4];
	_ =	sdelay $0x3  }
0x33: {  	p0 =	seq.s32 s10, $0x1;
	s10 =	sld [smem:$0x3FB6];
	_ =	sdelay $0x3  }
0x34: {  	[smem:$0x3FB6] =	sst s10  }
0x35: {  	s10 =	sld [smem:$0x3FB5];
	_ =	sdelay $0x3  }
0x36: {  	p1 =	seq.s32 s10, $0x1;
	s10 =	sld [smem:$0x3FB6];
	_ =	sdelay $0x3  }
0x37: {  	[smem:$0x3FB6] =	sst s10  }
0x38: {  	s10 =	sld [smem:$0x3FB7]  }
0x39: {  	_ = 	snop;
	(pc) =	sbr.ind lr, $3  }
0x3a: {  	_ = 	snop  }
0x3b: {  	_ = 	snop  }
0x3c: {  	p2 =	seq.s32 s10, $0x1;
	s10 =	sld [smem:$0x3FB6]  }
0x3d: {  	_ =	shalt  }
0x3e: {  	_ =	shalt  }
0x3f: {  	_ =	shalt  }
0x40: {  	_ =	shalt  }
0x41: {  	_ =	shalt  }
0x42: {  	_ =	shalt  }
0x43: {  	_ =	shalt  }
0x44: {  	_ =	shalt  }
0x45: {  	_ =	shalt  }
0x46: {  	_ =	shalt  }
0x47: {  	_ =	shalt  }
0x48: {  	_ =	shalt  }
0x49: {  	_ =	shalt  }
0x4a: {  	_ =	shalt  }
0x4b: {  	_ =	shalt  }
0x4c: {  	_ =	shalt  }
0x4d: {  	_ =	shalt  }
0x4e: {  	_ =	shalt  }
0x4f: {  	_ =	shalt  }
0x50: {  	_ =	shalt  }
0x51: {  	_ =	shalt  }
0x52: {  	_ =	shalt  }
0x53: {  	_ =	shalt  }
0x54: {  	_ =	shalt  }
0x55: {  	_ =	shalt  }
0x56: {  	_ =	shalt  }
0x57: {  	_ =	shalt  }
0x58: {  	_ =	shalt  }
0x59: {  	_ =	shalt  }
0x5a: {  	_ =	shalt  }
0x5b: {  	_ =	shalt  }
0x5c: {  	_ =	shalt  }
0x5d: {  	_ =	shalt  }
0x5e: {  	_ =	shalt  }
0x5f: {  	_ =	shalt  }
0x60: {  	_ =	shalt  }
0x61: {  	_ =	shalt  }
0x62: {  	_ =	shalt  }
0x63: {  	_ =	shalt  }
0x64: {  	_ =	shalt  }
0x65: {  	_ =	shalt  }
0x66: {  	_ =	shalt  }
0x67: {  	_ =	shalt  }
0x68: {  	_ =	shalt  }
0x69: {  	_ =	shalt  }
0x6a: {  	_ =	shalt  }
0x6b: {  	_ =	shalt  }
0x6c: {  	_ =	shalt  }
0x6d: {  	_ =	shalt  }
0x6e: {  	_ =	shalt  }
0x6f: {  	_ =	shalt  }
0x70: {  	_ =	shalt  }
0x71: {  	_ =	shalt  }
0x72: {  	_ =	shalt  }
0x73: {  	_ =	shalt  }
0x74: {  	_ =	shalt  }
0x75: {  	_ =	shalt  }
0x76: {  	_ =	shalt  }
0x77: {  	_ =	shalt  }
0x78: {  	_ =	shalt  }
0x79: {  	_ =	shalt  }
0x7a: {  	_ =	shalt  }
0x7b: {  	_ =	shalt  }
0x7c: {  	_ =	shalt  }
0x7d: {  	_ =	shalt  }
0x7e: {  	_ =	shalt  }
0x7f: {  	_ =	shalt  }
0x80: {  	_ =	shalt  }
0x81: {  	_ =	shalt  }
0x82: {  	_ =	shalt  }
0x83: {  	_ =	shalt  }
0x84: {  	_ =	shalt  }
0x85: {  	_ =	shalt  }
0x86: {  	_ =	shalt  }
0x87: {  	_ =	shalt  }
.Lfunc_end0:
.L_simem_size_0:
called_computation.3_lowered:
.L_overlay_start_0:
0x88: {  	s2 =	sld [smem:$0x3FD9]  }
0x89: {  	s3 =	sld [smem:$0x3FFE];
	_ =	sdelay $0x1  }
0x8a: {  	s1 =	srdreg.scid  }
0x8b: {  	s0 =	sand.u32 $0x1, s1  }
0x8c: {  	s17 =	sshll.u32 s0, $0xA;
	s2 =	sadd.s32 s3, s2  }
0x8d: {  	s2 =	sadd.s32 s2, s17  }
0x8e: {  	[smem:$0x3FC2] =	sst s2  }
0x8f: {  	_ = 	snop  }
0x90: {  	s2 =	sld [smem:$0x3FD0];
	(tm) =	ssettm $0x1  }
0x91: {  	s18 =	sld [smem:$0x3FFB];
	_ =	sdelay $0x3  }
0x92: {  	_ =	strace s18  }
0x93: {  	s3 =	sld [smem:$0x3FFC];
	_ =	sdelay $0x3  }
0x94: {  	_ =	strace s3  }
0x95: {  	s3 =	sld [smem:$0x3FFD];
	_ =	sdelay $0x3  }
0x96: {  	_ =	strace s3  }
0x97: {  	_ =	strace $0x8FFFFFFF  }
0x98: {  	s19 =	sld [smem:$0x3FDB];
	_ =	sdelay $0x1  }
0x99: {  	s4 =	simm.s32 $_scs_section_size  }
0x9a: {  	s5 =	simm.s32 $_size__tile_overlayer_lowered;
	s6 =	simm.s32 $_tile_overlayer_lowered  }
0x9b: {  	s22 =	simm.s32 $0x1BFF;
	s21 =	sshll.u32 s6, $0x1;
	s3 =	sadd.s32 s4, s19  }
0x9c: {  	s7 =	simm.s32 $0x0;
	s20 =	sshll.u32 s5, $0x1;
	s5 =	sadd.s32 s21, s3  }
0x9d: {  	[timem:s7], [sflag:s22] =	dma.local [hbm:s5], s20  }
0x9e: {  	_ =	swait.ge [sflag:s22], s20  }
0x9f: {  	s4 =	ssub.s32 $0x0, s20;
	[sflag:s22] =	ssyncset.done $0x0  }
0xa0: {  	[sflag:s22] =	ssyncadd.s32 s4;
	_ =	sdelay $0x1  }
0xa1: {  	s23 =	simm.s32 $0x1B8B  }
0xa2: {  	_ =	swait.ge [sflag:s23], $0x1  }
0xa3: {  	[sflag:s23] =	ssyncset.done $0x0  }
0xa4: {  	s25 =	simm.s32 $0x1B8E;
	s24 =	sld [smem:$0x3FFE];
	[sflag:s23] =	ssyncadd.s32 $0xFFFFFFFF  }
0xa5: {  	s26 =	simm.s32 $execute0_lowered;
	[smem:$0x3FD2] =	sst s25  }
0xa6: {  	s5 =	sshll.u32 s26, $0x1;
	_ =	strace $0x8000004F;
	[dreg:$0x1] =	wrdreg $0xFFFFFFFF  }
0xa7: {  	s28 =	simm.s32 $_size_execute0_lowered;
	s3 =	sadd.s32 s3, s5;
	[dreg:$0x0] =	wrdreg $0x0  }
0xa8: {  	s5 =	sshll.u32 s28, $0x1;
	[dreg:$0x2] =	wrdreg s3  }
0xa9: {  	[dreg:$0x3] =	wrdreg s5  }
0xaa: {  	[dreg:$0x4] =	wrdreg $0xC0  }
0xab: {  	_ =	task [dreg:s7], $0x5FFFF  }
0xac: {  	[dreg:$0x1] =	wrdreg $0xFFFFFFFF  }
0xad: {  	[dreg:$0x0] =	wrdreg $0x60  }
0xae: {  	[dreg:$0x2] =	wrdreg s24  }
0xaf: {  	[dreg:$0x3] =	wrdreg s2  }
0xb0: {  	[dreg:$0x4] =	wrdreg $0x90000  }
0xb1: {  	[dreg:$0x5] =	wrdreg $0x9  }
0xb2: {  	_ =	task.clear_ibuf [dreg:s7], $0x6FFFF;
	_ =	strace $0x9000004F  }
0xb3: {  	s29 =	simm.s32 $0x9;
	_ =	strace $0x80000051  }
0xb4: {  	_ =	swait.ge [sflag:s29], $0x1  }
0xb5: {  	[sflag:s29] =	ssyncadd.s32 $0xFFFFFFFF  }
0xb6: {  	_ =	strace $0x90000051  }
0xb7: {  	_ =	sfence  }
0xb8: {  	s30 =	sld [smem:$0x0];
	_ =	sdelay $0x2  }
0xb9: {  	s31 =	sshll.u32 s1, $0xD;
	s1 =	sshrl.u32 s1, $0x2  }
0xba: {  	s3 =	sand.u32 $0x4000, s31;
	s1 =	sadd.s32 s1, s30  }
0xbb: {  	s0 =	sor.u32 s3, s0;
	s1 =	sshll.u32 s1, $0x11  }
0xbc: {  	s0 =	sor.u32 s1, s0  }
0xbd: {  	s0 =	sadd.s32 $0x8F2B, s0  }
0xbe: {  	[sflag:s0] =	ssyncadd.remote.s32 $0x1  }
0xbf: {  	_ =	sfence.sel $0xFFFF  }
0xc0: {  	[dreg:$0x0] =	wrdreg $0xFFFFFFFF;
	(pc) =	sbr.abs _section_cstart, $3  }
0xc1: {  	[dreg:$0x1] =	wrdreg $0xFFFFFFFF  }
0xc2: {  	_ =	task.clear_ibuf [dreg:s7], $0x2FFFF;
	_ =	strace $0x9FFFFFFF  }
0xc3: {  	(tm) =	ssettm $0x7FFFFFFF  }
tec
execute0_lowered:
.L_overlay_start_1:
0x0: {  	(tag) =	ssettag $0x1  }
0x1: {  	s1 =	srdreg.scid;
	s6 =	rddreg [dreg:$0x0]  }
0x2: {  	s0 =	stileid.u32;
	s7 =	rddreg [dreg:$0x1]  }
0x3: {  	s2 =	rddreg [dreg:$0x2];
	s3 =	simm.s32 $0x0;
	s14 =	simm.s32 $0x80  }
0x4: {  	s15 =	simm.s32 $0x5000;
	s16 =	simm.s32 $0x1;
	s17 =	simm.s32 $0x0  }
0x5: {  	s5 =	sand.u32 $0x1, s1;
	s28 =	sshll.u32 s0, $0x1;
	s10 =	smul.u32 $0x14000, s0  }
0x6: {  	[smem:$0x7FF] =	sst s3;
	s4 =	sadd.s32 $0x3200, s6;
	s13 =	smul.u32 $0x50000, s0  }
0x7: {  	s31 =	sshll.u32 s0, $0x6;
	s1 =	sor.u32 s5, s28;
	s9 =	smul.u32 $0x140000, s5  }
0x8: {  	s29 =	ssub.s32 $0x2, s5;
	s5 =	sadd.s32 $0x2BA00, s6;
	s8 =	smul.u32 $0x500, s1  }
0x9: {  	s1 =	rddreg [dreg:$0x3];
	_ =	strace $0x80000050;
	s12 =	sshrl.u32 s29, $0x1  }
0xa: {  	s30 =	sshrl.u32 s13, $0x2;
	s9 =	sadd.s32 s10, s9;
	s10 =	ssub.s32 s29, s12  }
0xb: {  	s13 =	sadd.s32 s30, s2;
	s12 =	sor.u32 $0x1C02, s31;
	s11 =	sadd.s32 s8, s6  }
0xc: {  	s9 =	sshrl.u32 s9, $0x3;
	s7 =	sadd.s32 s7, s8;
	s13 =	sshrl.u32 s13, $0x3  }
0xd: {  	s9 =	sadd.s32 s9, s6;
	s6 =	sadd.s32 $0x7EA00, s11;
	s11 =	simm.s32 $0x2800  }
0xe: {  	s8 =	sadd.s32 $0x88A00, s9;
	s9 =	smax.u32 s10, $0x1;
	s10 =	simm.s32 $0x2  }
.LBB2_1:
0xf: {  	[tilespmem:s3], [sflag:$0x2] =	stream.linear.gather [hbm4b:s6+s3], $0x2800, $0x38;
	[tilespmem:$0x1D000] =	vst v63  }
0x10: {  	_ =	swait.ge [sflag:s10], $0x2800  }
0x11: {  	[sflag:s10] =	ssyncset.done $0x0  }
0x12: {  	[sflag:s10] =	ssyncadd.s32 $0xFFFFD800  }
0x13: {  	[tilespmem:s11], [sflag:$0x2] =	stream.linear.gather [hbm4b:s7+s3], $0x2800, $0x38;
	[tilespmem:$0x1D000] =	vst v63  }
0x14: {  	_ =	swait.ge [sflag:s10], $0x2800  }
0x15: {  	[sflag:s10] =	ssyncset.done $0x0  }
0x16: {  	[sflag:s10] =	ssyncadd.s32 $0xFFFFD800  }
0x17: {  	[spmem:s13], [sflag:s12] =	dma.local [hbm:s5], $0x2800  }
0x18: {  	_ =	swait.ge [sflag:s10], $0x2800  }
0x19: {  	[sflag:s10] =	ssyncset.done $0x0  }
0x1a: {  	[sflag:s10] =	ssyncadd.s32 $0xFFFFD800  }
0x1b: {  	s18 =	simm.s32 $0x0;
	[bflag:$0x0] =	sbarrier.arrive $0xFFFF  }
0x1c: {  	[tilespmem:s15], [sflag:$0x1] =	stream.indirect.gather [hbm4b:s4+s14], $0x80, s18, s14, $0xb8;
	[tilespmem:$0x1D000] =	vst v63  }
0x1d: {  	_ =	swait.ge [sflag:s16], $0x4000  }
0x1e: {  	[sflag:s16] =	ssyncset.done $0x0  }
0x1f: {  	s31 =	simm.s32 $0x2800;
	[sflag:s16] =	ssyncadd.s32 $0xFFFFC000  }
0x20: {  	[spmem:s2] =	stream.indirect.scatter.add.f32 [tilespmem:s15], [sflag:$0x2], $0x80, s31, s14, $0xb8;
	[tilespmem:$0x1D000] =	vst v63  }
0x21: {  	_ =	swait.ge [sflag:s10], $0x4000  }
0x22: {  	s19 =	simm.s32 $0x400;
	s18 =	simm.s32 $0x200;
	[sflag:s10] =	ssyncset.done $0x0  }
.LBB2_2:
0x23: {  	s20 =	sshra.s32 s18, $0x2  }
0x24: {  	[sflag:s10] =	ssyncadd.s32 $0xFFFFC000;
	s18 =	smov.u32 s19;
	s21 =	sadd.s32 $0x200, s19  }
0x25: {  	[tilespmem:s15], [sflag:$0x1] =	stream.indirect.gather [hbm4b:s4+s14], $0x80, s20, s14, $0xb8;
	[tilespmem:$0x1D000] =	vst v63  }
0x26: {  	p0 =	sne.s32 s19, $0x9E00;
	_ =	swait.ge [sflag:s16], $0x4000  }
.Ltmp0:
0x27: {  	[sflag:s16] =	ssyncset.done $0x0;
	(pc) =	sbr.rel @p0 .LBB2_2-.Ltmp0, $4  }
0x28: {  	s19 =	sadd.s32 $0x2800, s20;
	[sflag:s16] =	ssyncadd.s32 $0xFFFFC000  }
0x29: {  	[spmem:s2] =	stream.indirect.scatter.add.f32 [tilespmem:s15], [sflag:$0x2], $0x80, s19, s14, $0xb8;
	[tilespmem:$0x1D000] =	vst v63  }
0x2a: {  	_ =	swait.ge [sflag:s10], $0x4000  }
0x2b: {  	s19 =	smov.u32 s21;
	[sflag:s10] =	ssyncset.done $0x0  }
0x2c: {  	s18 =	sshra.s32 s18, $0x2;
	[sflag:s10] =	ssyncadd.s32 $0xFFFFC000  }
0x2d: {  	[tilespmem:s15], [sflag:$0x1] =	stream.indirect.gather [hbm4b:s4+s14], $0x80, s18, s14, $0xb8;
	[tilespmem:$0x1D000] =	vst v63  }
0x2e: {  	_ =	swait.ge [sflag:s16], $0x4000  }
0x2f: {  	[sflag:s16] =	ssyncset.done $0x0  }
0x30: {  	s18 =	sadd.s32 $0x2800, s18;
	[sflag:s16] =	ssyncadd.s32 $0xFFFFC000  }
0x31: {  	[spmem:s2] =	stream.indirect.scatter.add.f32 [tilespmem:s15], [sflag:$0x2], $0x80, s18, s14, $0xb8;
	[tilespmem:$0x1D000] =	vst v63  }
0x32: {  	_ =	swait.ge [sflag:s10], $0x4000  }
0x33: {  	s17 =	sadd.s32 $0x1, s17;
	[sflag:s10] =	ssyncset.done $0x0  }
0x34: {  	p0 =	sne.s32 s17, s9;
	[sflag:s10] =	ssyncadd.s32 $0xFFFFC000  }
.Ltmp1:
0x35: {  	[bflag:$0x0] =	sbarrier.arrive $0xFFFF;
	(pc) =	sbr.rel @p0 .LBB2_1-.Ltmp1, $4  }
0x36: {  	[hbm:s8], [sflag:s12] =	dma.local [spmem:s13], $0x2800  }
0x37: {  	_ =	swait.ge [sflag:s10], $0x2800  }
0x38: {  	[sflag:s10] =	ssyncset.done $0x0  }
0x39: {  	[sflag:s10] =	ssyncadd.s32 $0xFFFFD800  }
0x3a: {  	_ =	sfence.sel $0x180000  }
0x3b: {  	[bflag:$0x0] =	sbarrier.arrive $0xFFFF  }
0x3c: {  	p0 =	sne.s32 s0, $0x0;
	_ =	strace $0x90000050  }
0x3d: {  	s0 =	sadd.s32 @!p0 $0x100000, s1;
	[bflag:$0x2] =	sbarrier.arrive $0xFFFF  }
0x3e: {  	[sflag:s0] =	ssyncadd.tile.s32 @!p0 $0x1;
	_ =	shalt  }
.Lfunc_end2:
_tile_overlayer_lowered:
.L_overlay_start_2:
0x3f: {  	(tag) =	ssettag $0x2  }
0x40: {  	s0 =	rddreg [dreg:$0x0];
	s2 =	stileid.u32  }
0x41: {  	s1 =	rddreg [dreg:$0x1];
	p0 =	sne.s32 s2, $0x0  }
0x42: {  	s3 =	rddreg [dreg:$0x2];
	[bflag:$0x3] =	sbarrier.arrive $0xFFFF;
	s2 =	simm.s32 @!p0 $0x1C02  }
0x43: {  	[timem:s3], [sflag:s2] =	dma.local @!p0 [hbm:s0], s1  }
0x44: {  	s0 =	simm.s32 @!p0 $0x2  }
0x45: {  	_ =	swait.ge @!p0 [sflag:s0], s1  }
0x46: {  	s1 =	ssub.s32 @!p0 $0x0, s1;
	[sflag:s0] =	ssyncset.done @!p0 $0x0  }
0x47: {  	[sflag:s0] =	ssyncadd.s32 @!p0 s1  }
0x48: {  	[bflag:$0x3] =	sbarrier.arrive $0xFFFF  }
0x49: {  	_ =	shalt  }

// kernel: kernel.26.cloned.1.call-start
scs
__scs_entry_jumppad:
0x0: {  	(pc) =	sbr.rel $0x88, $3  }
0x1: {  	(tag) =	ssettag $0x0;
	lr =	simm.s32 $0x1  }
0x2: {  	[smem:$0x3F9B] =	sst lr;
	_ =	strace $0xD0000000  }
0x3: {  	_ = 	snop  }
0x4: {  	_ = 	snop  }
0x5: {  	_ = 	snop  }
0x6: {  	_ = 	snop  }
0x7: {  	_ = 	snop  }
__scs_overlays_trampoline_lowered:
0x8: {  	[smem:$0x3FAA] =	sst s0  }
0x9: {  	[smem:$0x3FAB] =	sst s1  }
0xa: {  	[smem:$0x3FAC] =	sst s2  }
0xb: {  	[smem:$0x3FAD] =	sst s3  }
0xc: {  	[smem:$0x3FAE] =	sst s4  }
0xd: {  	[smem:$0x3FAF] =	sst s5  }
0xe: {  	[smem:$0x3FB0] =	sst s6  }
0xf: {  	[smem:$0x3FB1] =	sst s7  }
0x10: {  	[smem:$0x3FB2] =	sst s8  }
0x11: {  	[smem:$0x3FB3] =	sst s9;
	s0 =	simm.s32 @!p0 $0x0  }
0x12: {  	s1 =	sld [smem:$0x3F99];
	s0 =	simm.s32 @p0 $0x1  }
0x13: {  	[smem:$0x3FB4] =	sst s0;
	s0 =	simm.s32 @!p1 $0x0  }
0x14: {  	s2 =	sld [smem:$0x3F98];
	s0 =	simm.s32 @p1 $0x1  }
0x15: {  	[smem:$0x3FB5] =	sst s0;
	s0 =	simm.s32 @!p2 $0x0  }
0x16: {  	s3 =	sld [smem:$0x3FDB];
	s0 =	simm.s32 @p2 $0x1  }
0x17: {  	s4 =	simm.s32 $0x1BF5;
	[smem:$0x3FB7] =	sst s0  }
0x18: {  	s0 =	sld [smem:$0x3F9A];
	_ =	swait.ge [sflag:s4], $0x0  }
0x19: {  	s7 =	sld [smem:$0x3F9B]  }
0x1a: {  	s8 =	sadd.s32 $0xFFFFE003, lr  }
0x1b: {  	s9 =	sadd.s32 $0xFFFFFEF7, lr;
	s5 =	simm.s32 $0xFFFFFFFF;
	p2 =	slt.u32 s8, $0xFFFFF086  }
0x1c: {  	p1 =	slt.u32 s9, $0xF7A;
	s5 =	simm.s32 @!p2 $0x0  }
0x1d: {  	s5 =	simm.s32 @p1 $0x1;
	p0 =	seq.s32 s7, s2  }
0x1e: {  	s7 =	smul.u32 @!p0 $0xF7A, s2;
	p2 =	seq.s32 @!p0 s5, $0x0  }
0x1f: {  	s9 =	smul.u32 $0xF7A, s1;
	s8 =	simm.s32 @!p0 $0x1BF5;
	p2 =	por !p2, p0  }
0x20: {  	[sflag:s8] =	ssyncset.s32 @!p0 $0xFFFFF086;
	s6 =	sadd.s32 @!p0 s3, s7;
	s7 =	simm.s32 @!p0 $0x108  }
0x21: {  	s3 =	sadd.s32 s3, s9;
	s6 =	sadd.s32 @!p0 $0x88, s6;
	s7 =	simm.s32 @p2 $0x1082  }
0x22: {  	[simem:s7], [sflag:s8] =	dma.local @!p0 [hbm:s6], $0xF7A  }
0x23: {  	s9 =	sor.u32 $0xD0000000, s2;
	s6 =	simm.s32 $0x108;
	_ =	swait.ge @!p0 [sflag:s8], $0x0  }
0x24: {  	s3 =	sadd.s32 $0x88, s3;
	s6 =	simm.s32 @!p1 $0x1082;
	[sflag:s4] =	ssyncset.s32 $0xFFFFF086  }
0x25: {  	[simem:s6], [sflag:s4] =	dma.local [hbm:s3], $0xF7A  }
0x26: {  	[smem:$0x3F9B] =	sst s1;
	(tag) =	ssettag s2;
	_ =	strace s9  }
0x27: {  	s1 =	sld [smem:$0x3FAB]  }
0x28: {  	s2 =	sld [smem:$0x3FAC]  }
0x29: {  	s4 =	sld [smem:$0x3FAE]  }
0x2a: {  	p0 =	seq.s32 s5, $0x0;
	s5 =	sld [smem:$0x3FAF]  }
0x2b: {  	s6 =	sld [smem:$0x3FB0]  }
0x2c: {  	s7 =	sld [smem:$0x3FB1]  }
0x2d: {  	s3 =	simm.s32 $0x108;
	s8 =	sld [smem:$0x3FB2]  }
0x2e: {  	s3 =	simm.s32 @!p0 $0x1082;
	s9 =	sld [smem:$0x3FB3]  }
0x2f: {  	lr =	sadd.s32 s0, s3;
	s0 =	sld [smem:$0x3FAA]  }
0x30: {  	s3 =	sld [smem:$0x3FAD]  }
0x31: {  	[smem:$0x3FB6] =	sst s10  }
0x32: {  	s10 =	sld [smem:$0x3FB4];
	_ =	sdelay $0x3  }
0x33: {  	p0 =	seq.s32 s10, $0x1;
	s10 =	sld [smem:$0x3FB6];
	_ =	sdelay $0x3  }
0x34: {  	[smem:$0x3FB6] =	sst s10  }
0x35: {  	s10 =	sld [smem:$0x3FB5];
	_ =	sdelay $0x3  }
0x36: {  	p1 =	seq.s32 s10, $0x1;
	s10 =	sld [smem:$0x3FB6];
	_ =	sdelay $0x3  }
0x37: {  	[smem:$0x3FB6] =	sst s10  }
0x38: {  	s10 =	sld [smem:$0x3FB7]  }
0x39: {  	_ = 	snop;
	(pc) =	sbr.ind lr, $3  }
0x3a: {  	_ = 	snop  }
0x3b: {  	_ = 	snop  }
0x3c: {  	p2 =	seq.s32 s10, $0x1;
	s10 =	sld [smem:$0x3FB6]  }
0x3d: {  	_ =	shalt  }
0x3e: {  	_ =	shalt  }
0x3f: {  	_ =	shalt  }
0x40: {  	_ =	shalt  }
0x41: {  	_ =	shalt  }
0x42: {  	_ =	shalt  }
0x43: {  	_ =	shalt  }
0x44: {  	_ =	shalt  }
0x45: {  	_ =	shalt  }
0x46: {  	_ =	shalt  }
0x47: {  	_ =	shalt  }
0x48: {  	_ =	shalt  }
0x49: {  	_ =	shalt  }
0x4a: {  	_ =	shalt  }
0x4b: {  	_ =	shalt  }
0x4c: {  	_ =	shalt  }
0x4d: {  	_ =	shalt  }
0x4e: {  	_ =	shalt  }
0x4f: {  	_ =	shalt  }
0x50: {  	_ =	shalt  }
0x51: {  	_ =	shalt  }
0x52: {  	_ =	shalt  }
0x53: {  	_ =	shalt  }
0x54: {  	_ =	shalt  }
0x55: {  	_ =	shalt  }
0x56: {  	_ =	shalt  }
0x57: {  	_ =	shalt  }
0x58: {  	_ =	shalt  }
0x59: {  	_ =	shalt  }
0x5a: {  	_ =	shalt  }
0x5b: {  	_ =	shalt  }
0x5c: {  	_ =	shalt  }
0x5d: {  	_ =	shalt  }
0x5e: {  	_ =	shalt  }
0x5f: {  	_ =	shalt  }
0x60: {  	_ =	shalt  }
0x61: {  	_ =	shalt  }
0x62: {  	_ =	shalt  }
0x63: {  	_ =	shalt  }
0x64: {  	_ =	shalt  }
0x65: {  	_ =	shalt  }
0x66: {  	_ =	shalt  }
0x67: {  	_ =	shalt  }
0x68: {  	_ =	shalt  }
0x69: {  	_ =	shalt  }
0x6a: {  	_ =	shalt  }
0x6b: {  	_ =	shalt  }
0x6c: {  	_ =	shalt  }
0x6d: {  	_ =	shalt  }
0x6e: {  	_ =	shalt  }
0x6f: {  	_ =	shalt  }
0x70: {  	_ =	shalt  }
0x71: {  	_ =	shalt  }
0x72: {  	_ =	shalt  }
0x73: {  	_ =	shalt  }
0x74: {  	_ =	shalt  }
0x75: {  	_ =	shalt  }
0x76: {  	_ =	shalt  }
0x77: {  	_ =	shalt  }
0x78: {  	_ =	shalt  }
0x79: {  	_ =	shalt  }
0x7a: {  	_ =	shalt  }
0x7b: {  	_ =	shalt  }
0x7c: {  	_ =	shalt  }
0x7d: {  	_ =	shalt  }
0x7e: {  	_ =	shalt  }
0x7f: {  	_ =	shalt  }
0x80: {  	_ =	shalt  }
0x81: {  	_ =	shalt  }
0x82: {  	_ =	shalt  }
0x83: {  	_ =	shalt  }
0x84: {  	_ =	shalt  }
0x85: {  	_ =	shalt  }
0x86: {  	_ =	shalt  }
0x87: {  	_ =	shalt  }
.Lfunc_end0:
.L_simem_size_0:
called_computation.4_lowered:
.L_overlay_start_0:
0x88: {  	s2 =	sld [smem:$0x3FD9]  }
0x89: {  	s3 =	sld [smem:$0x3FFE];
	_ =	sdelay $0x1  }
0x8a: {  	s1 =	srdreg.scid  }
0x8b: {  	s0 =	sand.u32 $0x1, s1  }
0x8c: {  	s17 =	sshll.u32 s0, $0xA;
	s2 =	sadd.s32 s3, s2  }
0x8d: {  	s2 =	sadd.s32 s2, s17  }
0x8e: {  	[smem:$0x3FC2] =	sst s2  }
0x8f: {  	_ = 	snop  }
0x90: {  	s2 =	sld [smem:$0x3FD0];
	(tm) =	ssettm $0x1  }
0x91: {  	s18 =	sld [smem:$0x3FFB];
	_ =	sdelay $0x3  }
0x92: {  	_ =	strace s18  }
0x93: {  	s3 =	sld [smem:$0x3FFC];
	_ =	sdelay $0x3  }
0x94: {  	_ =	strace s3  }
0x95: {  	s3 =	sld [smem:$0x3FFD];
	_ =	sdelay $0x3  }
0x96: {  	_ =	strace s3  }
0x97: {  	_ =	strace $0x8FFFFFFF  }
0x98: {  	s19 =	sld [smem:$0x3FDB];
	_ =	sdelay $0x1  }
0x99: {  	s4 =	simm.s32 $_scs_section_size  }
0x9a: {  	s5 =	simm.s32 $_size__tile_overlayer_lowered;
	s6 =	simm.s32 $_tile_overlayer_lowered  }
0x9b: {  	s22 =	simm.s32 $0x1BFF;
	s21 =	sshll.u32 s6, $0x1;
	s3 =	sadd.s32 s4, s19  }
0x9c: {  	s7 =	simm.s32 $0x0;
	s20 =	sshll.u32 s5, $0x1;
	s5 =	sadd.s32 s21, s3  }
0x9d: {  	[timem:s7], [sflag:s22] =	dma.local [hbm:s5], s20  }
0x9e: {  	_ =	swait.ge [sflag:s22], s20  }
0x9f: {  	s4 =	ssub.s32 $0x0, s20;
	[sflag:s22] =	ssyncset.done $0x0  }
0xa0: {  	[sflag:s22] =	ssyncadd.s32 s4;
	_ =	sdelay $0x1  }
0xa1: {  	s23 =	simm.s32 $0x1B8B  }
0xa2: {  	_ =	swait.ge [sflag:s23], $0x1  }
0xa3: {  	[sflag:s23] =	ssyncset.done $0x0  }
0xa4: {  	s25 =	simm.s32 $0x1B8E;
	s24 =	sld [smem:$0x3FFE];
	[sflag:s23] =	ssyncadd.s32 $0xFFFFFFFF  }
0xa5: {  	s26 =	simm.s32 $execute0_lowered;
	[smem:$0x3FD2] =	sst s25  }
0xa6: {  	s5 =	sshll.u32 s26, $0x1;
	_ =	strace $0x80000052;
	[dreg:$0x1] =	wrdreg $0xFFFFFFFF  }
0xa7: {  	s28 =	simm.s32 $_size_execute0_lowered;
	s3 =	sadd.s32 s3, s5;
	[dreg:$0x0] =	wrdreg $0x0  }
0xa8: {  	s5 =	sshll.u32 s28, $0x1;
	[dreg:$0x2] =	wrdreg s3  }
0xa9: {  	[dreg:$0x3] =	wrdreg s5  }
0xaa: {  	[dreg:$0x4] =	wrdreg $0xC0  }
0xab: {  	_ =	task [dreg:s7], $0x5FFFF  }
0xac: {  	[dreg:$0x1] =	wrdreg $0xFFFFFFFF  }
0xad: {  	[dreg:$0x0] =	wrdreg $0x60  }
0xae: {  	[dreg:$0x2] =	wrdreg s24  }
0xaf: {  	[dreg:$0x3] =	wrdreg s2  }
0xb0: {  	[dreg:$0x4] =	wrdreg $0x90000  }
0xb1: {  	[dreg:$0x5] =	wrdreg $0x9  }
0xb2: {  	_ =	task.clear_ibuf [dreg:s7], $0x6FFFF;
	_ =	strace $0x90000052  }
0xb3: {  	s29 =	simm.s32 $0x9;
	_ =	strace $0x80000054  }
0xb4: {  	_ =	swait.ge [sflag:s29], $0x1  }
0xb5: {  	[sflag:s29] =	ssyncadd.s32 $0xFFFFFFFF  }
0xb6: {  	_ =	strace $0x90000054  }
0xb7: {  	_ =	sfence  }
0xb8: {  	s30 =	sld [smem:$0x0];
	_ =	sdelay $0x2  }
0xb9: {  	s31 =	sshll.u32 s1, $0xD;
	s1 =	sshrl.u32 s1, $0x2  }
0xba: {  	s3 =	sand.u32 $0x4000, s31;
	s1 =	sadd.s32 s1, s30  }
0xbb: {  	s0 =	sor.u32 s3, s0;
	s1 =	sshll.u32 s1, $0x11  }
0xbc: {  	s0 =	sor.u32 s1, s0  }
0xbd: {  	s0 =	sadd.s32 $0x8F2B, s0  }
0xbe: {  	[sflag:s0] =	ssyncadd.remote.s32 $0x1  }
0xbf: {  	_ =	sfence.sel $0xFFFF  }
0xc0: {  	[dreg:$0x0] =	wrdreg $0xFFFFFFFF;
	(pc) =	sbr.abs _section_cstart, $3  }
0xc1: {  	[dreg:$0x1] =	wrdreg $0xFFFFFFFF  }
0xc2: {  	_ =	task.clear_ibuf [dreg:s7], $0x2FFFF;
	_ =	strace $0x9FFFFFFF  }
0xc3: {  	(tm) =	ssettm $0x7FFFFFFF  }
tec
execute0_lowered:
.L_overlay_start_1:
0x0: {  	(tag) =	ssettag $0x1  }
0x1: {  	s1 =	srdreg.scid;
	s6 =	rddreg [dreg:$0x0]  }
0x2: {  	s0 =	stileid.u32;
	s7 =	rddreg [dreg:$0x1]  }
0x3: {  	s2 =	rddreg [dreg:$0x2];
	s3 =	simm.s32 $0x0;
	s14 =	simm.s32 $0x80  }
0x4: {  	s15 =	simm.s32 $0x5000;
	s16 =	simm.s32 $0x1;
	s17 =	simm.s32 $0x0  }
0x5: {  	s5 =	sand.u32 $0x1, s1;
	s28 =	sshll.u32 s0, $0x1;
	s10 =	smul.u32 $0x14000, s0  }
0x6: {  	[smem:$0x7FF] =	sst s3;
	s4 =	sadd.s32 $0x3200, s6;
	s13 =	smul.u32 $0x50000, s0  }
0x7: {  	s31 =	sshll.u32 s0, $0x6;
	s1 =	sor.u32 s5, s28;
	s9 =	smul.u32 $0x140000, s5  }
0x8: {  	s29 =	ssub.s32 $0x2, s5;
	s5 =	sadd.s32 $0x2BA00, s6;
	s8 =	smul.u32 $0x500, s1  }
0x9: {  	s1 =	rddreg [dreg:$0x3];
	_ =	strace $0x80000053;
	s12 =	sshrl.u32 s29, $0x1  }
0xa: {  	s30 =	sshrl.u32 s13, $0x2;
	s9 =	sadd.s32 s10, s9;
	s10 =	ssub.s32 s29, s12  }
0xb: {  	s13 =	sadd.s32 s30, s2;
	s12 =	sor.u32 $0x1C02, s31;
	s11 =	sadd.s32 s8, s6  }
0xc: {  	s9 =	sshrl.u32 s9, $0x3;
	s7 =	sadd.s32 s7, s8;
	s13 =	sshrl.u32 s13, $0x3  }
0xd: {  	s9 =	sadd.s32 s9, s6;
	s6 =	sadd.s32 $0x7EA00, s11;
	s11 =	simm.s32 $0x2800  }
0xe: {  	s8 =	sadd.s32 $0x88A00, s9;
	s9 =	smax.u32 s10, $0x1;
	s10 =	simm.s32 $0x2  }
.LBB2_1:
0xf: {  	[tilespmem:s3], [sflag:$0x2] =	stream.linear.gather [hbm4b:s6+s3], $0x2800, $0x38;
	[tilespmem:$0x1D000] =	vst v63  }
0x10: {  	_ =	swait.ge [sflag:s10], $0x2800  }
0x11: {  	[sflag:s10] =	ssyncset.done $0x0  }
0x12: {  	[sflag:s10] =	ssyncadd.s32 $0xFFFFD800  }
0x13: {  	[tilespmem:s11], [sflag:$0x2] =	stream.linear.gather [hbm4b:s7+s3], $0x2800, $0x38;
	[tilespmem:$0x1D000] =	vst v63  }
0x14: {  	_ =	swait.ge [sflag:s10], $0x2800  }
0x15: {  	[sflag:s10] =	ssyncset.done $0x0  }
0x16: {  	[sflag:s10] =	ssyncadd.s32 $0xFFFFD800  }
0x17: {  	[spmem:s13], [sflag:s12] =	dma.local [hbm:s5], $0x2800  }
0x18: {  	_ =	swait.ge [sflag:s10], $0x2800  }
0x19: {  	[sflag:s10] =	ssyncset.done $0x0  }
0x1a: {  	[sflag:s10] =	ssyncadd.s32 $0xFFFFD800  }
0x1b: {  	s18 =	simm.s32 $0x0;
	[bflag:$0x0] =	sbarrier.arrive $0xFFFF  }
0x1c: {  	[tilespmem:s15], [sflag:$0x1] =	stream.indirect.gather [hbm4b:s4+s14], $0x80, s18, s14, $0xb8;
	[tilespmem:$0x1D000] =	vst v63  }
0x1d: {  	_ =	swait.ge [sflag:s16], $0x4000  }
0x1e: {  	[sflag:s16] =	ssyncset.done $0x0  }
0x1f: {  	s31 =	simm.s32 $0x2800;
	[sflag:s16] =	ssyncadd.s32 $0xFFFFC000  }
0x20: {  	[spmem:s2] =	stream.indirect.scatter.add.f32 [tilespmem:s15], [sflag:$0x2], $0x80, s31, s14, $0xb8;
	[tilespmem:$0x1D000] =	vst v63  }
0x21: {  	_ =	swait.ge [sflag:s10], $0x4000  }
0x22: {  	s19 =	simm.s32 $0x400;
	s18 =	simm.s32 $0x200;
	[sflag:s10] =	ssyncset.done $0x0  }
.LBB2_2:
0x23: {  	s20 =	sshra.s32 s18, $0x2  }
0x24: {  	[sflag:s10] =	ssyncadd.s32 $0xFFFFC000;
	s18 =	smov.u32 s19;
	s21 =	sadd.s32 $0x200, s19  }
0x25: {  	[tilespmem:s15], [sflag:$0x1] =	stream.indirect.gather [hbm4b:s4+s14], $0x80, s20, s14, $0xb8;
	[tilespmem:$0x1D000] =	vst v63  }
0x26: {  	p0 =	sne.s32 s19, $0x9E00;
	_ =	swait.ge [sflag:s16], $0x4000  }
.Ltmp0:
0x27: {  	[sflag:s16] =	ssyncset.done $0x0;
	(pc) =	sbr.rel @p0 .LBB2_2-.Ltmp0, $4  }
0x28: {  	s19 =	sadd.s32 $0x2800, s20;
	[sflag:s16] =	ssyncadd.s32 $0xFFFFC000  }
0x29: {  	[spmem:s2] =	stream.indirect.scatter.add.f32 [tilespmem:s15], [sflag:$0x2], $0x80, s19, s14, $0xb8;
	[tilespmem:$0x1D000] =	vst v63  }
0x2a: {  	_ =	swait.ge [sflag:s10], $0x4000  }
0x2b: {  	s19 =	smov.u32 s21;
	[sflag:s10] =	ssyncset.done $0x0  }
0x2c: {  	s18 =	sshra.s32 s18, $0x2;
	[sflag:s10] =	ssyncadd.s32 $0xFFFFC000  }
0x2d: {  	[tilespmem:s15], [sflag:$0x1] =	stream.indirect.gather [hbm4b:s4+s14], $0x80, s18, s14, $0xb8;
	[tilespmem:$0x1D000] =	vst v63  }
0x2e: {  	_ =	swait.ge [sflag:s16], $0x4000  }
0x2f: {  	[sflag:s16] =	ssyncset.done $0x0  }
0x30: {  	s18 =	sadd.s32 $0x2800, s18;
	[sflag:s16] =	ssyncadd.s32 $0xFFFFC000  }
0x31: {  	[spmem:s2] =	stream.indirect.scatter.add.f32 [tilespmem:s15], [sflag:$0x2], $0x80, s18, s14, $0xb8;
	[tilespmem:$0x1D000] =	vst v63  }
0x32: {  	_ =	swait.ge [sflag:s10], $0x4000  }
0x33: {  	s17 =	sadd.s32 $0x1, s17;
	[sflag:s10] =	ssyncset.done $0x0  }
0x34: {  	p0 =	sne.s32 s17, s9;
	[sflag:s10] =	ssyncadd.s32 $0xFFFFC000  }
.Ltmp1:
0x35: {  	[bflag:$0x0] =	sbarrier.arrive $0xFFFF;
	(pc) =	sbr.rel @p0 .LBB2_1-.Ltmp1, $4  }
0x36: {  	[hbm:s8], [sflag:s12] =	dma.local [spmem:s13], $0x2800  }
0x37: {  	_ =	swait.ge [sflag:s10], $0x2800  }
0x38: {  	[sflag:s10] =	ssyncset.done $0x0  }
0x39: {  	[sflag:s10] =	ssyncadd.s32 $0xFFFFD800  }
0x3a: {  	_ =	sfence.sel $0x180000  }
0x3b: {  	[bflag:$0x0] =	sbarrier.arrive $0xFFFF  }
0x3c: {  	p0 =	sne.s32 s0, $0x0;
	_ =	strace $0x90000053  }
0x3d: {  	s0 =	sadd.s32 @!p0 $0x100000, s1;
	[bflag:$0x2] =	sbarrier.arrive $0xFFFF  }
0x3e: {  	[sflag:s0] =	ssyncadd.tile.s32 @!p0 $0x1;
	_ =	shalt  }
.Lfunc_end2:
_tile_overlayer_lowered:
.L_overlay_start_2:
0x3f: {  	(tag) =	ssettag $0x2  }
0x40: {  	s0 =	rddreg [dreg:$0x0];
	s2 =	stileid.u32  }
0x41: {  	s1 =	rddreg [dreg:$0x1];
	p0 =	sne.s32 s2, $0x0  }
0x42: {  	s3 =	rddreg [dreg:$0x2];
	[bflag:$0x3] =	sbarrier.arrive $0xFFFF;
	s2 =	simm.s32 @!p0 $0x1C02  }
0x43: {  	[timem:s3], [sflag:s2] =	dma.local @!p0 [hbm:s0], s1  }
0x44: {  	s0 =	simm.s32 @!p0 $0x2  }
0x45: {  	_ =	swait.ge @!p0 [sflag:s0], s1  }
0x46: {  	s1 =	ssub.s32 @!p0 $0x0, s1;
	[sflag:s0] =	ssyncset.done @!p0 $0x0  }
0x47: {  	[sflag:s0] =	ssyncadd.s32 @!p0 s1  }
0x48: {  	[bflag:$0x3] =	sbarrier.arrive $0xFFFF  }
0x49: {  	_ =	shalt  }

// kernel: kernel.29.cloned.1.call-start
scs
__scs_entry_jumppad:
0x0: {  	(pc) =	sbr.rel $0x88, $3  }
0x1: {  	(tag) =	ssettag $0x0;
	lr =	simm.s32 $0x1  }
0x2: {  	[smem:$0x3F9B] =	sst lr;
	_ =	strace $0xD0000000  }
0x3: {  	_ = 	snop  }
0x4: {  	_ = 	snop  }
0x5: {  	_ = 	snop  }
0x6: {  	_ = 	snop  }
0x7: {  	_ = 	snop  }
__scs_overlays_trampoline_lowered:
0x8: {  	[smem:$0x3FAA] =	sst s0  }
0x9: {  	[smem:$0x3FAB] =	sst s1  }
0xa: {  	[smem:$0x3FAC] =	sst s2  }
0xb: {  	[smem:$0x3FAD] =	sst s3  }
0xc: {  	[smem:$0x3FAE] =	sst s4  }
0xd: {  	[smem:$0x3FAF] =	sst s5  }
0xe: {  	[smem:$0x3FB0] =	sst s6  }
0xf: {  	[smem:$0x3FB1] =	sst s7  }
0x10: {  	[smem:$0x3FB2] =	sst s8  }
0x11: {  	[smem:$0x3FB3] =	sst s9;
	s0 =	simm.s32 @!p0 $0x0  }
0x12: {  	s1 =	sld [smem:$0x3F99];
	s0 =	simm.s32 @p0 $0x1  }
0x13: {  	[smem:$0x3FB4] =	sst s0;
	s0 =	simm.s32 @!p1 $0x0  }
0x14: {  	s2 =	sld [smem:$0x3F98];
	s0 =	simm.s32 @p1 $0x1  }
0x15: {  	[smem:$0x3FB5] =	sst s0;
	s0 =	simm.s32 @!p2 $0x0  }
0x16: {  	s3 =	sld [smem:$0x3FDB];
	s0 =	simm.s32 @p2 $0x1  }
0x17: {  	s4 =	simm.s32 $0x1BF5;
	[smem:$0x3FB7] =	sst s0  }
0x18: {  	s0 =	sld [smem:$0x3F9A];
	_ =	swait.ge [sflag:s4], $0x0  }
0x19: {  	s7 =	sld [smem:$0x3F9B]  }
0x1a: {  	s8 =	sadd.s32 $0xFFFFE003, lr  }
0x1b: {  	s9 =	sadd.s32 $0xFFFFFEF7, lr;
	s5 =	simm.s32 $0xFFFFFFFF;
	p2 =	slt.u32 s8, $0xFFFFF086  }
0x1c: {  	p1 =	slt.u32 s9, $0xF7A;
	s5 =	simm.s32 @!p2 $0x0  }
0x1d: {  	s5 =	simm.s32 @p1 $0x1;
	p0 =	seq.s32 s7, s2  }
0x1e: {  	s7 =	smul.u32 @!p0 $0xF7A, s2;
	p2 =	seq.s32 @!p0 s5, $0x0  }
0x1f: {  	s9 =	smul.u32 $0xF7A, s1;
	s8 =	simm.s32 @!p0 $0x1BF5;
	p2 =	por !p2, p0  }
0x20: {  	[sflag:s8] =	ssyncset.s32 @!p0 $0xFFFFF086;
	s6 =	sadd.s32 @!p0 s3, s7;
	s7 =	simm.s32 @!p0 $0x108  }
0x21: {  	s3 =	sadd.s32 s3, s9;
	s6 =	sadd.s32 @!p0 $0x88, s6;
	s7 =	simm.s32 @p2 $0x1082  }
0x22: {  	[simem:s7], [sflag:s8] =	dma.local @!p0 [hbm:s6], $0xF7A  }
0x23: {  	s9 =	sor.u32 $0xD0000000, s2;
	s6 =	simm.s32 $0x108;
	_ =	swait.ge @!p0 [sflag:s8], $0x0  }
0x24: {  	s3 =	sadd.s32 $0x88, s3;
	s6 =	simm.s32 @!p1 $0x1082;
	[sflag:s4] =	ssyncset.s32 $0xFFFFF086  }
0x25: {  	[simem:s6], [sflag:s4] =	dma.local [hbm:s3], $0xF7A  }
0x26: {  	[smem:$0x3F9B] =	sst s1;
	(tag) =	ssettag s2;
	_ =	strace s9  }
0x27: {  	s1 =	sld [smem:$0x3FAB]  }
0x28: {  	s2 =	sld [smem:$0x3FAC]  }
0x29: {  	s4 =	sld [smem:$0x3FAE]  }
0x2a: {  	p0 =	seq.s32 s5, $0x0;
	s5 =	sld [smem:$0x3FAF]  }
0x2b: {  	s6 =	sld [smem:$0x3FB0]  }
0x2c: {  	s7 =	sld [smem:$0x3FB1]  }
0x2d: {  	s3 =	simm.s32 $0x108;
	s8 =	sld [smem:$0x3FB2]  }
0x2e: {  	s3 =	simm.s32 @!p0 $0x1082;
	s9 =	sld [smem:$0x3FB3]  }
0x2f: {  	lr =	sadd.s32 s0, s3;
	s0 =	sld [smem:$0x3FAA]  }
0x30: {  	s3 =	sld [smem:$0x3FAD]  }
0x31: {  	[smem:$0x3FB6] =	sst s10  }
0x32: {  	s10 =	sld [smem:$0x3FB4];
	_ =	sdelay $0x3  }
0x33: {  	p0 =	seq.s32 s10, $0x1;
	s10 =	sld [smem:$0x3FB6];
	_ =	sdelay $0x3  }
0x34: {  	[smem:$0x3FB6] =	sst s10  }
0x35: {  	s10 =	sld [smem:$0x3FB5];
	_ =	sdelay $0x3  }
0x36: {  	p1 =	seq.s32 s10, $0x1;
	s10 =	sld [smem:$0x3FB6];
	_ =	sdelay $0x3  }
0x37: {  	[smem:$0x3FB6] =	sst s10  }
0x38: {  	s10 =	sld [smem:$0x3FB7]  }
0x39: {  	_ = 	snop;
	(pc) =	sbr.ind lr, $3  }
0x3a: {  	_ = 	snop  }
0x3b: {  	_ = 	snop  }
0x3c: {  	p2 =	seq.s32 s10, $0x1;
	s10 =	sld [smem:$0x3FB6]  }
0x3d: {  	_ =	shalt  }
0x3e: {  	_ =	shalt  }
0x3f: {  	_ =	shalt  }
0x40: {  	_ =	shalt  }
0x41: {  	_ =	shalt  }
0x42: {  	_ =	shalt  }
0x43: {  	_ =	shalt  }
0x44: {  	_ =	shalt  }
0x45: {  	_ =	shalt  }
0x46: {  	_ =	shalt  }
0x47: {  	_ =	shalt  }
0x48: {  	_ =	shalt  }
0x49: {  	_ =	shalt  }
0x4a: {  	_ =	shalt  }
0x4b: {  	_ =	shalt  }
0x4c: {  	_ =	shalt  }
0x4d: {  	_ =	shalt  }
0x4e: {  	_ =	shalt  }
0x4f: {  	_ =	shalt  }
0x50: {  	_ =	shalt  }
0x51: {  	_ =	shalt  }
0x52: {  	_ =	shalt  }
0x53: {  	_ =	shalt  }
0x54: {  	_ =	shalt  }
0x55: {  	_ =	shalt  }
0x56: {  	_ =	shalt  }
0x57: {  	_ =	shalt  }
0x58: {  	_ =	shalt  }
0x59: {  	_ =	shalt  }
0x5a: {  	_ =	shalt  }
0x5b: {  	_ =	shalt  }
0x5c: {  	_ =	shalt  }
0x5d: {  	_ =	shalt  }
0x5e: {  	_ =	shalt  }
0x5f: {  	_ =	shalt  }
0x60: {  	_ =	shalt  }
0x61: {  	_ =	shalt  }
0x62: {  	_ =	shalt  }
0x63: {  	_ =	shalt  }
0x64: {  	_ =	shalt  }
0x65: {  	_ =	shalt  }
0x66: {  	_ =	shalt  }
0x67: {  	_ =	shalt  }
0x68: {  	_ =	shalt  }
0x69: {  	_ =	shalt  }
0x6a: {  	_ =	shalt  }
0x6b: {  	_ =	shalt  }
0x6c: {  	_ =	shalt  }
0x6d: {  	_ =	shalt  }
0x6e: {  	_ =	shalt  }
0x6f: {  	_ =	shalt  }
0x70: {  	_ =	shalt  }
0x71: {  	_ =	shalt  }
0x72: {  	_ =	shalt  }
0x73: {  	_ =	shalt  }
0x74: {  	_ =	shalt  }
0x75: {  	_ =	shalt  }
0x76: {  	_ =	shalt  }
0x77: {  	_ =	shalt  }
0x78: {  	_ =	shalt  }
0x79: {  	_ =	shalt  }
0x7a: {  	_ =	shalt  }
0x7b: {  	_ =	shalt  }
0x7c: {  	_ =	shalt  }
0x7d: {  	_ =	shalt  }
0x7e: {  	_ =	shalt  }
0x7f: {  	_ =	shalt  }
0x80: {  	_ =	shalt  }
0x81: {  	_ =	shalt  }
0x82: {  	_ =	shalt  }
0x83: {  	_ =	shalt  }
0x84: {  	_ =	shalt  }
0x85: {  	_ =	shalt  }
0x86: {  	_ =	shalt  }
0x87: {  	_ =	shalt  }
.Lfunc_end0:
.L_simem_size_0:
called_computation.5_lowered:
.L_overlay_start_0:
0x88: {  	s2 =	sld [smem:$0x3FD9]  }
0x89: {  	s3 =	sld [smem:$0x3FFE];
	_ =	sdelay $0x1  }
0x8a: {  	s1 =	srdreg.scid  }
0x8b: {  	s0 =	sand.u32 $0x1, s1  }
0x8c: {  	s17 =	sshll.u32 s0, $0xA;
	s2 =	sadd.s32 s3, s2  }
0x8d: {  	s2 =	sadd.s32 s2, s17  }
0x8e: {  	[smem:$0x3FC2] =	sst s2  }
0x8f: {  	_ = 	snop  }
0x90: {  	s2 =	sld [smem:$0x3FD0];
	(tm) =	ssettm $0x1  }
0x91: {  	s18 =	sld [smem:$0x3FFB];
	_ =	sdelay $0x3  }
0x92: {  	_ =	strace s18  }
0x93: {  	s3 =	sld [smem:$0x3FFC];
	_ =	sdelay $0x3  }
0x94: {  	_ =	strace s3  }
0x95: {  	s3 =	sld [smem:$0x3FFD];
	_ =	sdelay $0x3  }
0x96: {  	_ =	strace s3  }
0x97: {  	_ =	strace $0x8FFFFFFF  }
0x98: {  	s19 =	sld [smem:$0x3FDB];
	_ =	sdelay $0x1  }
0x99: {  	s4 =	simm.s32 $_scs_section_size  }
0x9a: {  	s5 =	simm.s32 $_size__tile_overlayer_lowered;
	s6 =	simm.s32 $_tile_overlayer_lowered  }
0x9b: {  	s22 =	simm.s32 $0x1BFF;
	s21 =	sshll.u32 s6, $0x1;
	s3 =	sadd.s32 s4, s19  }
0x9c: {  	s7 =	simm.s32 $0x0;
	s20 =	sshll.u32 s5, $0x1;
	s5 =	sadd.s32 s21, s3  }
0x9d: {  	[timem:s7], [sflag:s22] =	dma.local [hbm:s5], s20  }
0x9e: {  	_ =	swait.ge [sflag:s22], s20  }
0x9f: {  	s4 =	ssub.s32 $0x0, s20;
	[sflag:s22] =	ssyncset.done $0x0  }
0xa0: {  	[sflag:s22] =	ssyncadd.s32 s4;
	_ =	sdelay $0x1  }
0xa1: {  	s23 =	simm.s32 $0x1B8B  }
0xa2: {  	_ =	swait.ge [sflag:s23], $0x1  }
0xa3: {  	[sflag:s23] =	ssyncset.done $0x0  }
0xa4: {  	s25 =	simm.s32 $0x1B8E;
	s24 =	sld [smem:$0x3FFE];
	[sflag:s23] =	ssyncadd.s32 $0xFFFFFFFF  }
0xa5: {  	s26 =	simm.s32 $execute0_lowered;
	[smem:$0x3FD2] =	sst s25  }
0xa6: {  	s5 =	sshll.u32 s26, $0x1;
	_ =	strace $0x80000055;
	[dreg:$0x1] =	wrdreg $0xFFFFFFFF  }
0xa7: {  	s28 =	simm.s32 $_size_execute0_lowered;
	s3 =	sadd.s32 s3, s5;
	[dreg:$0x0] =	wrdreg $0x0  }
0xa8: {  	s5 =	sshll.u32 s28, $0x1;
	[dreg:$0x2] =	wrdreg s3  }
0xa9: {  	[dreg:$0x3] =	wrdreg s5  }
0xaa: {  	[dreg:$0x4] =	wrdreg $0xC0  }
0xab: {  	_ =	task [dreg:s7], $0x5FFFF  }
0xac: {  	[dreg:$0x1] =	wrdreg $0xFFFFFFFF  }
0xad: {  	[dreg:$0x0] =	wrdreg $0x60  }
0xae: {  	[dreg:$0x2] =	wrdreg s24  }
0xaf: {  	[dreg:$0x3] =	wrdreg s2  }
0xb0: {  	[dreg:$0x4] =	wrdreg $0x90000  }
0xb1: {  	[dreg:$0x5] =	wrdreg $0x9  }
0xb2: {  	_ =	task.clear_ibuf [dreg:s7], $0x6FFFF;
	_ =	strace $0x90000055  }
0xb3: {  	s29 =	simm.s32 $0x9;
	_ =	strace $0x80000057  }
0xb4: {  	_ =	swait.ge [sflag:s29], $0x1  }
0xb5: {  	[sflag:s29] =	ssyncadd.s32 $0xFFFFFFFF  }
0xb6: {  	_ =	strace $0x90000057  }
0xb7: {  	_ =	sfence  }
0xb8: {  	s30 =	sld [smem:$0x0];
	_ =	sdelay $0x2  }
0xb9: {  	s31 =	sshll.u32 s1, $0xD;
	s1 =	sshrl.u32 s1, $0x2  }
0xba: {  	s3 =	sand.u32 $0x4000, s31;
	s1 =	sadd.s32 s1, s30  }
0xbb: {  	s0 =	sor.u32 s3, s0;
	s1 =	sshll.u32 s1, $0x11  }
0xbc: {  	s0 =	sor.u32 s1, s0  }
0xbd: {  	s0 =	sadd.s32 $0x8F2B, s0  }
0xbe: {  	[sflag:s0] =	ssyncadd.remote.s32 $0x1  }
0xbf: {  	_ =	sfence.sel $0xFFFF  }
0xc0: {  	[dreg:$0x0] =	wrdreg $0xFFFFFFFF;
	(pc) =	sbr.abs _section_cstart, $3  }
0xc1: {  	[dreg:$0x1] =	wrdreg $0xFFFFFFFF  }
0xc2: {  	_ =	task.clear_ibuf [dreg:s7], $0x2FFFF;
	_ =	strace $0x9FFFFFFF  }
0xc3: {  	(tm) =	ssettm $0x7FFFFFFF  }
tec
execute0_lowered:
.L_overlay_start_1:
0x0: {  	(tag) =	ssettag $0x1  }
0x1: {  	s1 =	srdreg.scid;
	s6 =	rddreg [dreg:$0x0]  }
0x2: {  	s0 =	stileid.u32;
	s7 =	rddreg [dreg:$0x1]  }
0x3: {  	s2 =	rddreg [dreg:$0x2];
	s3 =	simm.s32 $0x0;
	s14 =	simm.s32 $0x80  }
0x4: {  	s15 =	simm.s32 $0x5000;
	s16 =	simm.s32 $0x1;
	s17 =	simm.s32 $0x0  }
0x5: {  	s5 =	sand.u32 $0x1, s1;
	s28 =	sshll.u32 s0, $0x1;
	s10 =	smul.u32 $0x14000, s0  }
0x6: {  	[smem:$0x7FF] =	sst s3;
	s4 =	sadd.s32 $0x3200, s6;
	s13 =	smul.u32 $0x50000, s0  }
0x7: {  	s31 =	sshll.u32 s0, $0x6;
	s1 =	sor.u32 s5, s28;
	s9 =	smul.u32 $0x140000, s5  }
0x8: {  	s29 =	ssub.s32 $0x2, s5;
	s5 =	sadd.s32 $0x2BA00, s6;
	s8 =	smul.u32 $0x500, s1  }
0x9: {  	s1 =	rddreg [dreg:$0x3];
	_ =	strace $0x80000056;
	s12 =	sshrl.u32 s29, $0x1  }
0xa: {  	s30 =	sshrl.u32 s13, $0x2;
	s9 =	sadd.s32 s10, s9;
	s10 =	ssub.s32 s29, s12  }
0xb: {  	s13 =	sadd.s32 s30, s2;
	s12 =	sor.u32 $0x1C02, s31;
	s11 =	sadd.s32 s8, s6  }
0xc: {  	s9 =	sshrl.u32 s9, $0x3;
	s7 =	sadd.s32 s7, s8;
	s13 =	sshrl.u32 s13, $0x3  }
0xd: {  	s9 =	sadd.s32 s9, s6;
	s6 =	sadd.s32 $0x7EA00, s11;
	s11 =	simm.s32 $0x2800  }
0xe: {  	s8 =	sadd.s32 $0x88A00, s9;
	s9 =	smax.u32 s10, $0x1;
	s10 =	simm.s32 $0x2  }
.LBB2_1:
0xf: {  	[tilespmem:s3], [sflag:$0x2] =	stream.linear.gather [hbm4b:s6+s3], $0x2800, $0x38;
	[tilespmem:$0x1D000] =	vst v63  }
0x10: {  	_ =	swait.ge [sflag:s10], $0x2800  }
0x11: {  	[sflag:s10] =	ssyncset.done $0x0  }
0x12: {  	[sflag:s10] =	ssyncadd.s32 $0xFFFFD800  }
0x13: {  	[tilespmem:s11], [sflag:$0x2] =	stream.linear.gather [hbm4b:s7+s3], $0x2800, $0x38;
	[tilespmem:$0x1D000] =	vst v63  }
0x14: {  	_ =	swait.ge [sflag:s10], $0x2800  }
0x15: {  	[sflag:s10] =	ssyncset.done $0x0  }
0x16: {  	[sflag:s10] =	ssyncadd.s32 $0xFFFFD800  }
0x17: {  	[spmem:s13], [sflag:s12] =	dma.local [hbm:s5], $0x2800  }
0x18: {  	_ =	swait.ge [sflag:s10], $0x2800  }
0x19: {  	[sflag:s10] =	ssyncset.done $0x0  }
0x1a: {  	[sflag:s10] =	ssyncadd.s32 $0xFFFFD800  }
0x1b: {  	s18 =	simm.s32 $0x0;
	[bflag:$0x0] =	sbarrier.arrive $0xFFFF  }
0x1c: {  	[tilespmem:s15], [sflag:$0x1] =	stream.indirect.gather [hbm4b:s4+s14], $0x80, s18, s14, $0xb8;
	[tilespmem:$0x1D000] =	vst v63  }
0x1d: {  	_ =	swait.ge [sflag:s16], $0x4000  }
0x1e: {  	[sflag:s16] =	ssyncset.done $0x0  }
0x1f: {  	s31 =	simm.s32 $0x2800;
	[sflag:s16] =	ssyncadd.s32 $0xFFFFC000  }
0x20: {  	[spmem:s2] =	stream.indirect.scatter.add.f32 [tilespmem:s15], [sflag:$0x2], $0x80, s31, s14, $0xb8;
	[tilespmem:$0x1D000] =	vst v63  }
0x21: {  	_ =	swait.ge [sflag:s10], $0x4000  }
0x22: {  	s19 =	simm.s32 $0x400;
	s18 =	simm.s32 $0x200;
	[sflag:s10] =	ssyncset.done $0x0  }
.LBB2_2:
0x23: {  	s20 =	sshra.s32 s18, $0x2  }
0x24: {  	[sflag:s10] =	ssyncadd.s32 $0xFFFFC000;
	s18 =	smov.u32 s19;
	s21 =	sadd.s32 $0x200, s19  }
0x25: {  	[tilespmem:s15], [sflag:$0x1] =	stream.indirect.gather [hbm4b:s4+s14], $0x80, s20, s14, $0xb8;
	[tilespmem:$0x1D000] =	vst v63  }
0x26: {  	p0 =	sne.s32 s19, $0x9E00;
	_ =	swait.ge [sflag:s16], $0x4000  }
.Ltmp0:
0x27: {  	[sflag:s16] =	ssyncset.done $0x0;
	(pc) =	sbr.rel @p0 .LBB2_2-.Ltmp0, $4  }
0x28: {  	s19 =	sadd.s32 $0x2800, s20;
	[sflag:s16] =	ssyncadd.s32 $0xFFFFC000  }
0x29: {  	[spmem:s2] =	stream.indirect.scatter.add.f32 [tilespmem:s15], [sflag:$0x2], $0x80, s19, s14, $0xb8;
	[tilespmem:$0x1D000] =	vst v63  }
0x2a: {  	_ =	swait.ge [sflag:s10], $0x4000  }
0x2b: {  	s19 =	smov.u32 s21;
	[sflag:s10] =	ssyncset.done $0x0  }
0x2c: {  	s18 =	sshra.s32 s18, $0x2;
	[sflag:s10] =	ssyncadd.s32 $0xFFFFC000  }
0x2d: {  	[tilespmem:s15], [sflag:$0x1] =	stream.indirect.gather [hbm4b:s4+s14], $0x80, s18, s14, $0xb8;
	[tilespmem:$0x1D000] =	vst v63  }
0x2e: {  	_ =	swait.ge [sflag:s16], $0x4000  }
0x2f: {  	[sflag:s16] =	ssyncset.done $0x0  }
0x30: {  	s18 =	sadd.s32 $0x2800, s18;
	[sflag:s16] =	ssyncadd.s32 $0xFFFFC000  }
0x31: {  	[spmem:s2] =	stream.indirect.scatter.add.f32 [tilespmem:s15], [sflag:$0x2], $0x80, s18, s14, $0xb8;
	[tilespmem:$0x1D000] =	vst v63  }
0x32: {  	_ =	swait.ge [sflag:s10], $0x4000  }
0x33: {  	s17 =	sadd.s32 $0x1, s17;
	[sflag:s10] =	ssyncset.done $0x0  }
0x34: {  	p0 =	sne.s32 s17, s9;
	[sflag:s10] =	ssyncadd.s32 $0xFFFFC000  }
.Ltmp1:
0x35: {  	[bflag:$0x0] =	sbarrier.arrive $0xFFFF;
	(pc) =	sbr.rel @p0 .LBB2_1-.Ltmp1, $4  }
0x36: {  	[hbm:s8], [sflag:s12] =	dma.local [spmem:s13], $0x2800  }
0x37: {  	_ =	swait.ge [sflag:s10], $0x2800  }
0x38: {  	[sflag:s10] =	ssyncset.done $0x0  }
0x39: {  	[sflag:s10] =	ssyncadd.s32 $0xFFFFD800  }
0x3a: {  	_ =	sfence.sel $0x180000  }
0x3b: {  	[bflag:$0x0] =	sbarrier.arrive $0xFFFF  }
0x3c: {  	p0 =	sne.s32 s0, $0x0;
	_ =	strace $0x90000056  }
0x3d: {  	s0 =	sadd.s32 @!p0 $0x100000, s1;
	[bflag:$0x2] =	sbarrier.arrive $0xFFFF  }
0x3e: {  	[sflag:s0] =	ssyncadd.tile.s32 @!p0 $0x1;
	_ =	shalt  }
.Lfunc_end2:
_tile_overlayer_lowered:
.L_overlay_start_2:
0x3f: {  	(tag) =	ssettag $0x2  }
0x40: {  	s0 =	rddreg [dreg:$0x0];
	s2 =	stileid.u32  }
0x41: {  	s1 =	rddreg [dreg:$0x1];
	p0 =	sne.s32 s2, $0x0  }
0x42: {  	s3 =	rddreg [dreg:$0x2];
	[bflag:$0x3] =	sbarrier.arrive $0xFFFF;
	s2 =	simm.s32 @!p0 $0x1C02  }
0x43: {  	[timem:s3], [sflag:s2] =	dma.local @!p0 [hbm:s0], s1  }
0x44: {  	s0 =	simm.s32 @!p0 $0x2  }
0x45: {  	_ =	swait.ge @!p0 [sflag:s0], s1  }
0x46: {  	s1 =	ssub.s32 @!p0 $0x0, s1;
	[sflag:s0] =	ssyncset.done @!p0 $0x0  }
0x47: {  	[sflag:s0] =	ssyncadd.s32 @!p0 s1  }
0x48: {  	[bflag:$0x3] =	sbarrier.arrive $0xFFFF  }
0x49: {  	_ =	shalt  }

// kernel: kernel.32.cloned.1.call-start
scs
__scs_entry_jumppad:
0x0: {  	(pc) =	sbr.rel $0x88, $3  }
0x1: {  	(tag) =	ssettag $0x0;
	lr =	simm.s32 $0x1  }
0x2: {  	[smem:$0x3F9B] =	sst lr;
	_ =	strace $0xD0000000  }
0x3: {  	_ = 	snop  }
0x4: {  	_ = 	snop  }
0x5: {  	_ = 	snop  }
0x6: {  	_ = 	snop  }
0x7: {  	_ = 	snop  }
__scs_overlays_trampoline_lowered:
0x8: {  	[smem:$0x3FAA] =	sst s0  }
0x9: {  	[smem:$0x3FAB] =	sst s1  }
0xa: {  	[smem:$0x3FAC] =	sst s2  }
0xb: {  	[smem:$0x3FAD] =	sst s3  }
0xc: {  	[smem:$0x3FAE] =	sst s4  }
0xd: {  	[smem:$0x3FAF] =	sst s5  }
0xe: {  	[smem:$0x3FB0] =	sst s6  }
0xf: {  	[smem:$0x3FB1] =	sst s7  }
0x10: {  	[smem:$0x3FB2] =	sst s8  }
0x11: {  	[smem:$0x3FB3] =	sst s9;
	s0 =	simm.s32 @!p0 $0x0  }
0x12: {  	s1 =	sld [smem:$0x3F99];
	s0 =	simm.s32 @p0 $0x1  }
0x13: {  	[smem:$0x3FB4] =	sst s0;
	s0 =	simm.s32 @!p1 $0x0  }
0x14: {  	s2 =	sld [smem:$0x3F98];
	s0 =	simm.s32 @p1 $0x1  }
0x15: {  	[smem:$0x3FB5] =	sst s0;
	s0 =	simm.s32 @!p2 $0x0  }
0x16: {  	s3 =	sld [smem:$0x3FDB];
	s0 =	simm.s32 @p2 $0x1  }
0x17: {  	s4 =	simm.s32 $0x1BF5;
	[smem:$0x3FB7] =	sst s0  }
0x18: {  	s0 =	sld [smem:$0x3F9A];
	_ =	swait.ge [sflag:s4], $0x0  }
0x19: {  	s7 =	sld [smem:$0x3F9B]  }
0x1a: {  	s8 =	sadd.s32 $0xFFFFE003, lr  }
0x1b: {  	s9 =	sadd.s32 $0xFFFFFEF7, lr;
	s5 =	simm.s32 $0xFFFFFFFF;
	p2 =	slt.u32 s8, $0xFFFFF086  }
0x1c: {  	p1 =	slt.u32 s9, $0xF7A;
	s5 =	simm.s32 @!p2 $0x0  }
0x1d: {  	s5 =	simm.s32 @p1 $0x1;
	p0 =	seq.s32 s7, s2  }
0x1e: {  	s7 =	smul.u32 @!p0 $0xF7A, s2;
	p2 =	seq.s32 @!p0 s5, $0x0  }
0x1f: {  	s9 =	smul.u32 $0xF7A, s1;
	s8 =	simm.s32 @!p0 $0x1BF5;
	p2 =	por !p2, p0  }
0x20: {  	[sflag:s8] =	ssyncset.s32 @!p0 $0xFFFFF086;
	s6 =	sadd.s32 @!p0 s3, s7;
	s7 =	simm.s32 @!p0 $0x108  }
0x21: {  	s3 =	sadd.s32 s3, s9;
	s6 =	sadd.s32 @!p0 $0x88, s6;
	s7 =	simm.s32 @p2 $0x1082  }
0x22: {  	[simem:s7], [sflag:s8] =	dma.local @!p0 [hbm:s6], $0xF7A  }
0x23: {  	s9 =	sor.u32 $0xD0000000, s2;
	s6 =	simm.s32 $0x108;
	_ =	swait.ge @!p0 [sflag:s8], $0x0  }
0x24: {  	s3 =	sadd.s32 $0x88, s3;
	s6 =	simm.s32 @!p1 $0x1082;
	[sflag:s4] =	ssyncset.s32 $0xFFFFF086  }
0x25: {  	[simem:s6], [sflag:s4] =	dma.local [hbm:s3], $0xF7A  }
0x26: {  	[smem:$0x3F9B] =	sst s1;
	(tag) =	ssettag s2;
	_ =	strace s9  }
0x27: {  	s1 =	sld [smem:$0x3FAB]  }
0x28: {  	s2 =	sld [smem:$0x3FAC]  }
0x29: {  	s4 =	sld [smem:$0x3FAE]  }
0x2a: {  	p0 =	seq.s32 s5, $0x0;
	s5 =	sld [smem:$0x3FAF]  }
0x2b: {  	s6 =	sld [smem:$0x3FB0]  }
0x2c: {  	s7 =	sld [smem:$0x3FB1]  }
0x2d: {  	s3 =	simm.s32 $0x108;
	s8 =	sld [smem:$0x3FB2]  }
0x2e: {  	s3 =	simm.s32 @!p0 $0x1082;
	s9 =	sld [smem:$0x3FB3]  }
0x2f: {  	lr =	sadd.s32 s0, s3;
	s0 =	sld [smem:$0x3FAA]  }
0x30: {  	s3 =	sld [smem:$0x3FAD]  }
0x31: {  	[smem:$0x3FB6] =	sst s10  }
0x32: {  	s10 =	sld [smem:$0x3FB4];
	_ =	sdelay $0x3  }
0x33: {  	p0 =	seq.s32 s10, $0x1;
	s10 =	sld [smem:$0x3FB6];
	_ =	sdelay $0x3  }
0x34: {  	[smem:$0x3FB6] =	sst s10  }
0x35: {  	s10 =	sld [smem:$0x3FB5];
	_ =	sdelay $0x3  }
0x36: {  	p1 =	seq.s32 s10, $0x1;
	s10 =	sld [smem:$0x3FB6];
	_ =	sdelay $0x3  }
0x37: {  	[smem:$0x3FB6] =	sst s10  }
0x38: {  	s10 =	sld [smem:$0x3FB7]  }
0x39: {  	_ = 	snop;
	(pc) =	sbr.ind lr, $3  }
0x3a: {  	_ = 	snop  }
0x3b: {  	_ = 	snop  }
0x3c: {  	p2 =	seq.s32 s10, $0x1;
	s10 =	sld [smem:$0x3FB6]  }
0x3d: {  	_ =	shalt  }
0x3e: {  	_ =	shalt  }
0x3f: {  	_ =	shalt  }
0x40: {  	_ =	shalt  }
0x41: {  	_ =	shalt  }
0x42: {  	_ =	shalt  }
0x43: {  	_ =	shalt  }
0x44: {  	_ =	shalt  }
0x45: {  	_ =	shalt  }
0x46: {  	_ =	shalt  }
0x47: {  	_ =	shalt  }
0x48: {  	_ =	shalt  }
0x49: {  	_ =	shalt  }
0x4a: {  	_ =	shalt  }
0x4b: {  	_ =	shalt  }
0x4c: {  	_ =	shalt  }
0x4d: {  	_ =	shalt  }
0x4e: {  	_ =	shalt  }
0x4f: {  	_ =	shalt  }
0x50: {  	_ =	shalt  }
0x51: {  	_ =	shalt  }
0x52: {  	_ =	shalt  }
0x53: {  	_ =	shalt  }
0x54: {  	_ =	shalt  }
0x55: {  	_ =	shalt  }
0x56: {  	_ =	shalt  }
0x57: {  	_ =	shalt  }
0x58: {  	_ =	shalt  }
0x59: {  	_ =	shalt  }
0x5a: {  	_ =	shalt  }
0x5b: {  	_ =	shalt  }
0x5c: {  	_ =	shalt  }
0x5d: {  	_ =	shalt  }
0x5e: {  	_ =	shalt  }
0x5f: {  	_ =	shalt  }
0x60: {  	_ =	shalt  }
0x61: {  	_ =	shalt  }
0x62: {  	_ =	shalt  }
0x63: {  	_ =	shalt  }
0x64: {  	_ =	shalt  }
0x65: {  	_ =	shalt  }
0x66: {  	_ =	shalt  }
0x67: {  	_ =	shalt  }
0x68: {  	_ =	shalt  }
0x69: {  	_ =	shalt  }
0x6a: {  	_ =	shalt  }
0x6b: {  	_ =	shalt  }
0x6c: {  	_ =	shalt  }
0x6d: {  	_ =	shalt  }
0x6e: {  	_ =	shalt  }
0x6f: {  	_ =	shalt  }
0x70: {  	_ =	shalt  }
0x71: {  	_ =	shalt  }
0x72: {  	_ =	shalt  }
0x73: {  	_ =	shalt  }
0x74: {  	_ =	shalt  }
0x75: {  	_ =	shalt  }
0x76: {  	_ =	shalt  }
0x77: {  	_ =	shalt  }
0x78: {  	_ =	shalt  }
0x79: {  	_ =	shalt  }
0x7a: {  	_ =	shalt  }
0x7b: {  	_ =	shalt  }
0x7c: {  	_ =	shalt  }
0x7d: {  	_ =	shalt  }
0x7e: {  	_ =	shalt  }
0x7f: {  	_ =	shalt  }
0x80: {  	_ =	shalt  }
0x81: {  	_ =	shalt  }
0x82: {  	_ =	shalt  }
0x83: {  	_ =	shalt  }
0x84: {  	_ =	shalt  }
0x85: {  	_ =	shalt  }
0x86: {  	_ =	shalt  }
0x87: {  	_ =	shalt  }
.Lfunc_end0:
.L_simem_size_0:
called_computation.6_lowered:
.L_overlay_start_0:
0x88: {  	s2 =	sld [smem:$0x3FD9]  }
0x89: {  	s3 =	sld [smem:$0x3FFE];
	_ =	sdelay $0x1  }
0x8a: {  	s1 =	srdreg.scid  }
0x8b: {  	s0 =	sand.u32 $0x1, s1  }
0x8c: {  	s17 =	sshll.u32 s0, $0xA;
	s2 =	sadd.s32 s3, s2  }
0x8d: {  	s2 =	sadd.s32 s2, s17  }
0x8e: {  	[smem:$0x3FC2] =	sst s2  }
0x8f: {  	_ = 	snop  }
0x90: {  	s2 =	sld [smem:$0x3FD0];
	(tm) =	ssettm $0x1  }
0x91: {  	s18 =	sld [smem:$0x3FFB];
	_ =	sdelay $0x3  }
0x92: {  	_ =	strace s18  }
0x93: {  	s3 =	sld [smem:$0x3FFC];
	_ =	sdelay $0x3  }
0x94: {  	_ =	strace s3  }
0x95: {  	s3 =	sld [smem:$0x3FFD];
	_ =	sdelay $0x3  }
0x96: {  	_ =	strace s3  }
0x97: {  	_ =	strace $0x8FFFFFFF  }
0x98: {  	s19 =	sld [smem:$0x3FDB];
	_ =	sdelay $0x1  }
0x99: {  	s4 =	simm.s32 $_scs_section_size  }
0x9a: {  	s5 =	simm.s32 $_size__tile_overlayer_lowered;
	s6 =	simm.s32 $_tile_overlayer_lowered  }
0x9b: {  	s22 =	simm.s32 $0x1BFF;
	s21 =	sshll.u32 s6, $0x1;
	s3 =	sadd.s32 s4, s19  }
0x9c: {  	s7 =	simm.s32 $0x0;
	s20 =	sshll.u32 s5, $0x1;
	s5 =	sadd.s32 s21, s3  }
0x9d: {  	[timem:s7], [sflag:s22] =	dma.local [hbm:s5], s20  }
0x9e: {  	_ =	swait.ge [sflag:s22], s20  }
0x9f: {  	s4 =	ssub.s32 $0x0, s20;
	[sflag:s22] =	ssyncset.done $0x0  }
0xa0: {  	[sflag:s22] =	ssyncadd.s32 s4;
	_ =	sdelay $0x1  }
0xa1: {  	s23 =	simm.s32 $0x1B8B  }
0xa2: {  	_ =	swait.ge [sflag:s23], $0x1  }
0xa3: {  	[sflag:s23] =	ssyncset.done $0x0  }
0xa4: {  	s25 =	simm.s32 $0x1B8E;
	s24 =	sld [smem:$0x3FFE];
	[sflag:s23] =	ssyncadd.s32 $0xFFFFFFFF  }
0xa5: {  	s26 =	simm.s32 $execute0_lowered;
	[smem:$0x3FD2] =	sst s25  }
0xa6: {  	s5 =	sshll.u32 s26, $0x1;
	_ =	strace $0x80000058;
	[dreg:$0x1] =	wrdreg $0xFFFFFFFF  }
0xa7: {  	s28 =	simm.s32 $_size_execute0_lowered;
	s3 =	sadd.s32 s3, s5;
	[dreg:$0x0] =	wrdreg $0x0  }
0xa8: {  	s5 =	sshll.u32 s28, $0x1;
	[dreg:$0x2] =	wrdreg s3  }
0xa9: {  	[dreg:$0x3] =	wrdreg s5  }
0xaa: {  	[dreg:$0x4] =	wrdreg $0xC0  }
0xab: {  	_ =	task [dreg:s7], $0x5FFFF  }
0xac: {  	[dreg:$0x1] =	wrdreg $0xFFFFFFFF  }
0xad: {  	[dreg:$0x0] =	wrdreg $0x60  }
0xae: {  	[dreg:$0x2] =	wrdreg s24  }
0xaf: {  	[dreg:$0x3] =	wrdreg s2  }
0xb0: {  	[dreg:$0x4] =	wrdreg $0x90000  }
0xb1: {  	[dreg:$0x5] =	wrdreg $0x9  }
0xb2: {  	_ =	task.clear_ibuf [dreg:s7], $0x6FFFF;
	_ =	strace $0x90000058  }
0xb3: {  	s29 =	simm.s32 $0x9;
	_ =	strace $0x8000005A  }
0xb4: {  	_ =	swait.ge [sflag:s29], $0x1  }
0xb5: {  	[sflag:s29] =	ssyncadd.s32 $0xFFFFFFFF  }
0xb6: {  	_ =	strace $0x9000005A  }
0xb7: {  	_ =	sfence  }
0xb8: {  	s30 =	sld [smem:$0x0];
	_ =	sdelay $0x2  }
0xb9: {  	s31 =	sshll.u32 s1, $0xD;
	s1 =	sshrl.u32 s1, $0x2  }
0xba: {  	s3 =	sand.u32 $0x4000, s31;
	s1 =	sadd.s32 s1, s30  }
0xbb: {  	s0 =	sor.u32 s3, s0;
	s1 =	sshll.u32 s1, $0x11  }
0xbc: {  	s0 =	sor.u32 s1, s0  }
0xbd: {  	s0 =	sadd.s32 $0x8F2B, s0  }
0xbe: {  	[sflag:s0] =	ssyncadd.remote.s32 $0x1  }
0xbf: {  	_ =	sfence.sel $0xFFFF  }
0xc0: {  	[dreg:$0x0] =	wrdreg $0xFFFFFFFF;
	(pc) =	sbr.abs _section_cstart, $3  }
0xc1: {  	[dreg:$0x1] =	wrdreg $0xFFFFFFFF  }
0xc2: {  	_ =	task.clear_ibuf [dreg:s7], $0x2FFFF;
	_ =	strace $0x9FFFFFFF  }
0xc3: {  	(tm) =	ssettm $0x7FFFFFFF  }
tec
execute0_lowered:
.L_overlay_start_1:
0x0: {  	(tag) =	ssettag $0x1  }
0x1: {  	s1 =	srdreg.scid;
	s6 =	rddreg [dreg:$0x0]  }
0x2: {  	s0 =	stileid.u32;
	s7 =	rddreg [dreg:$0x1]  }
0x3: {  	s2 =	rddreg [dreg:$0x2];
	s3 =	simm.s32 $0x0;
	s14 =	simm.s32 $0x80  }
0x4: {  	s15 =	simm.s32 $0x5000;
	s16 =	simm.s32 $0x1;
	s17 =	simm.s32 $0x0  }
0x5: {  	s5 =	sand.u32 $0x1, s1;
	s28 =	sshll.u32 s0, $0x1;
	s10 =	smul.u32 $0x14000, s0  }
0x6: {  	[smem:$0x7FF] =	sst s3;
	s4 =	sadd.s32 $0x3200, s6;
	s13 =	smul.u32 $0x50000, s0  }
0x7: {  	s31 =	sshll.u32 s0, $0x6;
	s1 =	sor.u32 s5, s28;
	s9 =	smul.u32 $0x140000, s5  }
0x8: {  	s29 =	ssub.s32 $0x2, s5;
	s5 =	sadd.s32 $0x2BA00, s6;
	s8 =	smul.u32 $0x500, s1  }
0x9: {  	s1 =	rddreg [dreg:$0x3];
	_ =	strace $0x80000059;
	s12 =	sshrl.u32 s29, $0x1  }
0xa: {  	s30 =	sshrl.u32 s13, $0x2;
	s9 =	sadd.s32 s10, s9;
	s10 =	ssub.s32 s29, s12  }
0xb: {  	s13 =	sadd.s32 s30, s2;
	s12 =	sor.u32 $0x1C02, s31;
	s11 =	sadd.s32 s8, s6  }
0xc: {  	s9 =	sshrl.u32 s9, $0x3;
	s7 =	sadd.s32 s7, s8;
	s13 =	sshrl.u32 s13, $0x3  }
0xd: {  	s9 =	sadd.s32 s9, s6;
	s6 =	sadd.s32 $0x7EA00, s11;
	s11 =	simm.s32 $0x2800  }
0xe: {  	s8 =	sadd.s32 $0x88A00, s9;
	s9 =	smax.u32 s10, $0x1;
	s10 =	simm.s32 $0x2  }
.LBB2_1:
0xf: {  	[tilespmem:s3], [sflag:$0x2] =	stream.linear.gather [hbm4b:s6+s3], $0x2800, $0x38;
	[tilespmem:$0x1D000] =	vst v63  }
0x10: {  	_ =	swait.ge [sflag:s10], $0x2800  }
0x11: {  	[sflag:s10] =	ssyncset.done $0x0  }
0x12: {  	[sflag:s10] =	ssyncadd.s32 $0xFFFFD800  }
0x13: {  	[tilespmem:s11], [sflag:$0x2] =	stream.linear.gather [hbm4b:s7+s3], $0x2800, $0x38;
	[tilespmem:$0x1D000] =	vst v63  }
0x14: {  	_ =	swait.ge [sflag:s10], $0x2800  }
0x15: {  	[sflag:s10] =	ssyncset.done $0x0  }
0x16: {  	[sflag:s10] =	ssyncadd.s32 $0xFFFFD800  }
0x17: {  	[spmem:s13], [sflag:s12] =	dma.local [hbm:s5], $0x2800  }
0x18: {  	_ =	swait.ge [sflag:s10], $0x2800  }
0x19: {  	[sflag:s10] =	ssyncset.done $0x0  }
0x1a: {  	[sflag:s10] =	ssyncadd.s32 $0xFFFFD800  }
0x1b: {  	s18 =	simm.s32 $0x0;
	[bflag:$0x0] =	sbarrier.arrive $0xFFFF  }
0x1c: {  	[tilespmem:s15], [sflag:$0x1] =	stream.indirect.gather [hbm4b:s4+s14], $0x80, s18, s14, $0xb8;
	[tilespmem:$0x1D000] =	vst v63  }
0x1d: {  	_ =	swait.ge [sflag:s16], $0x4000  }
0x1e: {  	[sflag:s16] =	ssyncset.done $0x0  }
0x1f: {  	s31 =	simm.s32 $0x2800;
	[sflag:s16] =	ssyncadd.s32 $0xFFFFC000  }
0x20: {  	[spmem:s2] =	stream.indirect.scatter.add.f32 [tilespmem:s15], [sflag:$0x2], $0x80, s31, s14, $0xb8;
	[tilespmem:$0x1D000] =	vst v63  }
0x21: {  	_ =	swait.ge [sflag:s10], $0x4000  }
0x22: {  	s19 =	simm.s32 $0x400;
	s18 =	simm.s32 $0x200;
	[sflag:s10] =	ssyncset.done $0x0  }
.LBB2_2:
0x23: {  	s20 =	sshra.s32 s18, $0x2  }
0x24: {  	[sflag:s10] =	ssyncadd.s32 $0xFFFFC000;
	s18 =	smov.u32 s19;
	s21 =	sadd.s32 $0x200, s19  }
0x25: {  	[tilespmem:s15], [sflag:$0x1] =	stream.indirect.gather [hbm4b:s4+s14], $0x80, s20, s14, $0xb8;
	[tilespmem:$0x1D000] =	vst v63  }
0x26: {  	p0 =	sne.s32 s19, $0x9E00;
	_ =	swait.ge [sflag:s16], $0x4000  }
.Ltmp0:
0x27: {  	[sflag:s16] =	ssyncset.done $0x0;
	(pc) =	sbr.rel @p0 .LBB2_2-.Ltmp0, $4  }
0x28: {  	s19 =	sadd.s32 $0x2800, s20;
	[sflag:s16] =	ssyncadd.s32 $0xFFFFC000  }
0x29: {  	[spmem:s2] =	stream.indirect.scatter.add.f32 [tilespmem:s15], [sflag:$0x2], $0x80, s19, s14, $0xb8;
	[tilespmem:$0x1D000] =	vst v63  }
0x2a: {  	_ =	swait.ge [sflag:s10], $0x4000  }
0x2b: {  	s19 =	smov.u32 s21;
	[sflag:s10] =	ssyncset.done $0x0  }
0x2c: {  	s18 =	sshra.s32 s18, $0x2;
	[sflag:s10] =	ssyncadd.s32 $0xFFFFC000  }
0x2d: {  	[tilespmem:s15], [sflag:$0x1] =	stream.indirect.gather [hbm4b:s4+s14], $0x80, s18, s14, $0xb8;
	[tilespmem:$0x1D000] =	vst v63  }
0x2e: {  	_ =	swait.ge [sflag:s16], $0x4000  }
0x2f: {  	[sflag:s16] =	ssyncset.done $0x0  }
0x30: {  	s18 =	sadd.s32 $0x2800, s18;
	[sflag:s16] =	ssyncadd.s32 $0xFFFFC000  }
0x31: {  	[spmem:s2] =	stream.indirect.scatter.add.f32 [tilespmem:s15], [sflag:$0x2], $0x80, s18, s14, $0xb8;
	[tilespmem:$0x1D000] =	vst v63  }
0x32: {  	_ =	swait.ge [sflag:s10], $0x4000  }
0x33: {  	s17 =	sadd.s32 $0x1, s17;
	[sflag:s10] =	ssyncset.done $0x0  }
0x34: {  	p0 =	sne.s32 s17, s9;
	[sflag:s10] =	ssyncadd.s32 $0xFFFFC000  }
.Ltmp1:
0x35: {  	[bflag:$0x0] =	sbarrier.arrive $0xFFFF;
	(pc) =	sbr.rel @p0 .LBB2_1-.Ltmp1, $4  }
0x36: {  	[hbm:s8], [sflag:s12] =	dma.local [spmem:s13], $0x2800  }
0x37: {  	_ =	swait.ge [sflag:s10], $0x2800  }
0x38: {  	[sflag:s10] =	ssyncset.done $0x0  }
0x39: {  	[sflag:s10] =	ssyncadd.s32 $0xFFFFD800  }
0x3a: {  	_ =	sfence.sel $0x180000  }
0x3b: {  	[bflag:$0x0] =	sbarrier.arrive $0xFFFF  }
0x3c: {  	p0 =	sne.s32 s0, $0x0;
	_ =	strace $0x90000059  }
0x3d: {  	s0 =	sadd.s32 @!p0 $0x100000, s1;
	[bflag:$0x2] =	sbarrier.arrive $0xFFFF  }
0x3e: {  	[sflag:s0] =	ssyncadd.tile.s32 @!p0 $0x1;
	_ =	shalt  }
.Lfunc_end2:
_tile_overlayer_lowered:
.L_overlay_start_2:
0x3f: {  	(tag) =	ssettag $0x2  }
0x40: {  	s0 =	rddreg [dreg:$0x0];
	s2 =	stileid.u32  }
0x41: {  	s1 =	rddreg [dreg:$0x1];
	p0 =	sne.s32 s2, $0x0  }
0x42: {  	s3 =	rddreg [dreg:$0x2];
	[bflag:$0x3] =	sbarrier.arrive $0xFFFF;
	s2 =	simm.s32 @!p0 $0x1C02  }
0x43: {  	[timem:s3], [sflag:s2] =	dma.local @!p0 [hbm:s0], s1  }
0x44: {  	s0 =	simm.s32 @!p0 $0x2  }
0x45: {  	_ =	swait.ge @!p0 [sflag:s0], s1  }
0x46: {  	s1 =	ssub.s32 @!p0 $0x0, s1;
	[sflag:s0] =	ssyncset.done @!p0 $0x0  }
0x47: {  	[sflag:s0] =	ssyncadd.s32 @!p0 s1  }
0x48: {  	[bflag:$0x3] =	sbarrier.arrive $0xFFFF  }
0x49: {  	_ =	shalt  }

</sc_bundles>
